<compile_context>
chip_gen: v7x
topology: tpu7x:2x2x1
jax: 0.10.2.dev20260603
libtpu: 0.0.44.dev20260713+nightly
codegen_flags: <defaults>
</compile_context>

<pallas_src>
import functools

import jax
import jax.numpy as jnp
from jax import lax
from jax.experimental import pallas as pl
from jax.experimental.pallas import tpu as pltpu
from jax.experimental.pallas import tpu_sc as plsc

NC = 2
NS = 16
NW = NC * NS
RAYS = 65536
SAMPLES = 256
RPW = RAYS // NW
CR = 16
CHUNKS = RPW // CR
NPAIRS = CHUNKS // 2
CI = CR * SAMPLES
KROWS = CI // 128
ROWS_PER_WORKER = RPW * SAMPLES // 128

_FLIP_MASK = 255 << 16


def _sc_sums(vol_flat, idxs2d, step_flat):
    mesh = plsc.VectorSubcoreMesh(core_axis_name="c", subcore_axis_name="s")

    @functools.partial(
        pl.kernel,
        mesh=mesh,
        out_type=jax.ShapeDtypeStruct((RAYS,), jnp.float32),
        scratch_types=[
            pltpu.VMEM((KROWS, 128), jnp.int32),
            pltpu.VMEM((KROWS, 128), jnp.int32),
            pltpu.VMEM((KROWS, 128), jnp.float32),
            pltpu.VMEM((KROWS, 128), jnp.float32),
            pltpu.VMEM((CI,), jnp.float32),
            pltpu.VMEM((CI,), jnp.float32),
            pltpu.VMEM((RPW,), jnp.float32),
            pltpu.SemaphoreType.DMA,
            pltpu.SemaphoreType.DMA,
            pltpu.SemaphoreType.DMA,
        ],
    )
    def k(vol_hbm, idx_hbm, step_hbm, out_hbm,
          tidx0, tidx1, gbuf0, gbuf1, step0, step1, outbuf,
          sem_in, sem_g0, sem_g1):
        wid = lax.axis_index("s") * NC + lax.axis_index("c")
        ray0 = wid * RPW
        row0 = wid * ROWS_PER_WORKER
        lanes = lax.iota(jnp.int32, 16)
        perms = [lanes ^ st for st in (1, 2, 4, 8)]

        def start_in(c, tidx, stepb):
            pltpu.async_copy(
                idx_hbm.at[pl.ds(row0 + c * KROWS, KROWS), :], tidx, sem_in)
            pltpu.async_copy(
                step_hbm.at[pl.ds((ray0 + c * CR) * SAMPLES, CI)], stepb,
                sem_in)

        def wait_in(c, tidx, stepb):
            pltpu.make_async_copy(
                idx_hbm.at[pl.ds(row0 + c * KROWS, KROWS), :], tidx,
                sem_in).wait()
            pltpu.make_async_copy(
                step_hbm.at[pl.ds((ray0 + c * CR) * SAMPLES, CI)], stepb,
                sem_in).wait()

        def transform(tidx):
            def trow(rw, _):
                for j in range(8):
                    sl = tidx[rw, pl.ds(j * 16, 16)]
                    tidx[rw, pl.ds(j * 16, 16)] = sl ^ _FLIP_MASK
                return 0

            lax.fori_loop(0, KROWS, trow, 0)

        def fire_g(tidx, gbuf, sem):
            def fire(jr, _):
                pltpu.async_copy(vol_hbm.at[tidx.at[jr]], gbuf.at[jr], sem)
                return 0

            lax.fori_loop(0, KROWS, fire, 0)

        def drain_g(tidx, gbuf, sem):
            def drain(jr, _):
                pltpu.make_async_copy(
                    vol_hbm.at[tidx.at[jr]], gbuf.at[jr], sem).wait()
                return 0

            lax.fori_loop(0, KROWS, drain, 0)

        def compute(c, gbuf, stepb):
            for grp in range(CR // 16):
                def ray_body(r, outvec, grp=grp):
                    rr = grp * 16 + r
                    acc = jnp.zeros((16,), jnp.float32)
                    for j in range(16):
                        row = 2 * rr + (1 if j >= 8 else 0)
                        col = (j % 8) * 16
                        g = gbuf[row, pl.ds(col, 16)]
                        s = stepb[pl.ds(rr * SAMPLES + j * 16, 16)]
                        acc = acc + g * s
                    for p in perms:
                        acc = acc + acc.at[p].get(mode="promise_in_bounds")
                    return jnp.where(lanes == r, acc, outvec)

                outvec = lax.fori_loop(
                    0, 16, ray_body, jnp.zeros((16,), jnp.float32))
                outbuf[pl.ds(c * CR + grp * 16, 16)] = outvec

        start_in(0, tidx0, step0)

        def pair_body(p, _):
            c0 = 2 * p
            c1 = c0 + 1
            wait_in(c0, tidx0, step0)
            transform(tidx0)
            fire_g(tidx0, gbuf0, sem_g0)

            @pl.when(p > 0)
            def _():
                drain_g(tidx1, gbuf1, sem_g1)
                compute(c0 - 1, gbuf1, step1)

            start_in(c1, tidx1, step1)
            wait_in(c1, tidx1, step1)
            transform(tidx1)
            fire_g(tidx1, gbuf1, sem_g1)
            drain_g(tidx0, gbuf0, sem_g0)
            compute(c0, gbuf0, step0)

            @pl.when(p < NPAIRS - 1)
            def _():
                start_in(c0 + 2, tidx0, step0)

            return 0

        lax.fori_loop(0, NPAIRS, pair_body, 0)
        drain_g(tidx1, gbuf1, sem_g1)
        compute(CHUNKS - 1, gbuf1, step1)
        pltpu.sync_copy(outbuf, out_hbm.at[pl.ds(ray0, RPW)])

    return k(vol_flat, idxs2d, step_flat)


def _tc_finish(sums2d, t3, s3):
    def body(sum_ref, t_ref, s_ref, o_ref):
        d = t_ref[...] - s_ref[...] + jnp.float32(1e-8)
        rl = jnp.sqrt(jnp.sum(d * d, axis=0))
        o_ref[...] = sum_ref[...] * rl

    return pl.pallas_call(
        body,
        out_shape=jax.ShapeDtypeStruct((256, 256), jnp.float32),
    )(sums2d, t3, s3)


def kernel(volume, step_length, idxs, target, source):
    vol_flat = volume.reshape(-1)
    sums = _sc_sums(vol_flat, idxs.reshape(-1, 128), step_length.reshape(-1))
    t3 = target.T.reshape(3, 256, 256)
    s3 = source.T.reshape(3, 256, 256)
    out = _tc_finish(sums.reshape(256, 256), t3, s3)
    return out.reshape(1, 1, 256, 256)

# --- scband reference (transcript-rebuilt; emitter-appended) ---
"""Pipeline reference for scband-renderer-67834713473606 (READ-ONLY COPY).

The authoritative reference and input builder live on the scoring server;
editing this copy changes nothing except your own understanding.
"""

import jax, jax.numpy as jnp
import numpy as np

DRR_H = 256
DRR_W = 256

def setup_inputs(seed: int = 0) -> dict:
    key = jax.random.key(seed)
    k1, k2, k3, k4, k5 = jax.random.split(key, 5)
    volume = jax.random.uniform(k1, (1, 256, 256, 256), dtype=jnp.float32)
    step_length = jax.random.uniform(k2, (65536, 256), dtype=jnp.float32)
    idxs = jax.random.randint(k3, (65536, 256), 0, 16777216, dtype=jnp.int64 if jax.config.jax_enable_x64 else jnp.int32).astype(jnp.int32)
    target = jax.random.normal(k4, (65536, 3), dtype=jnp.float32)
    source = jax.random.normal(k5, (65536, 3), dtype=jnp.float32)
    return {"volume": volume, "step_length": step_length, "idxs": idxs, "target": target, "source": source}

def reference(volume, step_length, idxs, target, source):
    eps = 1e-08
    batch_size, H, W, D = volume.shape
    ele_all = H * W * D
    # replicate torch: concat per-batch offset indices along dim 0
    idxs_all = jnp.concatenate([idxs + i * ele_all for i in range(batch_size)], axis=0)
    flipped = jnp.flip(volume, axis=1)  # volume.flip([1])
    flat = flipped.reshape(-1)
    voxels = jnp.take(flat, idxs_all)  # torch.take semantics: flat gather
    weighted_voxels = voxels * step_length
    drr = jnp.sum(weighted_voxels, axis=-1)
    raylength = jnp.linalg.norm(target - source + eps, axis=-1)
    drr = drr * raylength
    return drr.reshape(-1, 1, DRR_H, DRR_W)

if __name__ == "__main__":
    import jax
    _d = setup_inputs()
    print(jax.jit(kernel)(*tuple(_d.values())))

</pallas_src>

<mosaic_0001>
#map = affine_map<(d0, d1) -> (0)>
#map1 = affine_map<(d0, d1) -> (0, 0)>
module attributes {stable_mosaic.version = 14 : i64} {
  func.func @k(%arg0: i32, %arg1: i32, %arg2: memref<16777216xf32, #tpu.memory_space<hbm>>, %arg3: memref<131072x128xi32, #tpu.memory_space<hbm>>, %arg4: memref<16777216xf32, #tpu.memory_space<hbm>>, %arg5: memref<65536xf32, #tpu.memory_space<hbm>>, %arg6: memref<32x128xi32, #tpu.memory_space<vmem>>, %arg7: memref<32x128xi32, #tpu.memory_space<vmem>>, %arg8: memref<32x128xf32, #tpu.memory_space<vmem>>, %arg9: memref<32x128xf32, #tpu.memory_space<vmem>>, %arg10: memref<4096xf32, #tpu.memory_space<vmem>>, %arg11: memref<4096xf32, #tpu.memory_space<vmem>>, %arg12: memref<2048xf32, #tpu.memory_space<vmem>>, %arg13: memref<!tpu.dma_semaphore, #tpu.memory_space<semaphore_mem>>, %arg14: memref<!tpu.dma_semaphore, #tpu.memory_space<semaphore_mem>>, %arg15: memref<!tpu.dma_semaphore, #tpu.memory_space<semaphore_mem>>) attributes {dimension_semantics = [#tpu.dimension_semantics<core_parallel>, #tpu.dimension_semantics<subcore_parallel>], iteration_bounds = array<i64: 2, 16>, scalar_prefetch = 0 : i64, scratch_operands = 10 : i64, tpu.core_type = #tpu.core_type<sc_vector_subcore>, window_params = [{transform_indices = #map}, {transform_indices = #map1}, {transform_indices = #map}, {transform_indices = #map}]} {
    %mul3A = arith.constant 2 : i32
    %mul3A_0 = arith.muli %arg1, %mul3A : i32
    %add3A = arith.addi %mul3A_0, %arg0 : i32
    %mul3A_1 = arith.constant 2048 : i32
    %mul3A_2 = arith.muli %add3A, %mul3A_1 : i32
    %mul3A_3 = arith.constant 4096 : i32
    %mul3A_4 = arith.muli %add3A, %mul3A_3 : i32
    %iota3A = tpu.iota {dimensions = array<i32: 0>} : vector<16xi32>
    %xor3A = arith.constant 1 : i32
    %xor3A_5 = vector.broadcast %xor3A : i32 to vector<16xi32>
    %xor3A_6 = arith.xori %iota3A, %xor3A_5 : vector<16xi32>
    %xor3A_7 = arith.constant 2 : i32
    %xor3A_8 = vector.broadcast %xor3A_7 : i32 to vector<16xi32>
    %xor3A_9 = arith.xori %iota3A, %xor3A_8 : vector<16xi32>
    %xor3A_10 = arith.constant 4 : i32
    %xor3A_11 = vector.broadcast %xor3A_10 : i32 to vector<16xi32>
    %xor3A_12 = arith.xori %iota3A, %xor3A_11 : vector<16xi32>
    %xor3A_13 = arith.constant 8 : i32
    %xor3A_14 = vector.broadcast %xor3A_13 : i32 to vector<16xi32>
    %xor3A_15 = arith.xori %iota3A, %xor3A_14 : vector<16xi32>
    %add3A_16 = arith.constant 0 : i32
    %add3A_17 = arith.addi %mul3A_4, %add3A_16 : i32
    %dma_start3A = arith.constant 0 : i32
    %dma_start3A_18 = tpu.memref_slice %arg3[%add3A_17, %dma_start3A] : memref<131072x128xi32, #tpu.memory_space<hbm>> -> memref<32x128xi32, #tpu.memory_space<hbm>>
    %dma_start3A_19 = arith.constant 0 : i32
    %dma_start3A_20 = tpu.memref_slice %arg3[%add3A_17, %dma_start3A_19] : memref<131072x128xi32, #tpu.memory_space<hbm>> -> memref<32x128xi32, #tpu.memory_space<hbm>>
    tpu.enqueue_dma source(%dma_start3A_20 : memref<32x128xi32, #tpu.memory_space<hbm>>) target(%arg6 : memref<32x128xi32, #tpu.memory_space<vmem>>) target_semaphore(%arg13 : memref<!tpu.dma_semaphore, #tpu.memory_space<semaphore_mem>>)
    %add3A_21 = arith.constant 0 : i32
    %add3A_22 = arith.addi %mul3A_2, %add3A_21 : i32
    %mul3A_23 = arith.constant 256 : i32
    %mul3A_24 = arith.muli %add3A_22, %mul3A_23 : i32
    %dma_start3A_25 = tpu.memref_slice %arg4[%mul3A_24] : memref<16777216xf32, #tpu.memory_space<hbm>> -> memref<4096xf32, #tpu.memory_space<hbm>>
    %dma_start3A_26 = tpu.memref_slice %arg4[%mul3A_24] : memref<16777216xf32, #tpu.memory_space<hbm>> -> memref<4096xf32, #tpu.memory_space<hbm>>
    tpu.enqueue_dma source(%dma_start3A_26 : memref<4096xf32, #tpu.memory_space<hbm>>) target(%arg10 : memref<4096xf32, #tpu.memory_space<vmem>>) target_semaphore(%arg13 : memref<!tpu.dma_semaphore, #tpu.memory_space<semaphore_mem>>)
    %scan3A = arith.constant 0 : i32
    %scan3A_27 = arith.constant 0 : i32
    %scan3A_28 = arith.constant 64 : i32
    %scan3A_29 = arith.addi %scan3A_27, %scan3A_28 : i32
    %scan3A_30 = arith.constant 1 : i32
    %scan3A_31 = scf.for %scan3A_50 = %scan3A_27 to %scan3A_29 step %scan3A_30 iter_args(%scan3A_51 = %scan3A) -> (i32)  : i32 {
      %mul3A_52 = arith.constant 2 : i32
      %mul3A_53 = arith.muli %mul3A_52, %scan3A_50 : i32
      %add3A_54 = arith.constant 1 : i32
      %add3A_55 = arith.addi %mul3A_53, %add3A_54 : i32
      %mul3A_56 = arith.constant 32 : i32
      %mul3A_57 = arith.muli %mul3A_53, %mul3A_56 : i32
      %add3A_58 = arith.addi %mul3A_4, %mul3A_57 : i32
      %dma_wait3A = arith.constant 0 : i32
      %dma_wait3A_59 = tpu.memref_slice %arg3[%add3A_58, %dma_wait3A] : memref<131072x128xi32, #tpu.memory_space<hbm>> -> memref<32x128xi32, #tpu.memory_space<hbm>>
      %dma_wait3A_60 = arith.constant 0 : i32
      %dma_wait3A_61 = tpu.memref_slice %arg3[%add3A_58, %dma_wait3A_60] : memref<131072x128xi32, #tpu.memory_space<hbm>> -> memref<32x128xi32, #tpu.memory_space<hbm>>
      tpu.wait_dma2 semaphore(%arg13 : memref<!tpu.dma_semaphore, #tpu.memory_space<semaphore_mem>>) src(%dma_wait3A_61 : memref<32x128xi32, #tpu.memory_space<hbm>>) dst(%arg6 : memref<32x128xi32, #tpu.memory_space<vmem>>)
      %mul3A_62 = arith.constant 16 : i32
      %mul3A_63 = arith.muli %mul3A_53, %mul3A_62 : i32
      %add3A_64 = arith.addi %mul3A_2, %mul3A_63 : i32
      %mul3A_65 = arith.constant 256 : i32
      %mul3A_66 = arith.muli %add3A_64, %mul3A_65 : i32
      %dma_wait3A_67 = tpu.memref_slice %arg4[%mul3A_66] : memref<16777216xf32, #tpu.memory_space<hbm>> -> memref<4096xf32, #tpu.memory_space<hbm>>
      %dma_wait3A_68 = tpu.memref_slice %arg4[%mul3A_66] : memref<16777216xf32, #tpu.memory_space<hbm>> -> memref<4096xf32, #tpu.memory_space<hbm>>
      tpu.wait_dma2 semaphore(%arg13 : memref<!tpu.dma_semaphore, #tpu.memory_space<semaphore_mem>>) src(%dma_wait3A_68 : memref<4096xf32, #tpu.memory_space<hbm>>) dst(%arg10 : memref<4096xf32, #tpu.memory_space<vmem>>)
      %scan3A_69 = arith.constant 0 : i32
      %scan3A_70 = arith.constant 0 : i32
      %scan3A_71 = arith.constant 32 : i32
      %scan3A_72 = arith.addi %scan3A_70, %scan3A_71 : i32
      %scan3A_73 = arith.constant 1 : i32
      %scan3A_74 = scf.for %scan3A_155 = %scan3A_70 to %scan3A_72 step %scan3A_73 iter_args(%scan3A_156 = %scan3A_69) -> (i32)  : i32 {
        %get3A = arith.index_cast %scan3A_155 : i32 to index
        %get3A_157 = arith.constant 0 : index
        %get3A_158 = tpu.vector_load %arg6[%get3A, %get3A_157] {strides = array<i32>} : memref<32x128xi32, #tpu.memory_space<vmem>>, vector<1x16xi32>,
        %get3A_159 = vector.shape_cast %get3A_158 : vector<1x16xi32> to vector<16xi32>
        %xor3A_160 = arith.constant 16711680 : i32
        %xor3A_161 = vector.broadcast %xor3A_160 : i32 to vector<16xi32>
        %xor3A_162 = arith.xori %get3A_159, %xor3A_161 : vector<16xi32>
        %swap3A_163 = arith.index_cast %scan3A_155 : i32 to index
        %swap3A_164 = arith.constant 0 : index
        %swap3A_165 = tpu.vector_load %arg6[%swap3A_163, %swap3A_164] {strides = array<i32>} : memref<32x128xi32, #tpu.memory_space<vmem>>, vector<1x16xi32>,
        %swap3A_166 = vector.shape_cast %swap3A_165 : vector<1x16xi32> to vector<16xi32>
        %swap3A_167 = vector.shape_cast %xor3A_162 : vector<16xi32> to vector<1x16xi32>
        tpu.vector_store %arg6[%swap3A_163, %swap3A_164], %swap3A_167 {strides = array<i32>} : memref<32x128xi32, #tpu.memory_space<vmem>>, vector<1x16xi32>,
        %get3A_168 = arith.index_cast %scan3A_155 : i32 to index
        %get3A_169 = arith.constant 16 : index
        %get3A_170 = tpu.vector_load %arg6[%get3A_168, %get3A_169] {strides = array<i32>} : memref<32x128xi32, #tpu.memory_space<vmem>>, vector<1x16xi32>,
        %get3A_171 = vector.shape_cast %get3A_170 : vector<1x16xi32> to vector<16xi32>
        %xor3A_172 = arith.constant 16711680 : i32
        %xor3A_173 = vector.broadcast %xor3A_172 : i32 to vector<16xi32>
        %xor3A_174 = arith.xori %get3A_171, %xor3A_173 : vector<16xi32>
        %swap3A_175 = arith.index_cast %scan3A_155 : i32 to index
        %swap3A_176 = arith.constant 16 : index
        %swap3A_177 = tpu.vector_load %arg6[%swap3A_175, %swap3A_176] {strides = array<i32>} : memref<32x128xi32, #tpu.memory_space<vmem>>, vector<1x16xi32>,
        %swap3A_178 = vector.shape_cast %swap3A_177 : vector<1x16xi32> to vector<16xi32>
        %swap3A_179 = vector.shape_cast %xor3A_174 : vector<16xi32> to vector<1x16xi32>
        tpu.vector_store %arg6[%swap3A_175, %swap3A_176], %swap3A_179 {strides = array<i32>} : memref<32x128xi32, #tpu.memory_space<vmem>>, vector<1x16xi32>,
        %get3A_180 = arith.index_cast %scan3A_155 : i32 to index
        %get3A_181 = arith.constant 32 : index
        %get3A_182 = tpu.vector_load %arg6[%get3A_180, %get3A_181] {strides = array<i32>} : memref<32x128xi32, #tpu.memory_space<vmem>>, vector<1x16xi32>,
        %get3A_183 = vector.shape_cast %get3A_182 : vector<1x16xi32> to vector<16xi32>
        %xor3A_184 = arith.constant 16711680 : i32
        %xor3A_185 = vector.broadcast %xor3A_184 : i32 to vector<16xi32>
        %xor3A_186 = arith.xori %get3A_183, %xor3A_185 : vector<16xi32>
        %swap3A_187 = arith.index_cast %scan3A_155 : i32 to index
        %swap3A_188 = arith.constant 32 : index
        %swap3A_189 = tpu.vector_load %arg6[%swap3A_187, %swap3A_188] {strides = array<i32>} : memref<32x128xi32, #tpu.memory_space<vmem>>, vector<1x16xi32>,
        %swap3A_190 = vector.shape_cast %swap3A_189 : vector<1x16xi32> to vector<16xi32>
        %swap3A_191 = vector.shape_cast %xor3A_186 : vector<16xi32> to vector<1x16xi32>
        tpu.vector_store %arg6[%swap3A_187, %swap3A_188], %swap3A_191 {strides = array<i32>} : memref<32x128xi32, #tpu.memory_space<vmem>>, vector<1x16xi32>,
        %get3A_192 = arith.index_cast %scan3A_155 : i32 to index
        %get3A_193 = arith.constant 48 : index
        %get3A_194 = tpu.vector_load %arg6[%get3A_192, %get3A_193] {strides = array<i32>} : memref<32x128xi32, #tpu.memory_space<vmem>>, vector<1x16xi32>,
        %get3A_195 = vector.shape_cast %get3A_194 : vector<1x16xi32> to vector<16xi32>
        %xor3A_196 = arith.constant 16711680 : i32
        %xor3A_197 = vector.broadcast %xor3A_196 : i32 to vector<16xi32>
        %xor3A_198 = arith.xori %get3A_195, %xor3A_197 : vector<16xi32>
        %swap3A_199 = arith.index_cast %scan3A_155 : i32 to index
        %swap3A_200 = arith.constant 48 : index
        %swap3A_201 = tpu.vector_load %arg6[%swap3A_199, %swap3A_200] {strides = array<i32>} : memref<32x128xi32, #tpu.memory_space<vmem>>, vector<1x16xi32>,
        %swap3A_202 = vector.shape_cast %swap3A_201 : vector<1x16xi32> to vector<16xi32>
        %swap3A_203 = vector.shape_cast %xor3A_198 : vector<16xi32> to vector<1x16xi32>
        tpu.vector_store %arg6[%swap3A_199, %swap3A_200], %swap3A_203 {strides = array<i32>} : memref<32x128xi32, #tpu.memory_space<vmem>>, vector<1x16xi32>,
        %get3A_204 = arith.index_cast %scan3A_155 : i32 to index
        %get3A_205 = arith.constant 64 : index
        %get3A_206 = tpu.vector_load %arg6[%get3A_204, %get3A_205] {strides = array<i32>} : memref<32x128xi32, #tpu.memory_space<vmem>>, vector<1x16xi32>,
        %get3A_207 = vector.shape_cast %get3A_206 : vector<1x16xi32> to vector<16xi32>
        %xor3A_208 = arith.constant 16711680 : i32
        %xor3A_209 = vector.broadcast %xor3A_208 : i32 to vector<16xi32>
        %xor3A_210 = arith.xori %get3A_207, %xor3A_209 : vector<16xi32>
        %swap3A_211 = arith.index_cast %scan3A_155 : i32 to index
        %swap3A_212 = arith.constant 64 : index
        %swap3A_213 = tpu.vector_load %arg6[%swap3A_211, %swap3A_212] {strides = array<i32>} : memref<32x128xi32, #tpu.memory_space<vmem>>, vector<1x16xi32>,
        %swap3A_214 = vector.shape_cast %swap3A_213 : vector<1x16xi32> to vector<16xi32>
        %swap3A_215 = vector.shape_cast %xor3A_210 : vector<16xi32> to vector<1x16xi32>
        tpu.vector_store %arg6[%swap3A_211, %swap3A_212], %swap3A_215 {strides = array<i32>} : memref<32x128xi32, #tpu.memory_space<vmem>>, vector<1x16xi32>,
        %get3A_216 = arith.index_cast %scan3A_155 : i32 to index
        %get3A_217 = arith.constant 80 : index
        %get3A_218 = tpu.vector_load %arg6[%get3A_216, %get3A_217] {strides = array<i32>} : memref<32x128xi32, #tpu.memory_space<vmem>>, vector<1x16xi32>,
        %get3A_219 = vector.shape_cast %get3A_218 : vector<1x16xi32> to vector<16xi32>
        %xor3A_220 = arith.constant 16711680 : i32
        %xor3A_221 = vector.broadcast %xor3A_220 : i32 to vector<16xi32>
        %xor3A_222 = arith.xori %get3A_219, %xor3A_221 : vector<16xi32>
        %swap3A_223 = arith.index_cast %scan3A_155 : i32 to index
        %swap3A_224 = arith.constant 80 : index
        %swap3A_225 = tpu.vector_load %arg6[%swap3A_223, %swap3A_224] {strides = array<i32>} : memref<32x128xi32, #tpu.memory_space<vmem>>, vector<1x16xi32>,
        %swap3A_226 = vector.shape_cast %swap3A_225 : vector<1x16xi32> to vector<16xi32>
        %swap3A_227 = vector.shape_cast %xor3A_222 : vector<16xi32> to vector<1x16xi32>
        tpu.vector_store %arg6[%swap3A_223, %swap3A_224], %swap3A_227 {strides = array<i32>} : memref<32x128xi32, #tpu.memory_space<vmem>>, vector<1x16xi32>,
        %get3A_228 = arith.index_cast %scan3A_155 : i32 to index
        %get3A_229 = arith.constant 96 : index
        %get3A_230 = tpu.vector_load %arg6[%get3A_228, %get3A_229] {strides = array<i32>} : memref<32x128xi32, #tpu.memory_space<vmem>>, vector<1x16xi32>,
        %get3A_231 = vector.shape_cast %get3A_230 : vector<1x16xi32> to vector<16xi32>
        %xor3A_232 = arith.constant 16711680 : i32
        %xor3A_233 = vector.broadcast %xor3A_232 : i32 to vector<16xi32>
        %xor3A_234 = arith.xori %get3A_231, %xor3A_233 : vector<16xi32>
        %swap3A_235 = arith.index_cast %scan3A_155 : i32 to index
        %swap3A_236 = arith.constant 96 : index
        %swap3A_237 = tpu.vector_load %arg6[%swap3A_235, %swap3A_236] {strides = array<i32>} : memref<32x128xi32, #tpu.memory_space<vmem>>, vector<1x16xi32>,
        %swap3A_238 = vector.shape_cast %swap3A_237 : vector<1x16xi32> to vector<16xi32>
        %swap3A_239 = vector.shape_cast %xor3A_234 : vector<16xi32> to vector<1x16xi32>
        tpu.vector_store %arg6[%swap3A_235, %swap3A_236], %swap3A_239 {strides = array<i32>} : memref<32x128xi32, #tpu.memory_space<vmem>>, vector<1x16xi32>,
        %get3A_240 = arith.index_cast %scan3A_155 : i32 to index
        %get3A_241 = arith.constant 112 : index
        %get3A_242 = tpu.vector_load %arg6[%get3A_240, %get3A_241] {strides = array<i32>} : memref<32x128xi32, #tpu.memory_space<vmem>>, vector<1x16xi32>,
        %get3A_243 = vector.shape_cast %get3A_242 : vector<1x16xi32> to vector<16xi32>
        %xor3A_244 = arith.constant 16711680 : i32
        %xor3A_245 = vector.broadcast %xor3A_244 : i32 to vector<16xi32>
        %xor3A_246 = arith.xori %get3A_243, %xor3A_245 : vector<16xi32>
        %swap3A_247 = arith.index_cast %scan3A_155 : i32 to index
        %swap3A_248 = arith.constant 112 : index
        %swap3A_249 = tpu.vector_load %arg6[%swap3A_247, %swap3A_248] {strides = array<i32>} : memref<32x128xi32, #tpu.memory_space<vmem>>, vector<1x16xi32>,
        %swap3A_250 = vector.shape_cast %swap3A_249 : vector<1x16xi32> to vector<16xi32>
        %swap3A_251 = vector.shape_cast %xor3A_246 : vector<16xi32> to vector<1x16xi32>
        tpu.vector_store %arg6[%swap3A_247, %swap3A_248], %swap3A_251 {strides = array<i32>} : memref<32x128xi32, #tpu.memory_space<vmem>>, vector<1x16xi32>,
        %scan3A_252 = arith.constant 0 : i32
        scf.yield %scan3A_252 : i32
      }
      %scan3A_75 = arith.constant 32 : i32
      %scan3A_76 = arith.constant 0 : i32
      %scan3A_77 = arith.constant 0 : i32
      %scan3A_78 = arith.constant 32 : i32
      %scan3A_79 = arith.addi %scan3A_77, %scan3A_78 : i32
      %scan3A_80 = arith.constant 1 : i32
      %scan3A_81 = scf.for %scan3A_155 = %scan3A_77 to %scan3A_79 step %scan3A_80 iter_args(%scan3A_156 = %scan3A_76) -> (i32)  : i32 {
        %dma_start3A_157 = arith.constant 0 : i32
        %dma_start3A_158 = tpu.memref_slice %arg8[%scan3A_155, %dma_start3A_157] : memref<32x128xf32, #tpu.memory_space<vmem>> -> memref<1x128xf32, #tpu.memory_space<vmem>>
        %dma_start3A_159 = tpu.memref_squeeze %dma_start3A_158 : memref<1x128xf32, #tpu.memory_space<vmem>> -> memref<128xf32, #tpu.memory_space<vmem>>
        %dma_start3A_160 = arith.constant 0 : i32
        %dma_start3A_161 = tpu.memref_slice %arg6[%scan3A_155, %dma_start3A_160] : memref<32x128xi32, #tpu.memory_space<vmem>> -> memref<1x128xi32, #tpu.memory_space<vmem>>
        %dma_start3A_162 = tpu.memref_squeeze %dma_start3A_161 : memref<1x128xi32, #tpu.memory_space<vmem>> -> memref<128xi32, #tpu.memory_space<vmem>>
        %dma_start3A_163 = arith.constant 0 : i32
        %dma_start3A_164 = tpu.memref_slice %arg2[%dma_start3A_163] : memref<16777216xf32, #tpu.memory_space<hbm>> -> memref<16777216xf32, #tpu.memory_space<hbm>>
        tpu.enqueue_indirect_dma source(%dma_start3A_164 : memref<16777216xf32, #tpu.memory_space<hbm>>) target(%dma_start3A_159 : memref<128xf32, #tpu.memory_space<vmem>>) offsets(%dma_start3A_162 : memref<128xi32, #tpu.memory_space<vmem>>) semaphore(%arg14 : memref<!tpu.dma_semaphore, #tpu.memory_space<semaphore_mem>>)
        %scan3A_165 = arith.constant 0 : i32
        scf.yield %scan3A_165 : i32
      }
      %scan3A_82 = arith.constant 32 : i32
      %gt3A = arith.constant 0 : i32
      %gt3A_83 = arith.cmpi sgt, %scan3A_50, %gt3A : i32
      %convert_element_type3A = arith.extui %gt3A_83 : i1 to i32
      %cond3A = arith.constant 0 : i32
      %cond3A_84 = arith.cmpi ne, %convert_element_type3A, %cond3A : i32
      scf.if %cond3A_84 {
        %scan3A_155 = arith.constant 0 : i32
        %scan3A_156 = arith.constant 0 : i32
        %scan3A_157 = arith.constant 32 : i32
        %scan3A_158 = arith.addi %scan3A_156, %scan3A_157 : i32
        %scan3A_159 = arith.constant 1 : i32
        %scan3A_160 = scf.for %scan3A_179 = %scan3A_156 to %scan3A_158 step %scan3A_159 iter_args(%scan3A_180 = %scan3A_155) -> (i32)  : i32 {
          %dma_wait3A_181 = arith.constant 0 : i32
          %dma_wait3A_182 = tpu.memref_slice %arg9[%scan3A_179, %dma_wait3A_181] : memref<32x128xf32, #tpu.memory_space<vmem>> -> memref<1x128xf32, #tpu.memory_space<vmem>>
          %dma_wait3A_183 = tpu.memref_squeeze %dma_wait3A_182 : memref<1x128xf32, #tpu.memory_space<vmem>> -> memref<128xf32, #tpu.memory_space<vmem>>
          %dma_wait3A_184 = arith.constant 0 : i32
          %dma_wait3A_185 = tpu.memref_slice %arg7[%scan3A_179, %dma_wait3A_184] : memref<32x128xi32, #tpu.memory_space<vmem>> -> memref<1x128xi32, #tpu.memory_space<vmem>>
          %dma_wait3A_186 = tpu.memref_squeeze %dma_wait3A_185 : memref<1x128xi32, #tpu.memory_space<vmem>> -> memref<128xi32, #tpu.memory_space<vmem>>
          %dma_wait3A_187 = arith.constant 0 : i32
          %dma_wait3A_188 = tpu.memref_slice %arg2[%dma_wait3A_187] : memref<16777216xf32, #tpu.memory_space<hbm>> -> memref<16777216xf32, #tpu.memory_space<hbm>>
          tpu.wait_indirect_dma semaphore(%arg15 : memref<!tpu.dma_semaphore, #tpu.memory_space<semaphore_mem>>) src(%dma_wait3A_188 : memref<16777216xf32, #tpu.memory_space<hbm>>) dst(%dma_wait3A_183 : memref<128xf32, #tpu.memory_space<vmem>>)
          %scan3A_189 = arith.constant 0 : i32
          scf.yield %scan3A_189 : i32
        }
        %scan3A_161 = arith.constant 32 : i32
        %sub3A = arith.constant 1 : i32
        %sub3A_162 = arith.subi %mul3A_53, %sub3A : i32
        %broadcast_in_dim3A_163 = arith.constant 0.000000e+00 : f32
        %broadcast_in_dim3A_164 = vector.broadcast %broadcast_in_dim3A_163 : f32 to vector<16xf32>
        %scan3A_165 = arith.constant 0 : i32
        %scan3A_166 = arith.constant 16 : i32
        %scan3A_167 = arith.addi %scan3A_165, %scan3A_166 : i32
        %scan3A_168 = arith.constant 1 : i32
        %scan3A_169 = scf.for %scan3A_179 = %scan3A_165 to %scan3A_167 step %scan3A_168 iter_args(%scan3A_180 = %broadcast_in_dim3A_164) -> (vector<16xf32>)  : i32 {
          %add3A_181 = arith.constant 0 : i32
          %add3A_182 = arith.addi %add3A_181, %scan3A_179 : i32
          %broadcast_in_dim3A_183 = arith.constant 0.000000e+00 : f32
          %broadcast_in_dim3A_184 = vector.broadcast %broadcast_in_dim3A_183 : f32 to vector<16xf32>
          %mul3A_185 = arith.constant 2 : i32
          %mul3A_186 = arith.muli %mul3A_185, %add3A_182 : i32
          %add3A_187 = arith.constant 0 : i32
          %add3A_188 = arith.addi %mul3A_186, %add3A_187 : i32
          %get3A = arith.index_cast %add3A_188 : i32 to index
          %get3A_189 = arith.constant 0 : index
          %get3A_190 = tpu.vector_load %arg9[%get3A, %get3A_189] {strides = array<i32>} : memref<32x128xf32, #tpu.memory_space<vmem>>, vector<1x16xf32>,
          %get3A_191 = vector.shape_cast %get3A_190 : vector<1x16xf32> to vector<16xf32>
          %mul3A_192 = arith.constant 256 : i32
          %mul3A_193 = arith.muli %add3A_182, %mul3A_192 : i32
          %add3A_194 = arith.constant 0 : i32
          %add3A_195 = arith.addi %mul3A_193, %add3A_194 : i32
          %get3A_196 = arith.index_cast %add3A_195 : i32 to index
          %get3A_197 = tpu.vector_load %arg11[%get3A_196] {strides = array<i32>} : memref<4096xf32, #tpu.memory_space<vmem>>, vector<16xf32>,
          %get3A_198 = vector.shape_cast %get3A_197 : vector<16xf32> to vector<16xf32>
          %mul3A_199 = arith.mulf %get3A_191, %get3A_198 : vector<16xf32>
          %add3A_200 = arith.addf %broadcast_in_dim3A_184, %mul3A_199 : vector<16xf32>
          %mul3A_201 = arith.constant 2 : i32
          %mul3A_202 = arith.muli %mul3A_201, %add3A_182 : i32
          %add3A_203 = arith.constant 0 : i32
          %add3A_204 = arith.addi %mul3A_202, %add3A_203 : i32
          %get3A_205 = arith.index_cast %add3A_204 : i32 to index
          %get3A_206 = arith.constant 16 : index
          %get3A_207 = tpu.vector_load %arg9[%get3A_205, %get3A_206] {strides = array<i32>} : memref<32x128xf32, #tpu.memory_space<vmem>>, vector<1x16xf32>,
          %get3A_208 = vector.shape_cast %get3A_207 : vector<1x16xf32> to vector<16xf32>
          %mul3A_209 = arith.constant 256 : i32
          %mul3A_210 = arith.muli %add3A_182, %mul3A_209 : i32
          %add3A_211 = arith.constant 16 : i32
          %add3A_212 = arith.addi %mul3A_210, %add3A_211 : i32
          %get3A_213 = arith.index_cast %add3A_212 : i32 to index
          %get3A_214 = tpu.vector_load %arg11[%get3A_213] {strides = array<i32>} : memref<4096xf32, #tpu.memory_space<vmem>>, vector<16xf32>,
          %get3A_215 = vector.shape_cast %get3A_214 : vector<16xf32> to vector<16xf32>
          %mul3A_216 = arith.mulf %get3A_208, %get3A_215 : vector<16xf32>
          %add3A_217 = arith.addf %add3A_200, %mul3A_216 : vector<16xf32>
          %mul3A_218 = arith.constant 2 : i32
          %mul3A_219 = arith.muli %mul3A_218, %add3A_182 : i32
          %add3A_220 = arith.constant 0 : i32
          %add3A_221 = arith.addi %mul3A_219, %add3A_220 : i32
          %get3A_222 = arith.index_cast %add3A_221 : i32 to index
          %get3A_223 = arith.constant 32 : index
          %get3A_224 = tpu.vector_load %arg9[%get3A_222, %get3A_223] {strides = array<i32>} : memref<32x128xf32, #tpu.memory_space<vmem>>, vector<1x16xf32>,
          %get3A_225 = vector.shape_cast %get3A_224 : vector<1x16xf32> to vector<16xf32>
          %mul3A_226 = arith.constant 256 : i32
          %mul3A_227 = arith.muli %add3A_182, %mul3A_226 : i32
          %add3A_228 = arith.constant 32 : i32
          %add3A_229 = arith.addi %mul3A_227, %add3A_228 : i32
          %get3A_230 = arith.index_cast %add3A_229 : i32 to index
          %get3A_231 = tpu.vector_load %arg11[%get3A_230] {strides = array<i32>} : memref<4096xf32, #tpu.memory_space<vmem>>, vector<16xf32>,
          %get3A_232 = vector.shape_cast %get3A_231 : vector<16xf32> to vector<16xf32>
          %mul3A_233 = arith.mulf %get3A_225, %get3A_232 : vector<16xf32>
          %add3A_234 = arith.addf %add3A_217, %mul3A_233 : vector<16xf32>
          %mul3A_235 = arith.constant 2 : i32
          %mul3A_236 = arith.muli %mul3A_235, %add3A_182 : i32
          %add3A_237 = arith.constant 0 : i32
          %add3A_238 = arith.addi %mul3A_236, %add3A_237 : i32
          %get3A_239 = arith.index_cast %add3A_238 : i32 to index
          %get3A_240 = arith.constant 48 : index
          %get3A_241 = tpu.vector_load %arg9[%get3A_239, %get3A_240] {strides = array<i32>} : memref<32x128xf32, #tpu.memory_space<vmem>>, vector<1x16xf32>,
          %get3A_242 = vector.shape_cast %get3A_241 : vector<1x16xf32> to vector<16xf32>
          %mul3A_243 = arith.constant 256 : i32
          %mul3A_244 = arith.muli %add3A_182, %mul3A_243 : i32
          %add3A_245 = arith.constant 48 : i32
          %add3A_246 = arith.addi %mul3A_244, %add3A_245 : i32
          %get3A_247 = arith.index_cast %add3A_246 : i32 to index
          %get3A_248 = tpu.vector_load %arg11[%get3A_247] {strides = array<i32>} : memref<4096xf32, #tpu.memory_space<vmem>>, vector<16xf32>,
          %get3A_249 = vector.shape_cast %get3A_248 : vector<16xf32> to vector<16xf32>
          %mul3A_250 = arith.mulf %get3A_242, %get3A_249 : vector<16xf32>
          %add3A_251 = arith.addf %add3A_234, %mul3A_250 : vector<16xf32>
          %mul3A_252 = arith.constant 2 : i32
          %mul3A_253 = arith.muli %mul3A_252, %add3A_182 : i32
          %add3A_254 = arith.constant 0 : i32
          %add3A_255 = arith.addi %mul3A_253, %add3A_254 : i32
          %get3A_256 = arith.index_cast %add3A_255 : i32 to index
          %get3A_257 = arith.constant 64 : index
          %get3A_258 = tpu.vector_load %arg9[%get3A_256, %get3A_257] {strides = array<i32>} : memref<32x128xf32, #tpu.memory_space<vmem>>, vector<1x16xf32>,
          %get3A_259 = vector.shape_cast %get3A_258 : vector<1x16xf32> to vector<16xf32>
          %mul3A_260 = arith.constant 256 : i32
          %mul3A_261 = arith.muli %add3A_182, %mul3A_260 : i32
          %add3A_262 = arith.constant 64 : i32
          %add3A_263 = arith.addi %mul3A_261, %add3A_262 : i32
          %get3A_264 = arith.index_cast %add3A_263 : i32 to index
          %get3A_265 = tpu.vector_load %arg11[%get3A_264] {strides = array<i32>} : memref<4096xf32, #tpu.memory_space<vmem>>, vector<16xf32>,
          %get3A_266 = vector.shape_cast %get3A_265 : vector<16xf32> to vector<16xf32>
          %mul3A_267 = arith.mulf %get3A_259, %get3A_266 : vector<16xf32>
          %add3A_268 = arith.addf %add3A_251, %mul3A_267 : vector<16xf32>
          %mul3A_269 = arith.constant 2 : i32
          %mul3A_270 = arith.muli %mul3A_269, %add3A_182 : i32
          %add3A_271 = arith.constant 0 : i32
          %add3A_272 = arith.addi %mul3A_270, %add3A_271 : i32
          %get3A_273 = arith.index_cast %add3A_272 : i32 to index
          %get3A_274 = arith.constant 80 : index
          %get3A_275 = tpu.vector_load %arg9[%get3A_273, %get3A_274] {strides = array<i32>} : memref<32x128xf32, #tpu.memory_space<vmem>>, vector<1x16xf32>,
          %get3A_276 = vector.shape_cast %get3A_275 : vector<1x16xf32> to vector<16xf32>
          %mul3A_277 = arith.constant 256 : i32
          %mul3A_278 = arith.muli %add3A_182, %mul3A_277 : i32
          %add3A_279 = arith.constant 80 : i32
          %add3A_280 = arith.addi %mul3A_278, %add3A_279 : i32
          %get3A_281 = arith.index_cast %add3A_280 : i32 to index
          %get3A_282 = tpu.vector_load %arg11[%get3A_281] {strides = array<i32>} : memref<4096xf32, #tpu.memory_space<vmem>>, vector<16xf32>,
          %get3A_283 = vector.shape_cast %get3A_282 : vector<16xf32> to vector<16xf32>
          %mul3A_284 = arith.mulf %get3A_276, %get3A_283 : vector<16xf32>
          %add3A_285 = arith.addf %add3A_268, %mul3A_284 : vector<16xf32>
          %mul3A_286 = arith.constant 2 : i32
          %mul3A_287 = arith.muli %mul3A_286, %add3A_182 : i32
          %add3A_288 = arith.constant 0 : i32
          %add3A_289 = arith.addi %mul3A_287, %add3A_288 : i32
          %get3A_290 = arith.index_cast %add3A_289 : i32 to index
          %get3A_291 = arith.constant 96 : index
          %get3A_292 = tpu.vector_load %arg9[%get3A_290, %get3A_291] {strides = array<i32>} : memref<32x128xf32, #tpu.memory_space<vmem>>, vector<1x16xf32>,
          %get3A_293 = vector.shape_cast %get3A_292 : vector<1x16xf32> to vector<16xf32>
          %mul3A_294 = arith.constant 256 : i32
          %mul3A_295 = arith.muli %add3A_182, %mul3A_294 : i32
          %add3A_296 = arith.constant 96 : i32
          %add3A_297 = arith.addi %mul3A_295, %add3A_296 : i32
          %get3A_298 = arith.index_cast %add3A_297 : i32 to index
          %get3A_299 = tpu.vector_load %arg11[%get3A_298] {strides = array<i32>} : memref<4096xf32, #tpu.memory_space<vmem>>, vector<16xf32>,
          %get3A_300 = vector.shape_cast %get3A_299 : vector<16xf32> to vector<16xf32>
          %mul3A_301 = arith.mulf %get3A_293, %get3A_300 : vector<16xf32>
          %add3A_302 = arith.addf %add3A_285, %mul3A_301 : vector<16xf32>
          %mul3A_303 = arith.constant 2 : i32
          %mul3A_304 = arith.muli %mul3A_303, %add3A_182 : i32
          %add3A_305 = arith.constant 0 : i32
          %add3A_306 = arith.addi %mul3A_304, %add3A_305 : i32
          %get3A_307 = arith.index_cast %add3A_306 : i32 to index
          %get3A_308 = arith.constant 112 : index
          %get3A_309 = tpu.vector_load %arg9[%get3A_307, %get3A_308] {strides = array<i32>} : memref<32x128xf32, #tpu.memory_space<vmem>>, vector<1x16xf32>,
          %get3A_310 = vector.shape_cast %get3A_309 : vector<1x16xf32> to vector<16xf32>
          %mul3A_311 = arith.constant 256 : i32
          %mul3A_312 = arith.muli %add3A_182, %mul3A_311 : i32
          %add3A_313 = arith.constant 112 : i32
          %add3A_314 = arith.addi %mul3A_312, %add3A_313 : i32
          %get3A_315 = arith.index_cast %add3A_314 : i32 to index
          %get3A_316 = tpu.vector_load %arg11[%get3A_315] {strides = array<i32>} : memref<4096xf32, #tpu.memory_space<vmem>>, vector<16xf32>,
          %get3A_317 = vector.shape_cast %get3A_316 : vector<16xf32> to vector<16xf32>
          %mul3A_318 = arith.mulf %get3A_310, %get3A_317 : vector<16xf32>
          %add3A_319 = arith.addf %add3A_302, %mul3A_318 : vector<16xf32>
          %mul3A_320 = arith.constant 2 : i32
          %mul3A_321 = arith.muli %mul3A_320, %add3A_182 : i32
          %add3A_322 = arith.constant 1 : i32
          %add3A_323 = arith.addi %mul3A_321, %add3A_322 : i32
          %get3A_324 = arith.index_cast %add3A_323 : i32 to index
          %get3A_325 = arith.constant 0 : index
          %get3A_326 = tpu.vector_load %arg9[%get3A_324, %get3A_325] {strides = array<i32>} : memref<32x128xf32, #tpu.memory_space<vmem>>, vector<1x16xf32>,
          %get3A_327 = vector.shape_cast %get3A_326 : vector<1x16xf32> to vector<16xf32>
          %mul3A_328 = arith.constant 256 : i32
          %mul3A_329 = arith.muli %add3A_182, %mul3A_328 : i32
          %add3A_330 = arith.constant 128 : i32
          %add3A_331 = arith.addi %mul3A_329, %add3A_330 : i32
          %get3A_332 = arith.index_cast %add3A_331 : i32 to index
          %get3A_333 = tpu.vector_load %arg11[%get3A_332] {strides = array<i32>} : memref<4096xf32, #tpu.memory_space<vmem>>, vector<16xf32>,
          %get3A_334 = vector.shape_cast %get3A_333 : vector<16xf32> to vector<16xf32>
          %mul3A_335 = arith.mulf %get3A_327, %get3A_334 : vector<16xf32>
          %add3A_336 = arith.addf %add3A_319, %mul3A_335 : vector<16xf32>
          %mul3A_337 = arith.constant 2 : i32
          %mul3A_338 = arith.muli %mul3A_337, %add3A_182 : i32
          %add3A_339 = arith.constant 1 : i32
          %add3A_340 = arith.addi %mul3A_338, %add3A_339 : i32
          %get3A_341 = arith.index_cast %add3A_340 : i32 to index
          %get3A_342 = arith.constant 16 : index
          %get3A_343 = tpu.vector_load %arg9[%get3A_341, %get3A_342] {strides = array<i32>} : memref<32x128xf32, #tpu.memory_space<vmem>>, vector<1x16xf32>,
          %get3A_344 = vector.shape_cast %get3A_343 : vector<1x16xf32> to vector<16xf32>
          %mul3A_345 = arith.constant 256 : i32
          %mul3A_346 = arith.muli %add3A_182, %mul3A_345 : i32
          %add3A_347 = arith.constant 144 : i32
          %add3A_348 = arith.addi %mul3A_346, %add3A_347 : i32
          %get3A_349 = arith.index_cast %add3A_348 : i32 to index
          %get3A_350 = tpu.vector_load %arg11[%get3A_349] {strides = array<i32>} : memref<4096xf32, #tpu.memory_space<vmem>>, vector<16xf32>,
          %get3A_351 = vector.shape_cast %get3A_350 : vector<16xf32> to vector<16xf32>
          %mul3A_352 = arith.mulf %get3A_344, %get3A_351 : vector<16xf32>
          %add3A_353 = arith.addf %add3A_336, %mul3A_352 : vector<16xf32>
          %mul3A_354 = arith.constant 2 : i32
          %mul3A_355 = arith.muli %mul3A_354, %add3A_182 : i32
          %add3A_356 = arith.constant 1 : i32
          %add3A_357 = arith.addi %mul3A_355, %add3A_356 : i32
          %get3A_358 = arith.index_cast %add3A_357 : i32 to index
          %get3A_359 = arith.constant 32 : index
          %get3A_360 = tpu.vector_load %arg9[%get3A_358, %get3A_359] {strides = array<i32>} : memref<32x128xf32, #tpu.memory_space<vmem>>, vector<1x16xf32>,
          %get3A_361 = vector.shape_cast %get3A_360 : vector<1x16xf32> to vector<16xf32>
          %mul3A_362 = arith.constant 256 : i32
          %mul3A_363 = arith.muli %add3A_182, %mul3A_362 : i32
          %add3A_364 = arith.constant 160 : i32
          %add3A_365 = arith.addi %mul3A_363, %add3A_364 : i32
          %get3A_366 = arith.index_cast %add3A_365 : i32 to index
          %get3A_367 = tpu.vector_load %arg11[%get3A_366] {strides = array<i32>} : memref<4096xf32, #tpu.memory_space<vmem>>, vector<16xf32>,
          %get3A_368 = vector.shape_cast %get3A_367 : vector<16xf32> to vector<16xf32>
          %mul3A_369 = arith.mulf %get3A_361, %get3A_368 : vector<16xf32>
          %add3A_370 = arith.addf %add3A_353, %mul3A_369 : vector<16xf32>
          %mul3A_371 = arith.constant 2 : i32
          %mul3A_372 = arith.muli %mul3A_371, %add3A_182 : i32
          %add3A_373 = arith.constant 1 : i32
          %add3A_374 = arith.addi %mul3A_372, %add3A_373 : i32
          %get3A_375 = arith.index_cast %add3A_374 : i32 to index
          %get3A_376 = arith.constant 48 : index
          %get3A_377 = tpu.vector_load %arg9[%get3A_375, %get3A_376] {strides = array<i32>} : memref<32x128xf32, #tpu.memory_space<vmem>>, vector<1x16xf32>,
          %get3A_378 = vector.shape_cast %get3A_377 : vector<1x16xf32> to vector<16xf32>
          %mul3A_379 = arith.constant 256 : i32
          %mul3A_380 = arith.muli %add3A_182, %mul3A_379 : i32
          %add3A_381 = arith.constant 176 : i32
          %add3A_382 = arith.addi %mul3A_380, %add3A_381 : i32
          %get3A_383 = arith.index_cast %add3A_382 : i32 to index
          %get3A_384 = tpu.vector_load %arg11[%get3A_383] {strides = array<i32>} : memref<4096xf32, #tpu.memory_space<vmem>>, vector<16xf32>,
          %get3A_385 = vector.shape_cast %get3A_384 : vector<16xf32> to vector<16xf32>
          %mul3A_386 = arith.mulf %get3A_378, %get3A_385 : vector<16xf32>
          %add3A_387 = arith.addf %add3A_370, %mul3A_386 : vector<16xf32>
          %mul3A_388 = arith.constant 2 : i32
          %mul3A_389 = arith.muli %mul3A_388, %add3A_182 : i32
          %add3A_390 = arith.constant 1 : i32
          %add3A_391 = arith.addi %mul3A_389, %add3A_390 : i32
          %get3A_392 = arith.index_cast %add3A_391 : i32 to index
          %get3A_393 = arith.constant 64 : index
          %get3A_394 = tpu.vector_load %arg9[%get3A_392, %get3A_393] {strides = array<i32>} : memref<32x128xf32, #tpu.memory_space<vmem>>, vector<1x16xf32>,
          %get3A_395 = vector.shape_cast %get3A_394 : vector<1x16xf32> to vector<16xf32>
          %mul3A_396 = arith.constant 256 : i32
          %mul3A_397 = arith.muli %add3A_182, %mul3A_396 : i32
          %add3A_398 = arith.constant 192 : i32
          %add3A_399 = arith.addi %mul3A_397, %add3A_398 : i32
          %get3A_400 = arith.index_cast %add3A_399 : i32 to index
          %get3A_401 = tpu.vector_load %arg11[%get3A_400] {strides = array<i32>} : memref<4096xf32, #tpu.memory_space<vmem>>, vector<16xf32>,
          %get3A_402 = vector.shape_cast %get3A_401 : vector<16xf32> to vector<16xf32>
          %mul3A_403 = arith.mulf %get3A_395, %get3A_402 : vector<16xf32>
          %add3A_404 = arith.addf %add3A_387, %mul3A_403 : vector<16xf32>
          %mul3A_405 = arith.constant 2 : i32
          %mul3A_406 = arith.muli %mul3A_405, %add3A_182 : i32
          %add3A_407 = arith.constant 1 : i32
          %add3A_408 = arith.addi %mul3A_406, %add3A_407 : i32
          %get3A_409 = arith.index_cast %add3A_408 : i32 to index
          %get3A_410 = arith.constant 80 : index
          %get3A_411 = tpu.vector_load %arg9[%get3A_409, %get3A_410] {strides = array<i32>} : memref<32x128xf32, #tpu.memory_space<vmem>>, vector<1x16xf32>,
          %get3A_412 = vector.shape_cast %get3A_411 : vector<1x16xf32> to vector<16xf32>
          %mul3A_413 = arith.constant 256 : i32
          %mul3A_414 = arith.muli %add3A_182, %mul3A_413 : i32
          %add3A_415 = arith.constant 208 : i32
          %add3A_416 = arith.addi %mul3A_414, %add3A_415 : i32
          %get3A_417 = arith.index_cast %add3A_416 : i32 to index
          %get3A_418 = tpu.vector_load %arg11[%get3A_417] {strides = array<i32>} : memref<4096xf32, #tpu.memory_space<vmem>>, vector<16xf32>,
          %get3A_419 = vector.shape_cast %get3A_418 : vector<16xf32> to vector<16xf32>
          %mul3A_420 = arith.mulf %get3A_412, %get3A_419 : vector<16xf32>
          %add3A_421 = arith.addf %add3A_404, %mul3A_420 : vector<16xf32>
          %mul3A_422 = arith.constant 2 : i32
          %mul3A_423 = arith.muli %mul3A_422, %add3A_182 : i32
          %add3A_424 = arith.constant 1 : i32
          %add3A_425 = arith.addi %mul3A_423, %add3A_424 : i32
          %get3A_426 = arith.index_cast %add3A_425 : i32 to index
          %get3A_427 = arith.constant 96 : index
          %get3A_428 = tpu.vector_load %arg9[%get3A_426, %get3A_427] {strides = array<i32>} : memref<32x128xf32, #tpu.memory_space<vmem>>, vector<1x16xf32>,
          %get3A_429 = vector.shape_cast %get3A_428 : vector<1x16xf32> to vector<16xf32>
          %mul3A_430 = arith.constant 256 : i32
          %mul3A_431 = arith.muli %add3A_182, %mul3A_430 : i32
          %add3A_432 = arith.constant 224 : i32
          %add3A_433 = arith.addi %mul3A_431, %add3A_432 : i32
          %get3A_434 = arith.index_cast %add3A_433 : i32 to index
          %get3A_435 = tpu.vector_load %arg11[%get3A_434] {strides = array<i32>} : memref<4096xf32, #tpu.memory_space<vmem>>, vector<16xf32>,
          %get3A_436 = vector.shape_cast %get3A_435 : vector<16xf32> to vector<16xf32>
          %mul3A_437 = arith.mulf %get3A_429, %get3A_436 : vector<16xf32>
          %add3A_438 = arith.addf %add3A_421, %mul3A_437 : vector<16xf32>
          %mul3A_439 = arith.constant 2 : i32
          %mul3A_440 = arith.muli %mul3A_439, %add3A_182 : i32
          %add3A_441 = arith.constant 1 : i32
          %add3A_442 = arith.addi %mul3A_440, %add3A_441 : i32
          %get3A_443 = arith.index_cast %add3A_442 : i32 to index
          %get3A_444 = arith.constant 112 : index
          %get3A_445 = tpu.vector_load %arg9[%get3A_443, %get3A_444] {strides = array<i32>} : memref<32x128xf32, #tpu.memory_space<vmem>>, vector<1x16xf32>,
          %get3A_446 = vector.shape_cast %get3A_445 : vector<1x16xf32> to vector<16xf32>
          %mul3A_447 = arith.constant 256 : i32
          %mul3A_448 = arith.muli %add3A_182, %mul3A_447 : i32
          %add3A_449 = arith.constant 240 : i32
          %add3A_450 = arith.addi %mul3A_448, %add3A_449 : i32
          %get3A_451 = arith.index_cast %add3A_450 : i32 to index
          %get3A_452 = tpu.vector_load %arg11[%get3A_451] {strides = array<i32>} : memref<4096xf32, #tpu.memory_space<vmem>>, vector<16xf32>,
          %get3A_453 = vector.shape_cast %get3A_452 : vector<16xf32> to vector<16xf32>
          %mul3A_454 = arith.mulf %get3A_446, %get3A_453 : vector<16xf32>
          %add3A_455 = arith.addf %add3A_438, %mul3A_454 : vector<16xf32>
          %lt3A_456 = arith.constant 0 : i32
          %lt3A_457 = vector.broadcast %lt3A_456 : i32 to vector<16xi32>
          %lt3A_458 = arith.cmpi slt, %xor3A_6, %lt3A_457 : vector<16xi32>
          %add3A_459 = arith.constant 16 : i32
          %add3A_460 = vector.broadcast %add3A_459 : i32 to vector<16xi32>
          %add3A_461 = arith.addi %xor3A_6, %add3A_460 : vector<16xi32>
          %select_n3A = arith.select %lt3A_458, %add3A_461, %xor3A_6 : vector<16xi1>, vector<16xi32>
          %broadcast_in_dim3A_462 = vector.shape_cast %select_n3A : vector<16xi32> to vector<16x1xi32>
          %gather3A = vector.shape_cast %broadcast_in_dim3A_462 : vector<16x1xi32> to vector<16xi32>
          %gather3A_463 = tpu.dynamic_gather %add3A_455[%gather3A] in [0] : vector<16xf32>, vector<16xi32> -> vector<16xf32>
          %add3A_464 = arith.addf %add3A_455, %gather3A_463 : vector<16xf32>
          %lt3A_465 = arith.constant 0 : i32
          %lt3A_466 = vector.broadcast %lt3A_465 : i32 to vector<16xi32>
          %lt3A_467 = arith.cmpi slt, %xor3A_9, %lt3A_466 : vector<16xi32>
          %add3A_468 = arith.constant 16 : i32
          %add3A_469 = vector.broadcast %add3A_468 : i32 to vector<16xi32>
          %add3A_470 = arith.addi %xor3A_9, %add3A_469 : vector<16xi32>
          %select_n3A_471 = arith.select %lt3A_467, %add3A_470, %xor3A_9 : vector<16xi1>, vector<16xi32>
          %broadcast_in_dim3A_472 = vector.shape_cast %select_n3A_471 : vector<16xi32> to vector<16x1xi32>
          %gather3A_473 = vector.shape_cast %broadcast_in_dim3A_472 : vector<16x1xi32> to vector<16xi32>
          %gather3A_474 = tpu.dynamic_gather %add3A_464[%gather3A_473] in [0] : vector<16xf32>, vector<16xi32> -> vector<16xf32>
          %add3A_475 = arith.addf %add3A_464, %gather3A_474 : vector<16xf32>
          %lt3A_476 = arith.constant 0 : i32
          %lt3A_477 = vector.broadcast %lt3A_476 : i32 to vector<16xi32>
          %lt3A_478 = arith.cmpi slt, %xor3A_12, %lt3A_477 : vector<16xi32>
          %add3A_479 = arith.constant 16 : i32
          %add3A_480 = vector.broadcast %add3A_479 : i32 to vector<16xi32>
          %add3A_481 = arith.addi %xor3A_12, %add3A_480 : vector<16xi32>
          %select_n3A_482 = arith.select %lt3A_478, %add3A_481, %xor3A_12 : vector<16xi1>, vector<16xi32>
          %broadcast_in_dim3A_483 = vector.shape_cast %select_n3A_482 : vector<16xi32> to vector<16x1xi32>
          %gather3A_484 = vector.shape_cast %broadcast_in_dim3A_483 : vector<16x1xi32> to vector<16xi32>
          %gather3A_485 = tpu.dynamic_gather %add3A_475[%gather3A_484] in [0] : vector<16xf32>, vector<16xi32> -> vector<16xf32>
          %add3A_486 = arith.addf %add3A_475, %gather3A_485 : vector<16xf32>
          %lt3A_487 = arith.constant 0 : i32
          %lt3A_488 = vector.broadcast %lt3A_487 : i32 to vector<16xi32>
          %lt3A_489 = arith.cmpi slt, %xor3A_15, %lt3A_488 : vector<16xi32>
          %add3A_490 = arith.constant 16 : i32
          %add3A_491 = vector.broadcast %add3A_490 : i32 to vector<16xi32>
          %add3A_492 = arith.addi %xor3A_15, %add3A_491 : vector<16xi32>
          %select_n3A_493 = arith.select %lt3A_489, %add3A_492, %xor3A_15 : vector<16xi1>, vector<16xi32>
          %broadcast_in_dim3A_494 = vector.shape_cast %select_n3A_493 : vector<16xi32> to vector<16x1xi32>
          %gather3A_495 = vector.shape_cast %broadcast_in_dim3A_494 : vector<16x1xi32> to vector<16xi32>
          %gather3A_496 = tpu.dynamic_gather %add3A_486[%gather3A_495] in [0] : vector<16xf32>, vector<16xi32> -> vector<16xf32>
          %add3A_497 = arith.addf %add3A_486, %gather3A_496 : vector<16xf32>
          %eq3A = vector.broadcast %scan3A_179 : i32 to vector<16xi32>
          %eq3A_498 = arith.cmpi eq, %iota3A, %eq3A : vector<16xi32>
          %select_n3A_499 = arith.select %eq3A_498, %add3A_497, %scan3A_180 : vector<16xi1>, vector<16xf32>
          scf.yield %select_n3A_499 : vector<16xf32>
        }
        %scan3A_170 = arith.constant 16 : i32
        %mul3A_171 = arith.constant 16 : i32
        %mul3A_172 = arith.muli %sub3A_162, %mul3A_171 : i32
        %add3A_173 = arith.constant 0 : i32
        %add3A_174 = arith.addi %mul3A_172, %add3A_173 : i32
        %swap3A_175 = arith.index_cast %add3A_174 : i32 to index
        %swap3A_176 = tpu.vector_load %arg12[%swap3A_175] {strides = array<i32>} : memref<2048xf32, #tpu.memory_space<vmem>>, vector<16xf32>,
        %swap3A_177 = vector.shape_cast %swap3A_176 : vector<16xf32> to vector<16xf32>
        %swap3A_178 = vector.shape_cast %scan3A_169 : vector<16xf32> to vector<16xf32>
        tpu.vector_store %arg12[%swap3A_175], %swap3A_178 {strides = array<i32>} : memref<2048xf32, #tpu.memory_space<vmem>>, vector<16xf32>,
      } else {
      }
      %mul3A_85 = arith.constant 32 : i32
      %mul3A_86 = arith.muli %add3A_55, %mul3A_85 : i32
      %add3A_87 = arith.addi %mul3A_4, %mul3A_86 : i32
      %dma_start3A_88 = arith.constant 0 : i32
      %dma_start3A_89 = tpu.memref_slice %arg3[%add3A_87, %dma_start3A_88] : memref<131072x128xi32, #tpu.memory_space<hbm>> -> memref<32x128xi32, #tpu.memory_space<hbm>>
      %dma_start3A_90 = arith.constant 0 : i32
      %dma_start3A_91 = tpu.memref_slice %arg3[%add3A_87, %dma_start3A_90] : memref<131072x128xi32, #tpu.memory_space<hbm>> -> memref<32x128xi32, #tpu.memory_space<hbm>>
      tpu.enqueue_dma source(%dma_start3A_91 : memref<32x128xi32, #tpu.memory_space<hbm>>) target(%arg7 : memref<32x128xi32, #tpu.memory_space<vmem>>) target_semaphore(%arg13 : memref<!tpu.dma_semaphore, #tpu.memory_space<semaphore_mem>>)
      %mul3A_92 = arith.constant 16 : i32
      %mul3A_93 = arith.muli %add3A_55, %mul3A_92 : i32
      %add3A_94 = arith.addi %mul3A_2, %mul3A_93 : i32
      %mul3A_95 = arith.constant 256 : i32
      %mul3A_96 = arith.muli %add3A_94, %mul3A_95 : i32
      %dma_start3A_97 = tpu.memref_slice %arg4[%mul3A_96] : memref<16777216xf32, #tpu.memory_space<hbm>> -> memref<4096xf32, #tpu.memory_space<hbm>>
      %dma_start3A_98 = tpu.memref_slice %arg4[%mul3A_96] : memref<16777216xf32, #tpu.memory_space<hbm>> -> memref<4096xf32, #tpu.memory_space<hbm>>
      tpu.enqueue_dma source(%dma_start3A_98 : memref<4096xf32, #tpu.memory_space<hbm>>) target(%arg11 : memref<4096xf32, #tpu.memory_space<vmem>>) target_semaphore(%arg13 : memref<!tpu.dma_semaphore, #tpu.memory_space<semaphore_mem>>)
      %mul3A_99 = arith.constant 32 : i32
      %mul3A_100 = arith.muli %add3A_55, %mul3A_99 : i32
      %add3A_101 = arith.addi %mul3A_4, %mul3A_100 : i32
      %dma_wait3A_102 = arith.constant 0 : i32
      %dma_wait3A_103 = tpu.memref_slice %arg3[%add3A_101, %dma_wait3A_102] : memref<131072x128xi32, #tpu.memory_space<hbm>> -> memref<32x128xi32, #tpu.memory_space<hbm>>
      %dma_wait3A_104 = arith.constant 0 : i32
      %dma_wait3A_105 = tpu.memref_slice %arg3[%add3A_101, %dma_wait3A_104] : memref<131072x128xi32, #tpu.memory_space<hbm>> -> memref<32x128xi32, #tpu.memory_space<hbm>>
      tpu.wait_dma2 semaphore(%arg13 : memref<!tpu.dma_semaphore, #tpu.memory_space<semaphore_mem>>) src(%dma_wait3A_105 : memref<32x128xi32, #tpu.memory_space<hbm>>) dst(%arg7 : memref<32x128xi32, #tpu.memory_space<vmem>>)
      %mul3A_106 = arith.constant 16 : i32
      %mul3A_107 = arith.muli %add3A_55, %mul3A_106 : i32
      %add3A_108 = arith.addi %mul3A_2, %mul3A_107 : i32
      %mul3A_109 = arith.constant 256 : i32
      %mul3A_110 = arith.muli %add3A_108, %mul3A_109 : i32
      %dma_wait3A_111 = tpu.memref_slice %arg4[%mul3A_110] : memref<16777216xf32, #tpu.memory_space<hbm>> -> memref<4096xf32, #tpu.memory_space<hbm>>
      %dma_wait3A_112 = tpu.memref_slice %arg4[%mul3A_110] : memref<16777216xf32, #tpu.memory_space<hbm>> -> memref<4096xf32, #tpu.memory_space<hbm>>
      tpu.wait_dma2 semaphore(%arg13 : memref<!tpu.dma_semaphore, #tpu.memory_space<semaphore_mem>>) src(%dma_wait3A_112 : memref<4096xf32, #tpu.memory_space<hbm>>) dst(%arg11 : memref<4096xf32, #tpu.memory_space<vmem>>)
      %scan3A_113 = arith.constant 0 : i32
      %scan3A_114 = arith.constant 0 : i32
      %scan3A_115 = arith.constant 32 : i32
      %scan3A_116 = arith.addi %scan3A_114, %scan3A_115 : i32
      %scan3A_117 = arith.constant 1 : i32
      %scan3A_118 = scf.for %scan3A_155 = %scan3A_114 to %scan3A_116 step %scan3A_117 iter_args(%scan3A_156 = %scan3A_113) -> (i32)  : i32 {
        %get3A = arith.index_cast %scan3A_155 : i32 to index
        %get3A_157 = arith.constant 0 : index
        %get3A_158 = tpu.vector_load %arg7[%get3A, %get3A_157] {strides = array<i32>} : memref<32x128xi32, #tpu.memory_space<vmem>>, vector<1x16xi32>,
        %get3A_159 = vector.shape_cast %get3A_158 : vector<1x16xi32> to vector<16xi32>
        %xor3A_160 = arith.constant 16711680 : i32
        %xor3A_161 = vector.broadcast %xor3A_160 : i32 to vector<16xi32>
        %xor3A_162 = arith.xori %get3A_159, %xor3A_161 : vector<16xi32>
        %swap3A_163 = arith.index_cast %scan3A_155 : i32 to index
        %swap3A_164 = arith.constant 0 : index
        %swap3A_165 = tpu.vector_load %arg7[%swap3A_163, %swap3A_164] {strides = array<i32>} : memref<32x128xi32, #tpu.memory_space<vmem>>, vector<1x16xi32>,
        %swap3A_166 = vector.shape_cast %swap3A_165 : vector<1x16xi32> to vector<16xi32>
        %swap3A_167 = vector.shape_cast %xor3A_162 : vector<16xi32> to vector<1x16xi32>
        tpu.vector_store %arg7[%swap3A_163, %swap3A_164], %swap3A_167 {strides = array<i32>} : memref<32x128xi32, #tpu.memory_space<vmem>>, vector<1x16xi32>,
        %get3A_168 = arith.index_cast %scan3A_155 : i32 to index
        %get3A_169 = arith.constant 16 : index
        %get3A_170 = tpu.vector_load %arg7[%get3A_168, %get3A_169] {strides = array<i32>} : memref<32x128xi32, #tpu.memory_space<vmem>>, vector<1x16xi32>,
        %get3A_171 = vector.shape_cast %get3A_170 : vector<1x16xi32> to vector<16xi32>
        %xor3A_172 = arith.constant 16711680 : i32
        %xor3A_173 = vector.broadcast %xor3A_172 : i32 to vector<16xi32>
        %xor3A_174 = arith.xori %get3A_171, %xor3A_173 : vector<16xi32>
        %swap3A_175 = arith.index_cast %scan3A_155 : i32 to index
        %swap3A_176 = arith.constant 16 : index
        %swap3A_177 = tpu.vector_load %arg7[%swap3A_175, %swap3A_176] {strides = array<i32>} : memref<32x128xi32, #tpu.memory_space<vmem>>, vector<1x16xi32>,
        %swap3A_178 = vector.shape_cast %swap3A_177 : vector<1x16xi32> to vector<16xi32>
        %swap3A_179 = vector.shape_cast %xor3A_174 : vector<16xi32> to vector<1x16xi32>
        tpu.vector_store %arg7[%swap3A_175, %swap3A_176], %swap3A_179 {strides = array<i32>} : memref<32x128xi32, #tpu.memory_space<vmem>>, vector<1x16xi32>,
        %get3A_180 = arith.index_cast %scan3A_155 : i32 to index
        %get3A_181 = arith.constant 32 : index
        %get3A_182 = tpu.vector_load %arg7[%get3A_180, %get3A_181] {strides = array<i32>} : memref<32x128xi32, #tpu.memory_space<vmem>>, vector<1x16xi32>,
        %get3A_183 = vector.shape_cast %get3A_182 : vector<1x16xi32> to vector<16xi32>
        %xor3A_184 = arith.constant 16711680 : i32
        %xor3A_185 = vector.broadcast %xor3A_184 : i32 to vector<16xi32>
        %xor3A_186 = arith.xori %get3A_183, %xor3A_185 : vector<16xi32>
        %swap3A_187 = arith.index_cast %scan3A_155 : i32 to index
        %swap3A_188 = arith.constant 32 : index
        %swap3A_189 = tpu.vector_load %arg7[%swap3A_187, %swap3A_188] {strides = array<i32>} : memref<32x128xi32, #tpu.memory_space<vmem>>, vector<1x16xi32>,
        %swap3A_190 = vector.shape_cast %swap3A_189 : vector<1x16xi32> to vector<16xi32>
        %swap3A_191 = vector.shape_cast %xor3A_186 : vector<16xi32> to vector<1x16xi32>
        tpu.vector_store %arg7[%swap3A_187, %swap3A_188], %swap3A_191 {strides = array<i32>} : memref<32x128xi32, #tpu.memory_space<vmem>>, vector<1x16xi32>,
        %get3A_192 = arith.index_cast %scan3A_155 : i32 to index
        %get3A_193 = arith.constant 48 : index
        %get3A_194 = tpu.vector_load %arg7[%get3A_192, %get3A_193] {strides = array<i32>} : memref<32x128xi32, #tpu.memory_space<vmem>>, vector<1x16xi32>,
        %get3A_195 = vector.shape_cast %get3A_194 : vector<1x16xi32> to vector<16xi32>
        %xor3A_196 = arith.constant 16711680 : i32
        %xor3A_197 = vector.broadcast %xor3A_196 : i32 to vector<16xi32>
        %xor3A_198 = arith.xori %get3A_195, %xor3A_197 : vector<16xi32>
        %swap3A_199 = arith.index_cast %scan3A_155 : i32 to index
        %swap3A_200 = arith.constant 48 : index
        %swap3A_201 = tpu.vector_load %arg7[%swap3A_199, %swap3A_200] {strides = array<i32>} : memref<32x128xi32, #tpu.memory_space<vmem>>, vector<1x16xi32>,
        %swap3A_202 = vector.shape_cast %swap3A_201 : vector<1x16xi32> to vector<16xi32>
        %swap3A_203 = vector.shape_cast %xor3A_198 : vector<16xi32> to vector<1x16xi32>
        tpu.vector_store %arg7[%swap3A_199, %swap3A_200], %swap3A_203 {strides = array<i32>} : memref<32x128xi32, #tpu.memory_space<vmem>>, vector<1x16xi32>,
        %get3A_204 = arith.index_cast %scan3A_155 : i32 to index
        %get3A_205 = arith.constant 64 : index
        %get3A_206 = tpu.vector_load %arg7[%get3A_204, %get3A_205] {strides = array<i32>} : memref<32x128xi32, #tpu.memory_space<vmem>>, vector<1x16xi32>,
        %get3A_207 = vector.shape_cast %get3A_206 : vector<1x16xi32> to vector<16xi32>
        %xor3A_208 = arith.constant 16711680 : i32
        %xor3A_209 = vector.broadcast %xor3A_208 : i32 to vector<16xi32>
        %xor3A_210 = arith.xori %get3A_207, %xor3A_209 : vector<16xi32>
        %swap3A_211 = arith.index_cast %scan3A_155 : i32 to index
        %swap3A_212 = arith.constant 64 : index
        %swap3A_213 = tpu.vector_load %arg7[%swap3A_211, %swap3A_212] {strides = array<i32>} : memref<32x128xi32, #tpu.memory_space<vmem>>, vector<1x16xi32>,
        %swap3A_214 = vector.shape_cast %swap3A_213 : vector<1x16xi32> to vector<16xi32>
        %swap3A_215 = vector.shape_cast %xor3A_210 : vector<16xi32> to vector<1x16xi32>
        tpu.vector_store %arg7[%swap3A_211, %swap3A_212], %swap3A_215 {strides = array<i32>} : memref<32x128xi32, #tpu.memory_space<vmem>>, vector<1x16xi32>,
        %get3A_216 = arith.index_cast %scan3A_155 : i32 to index
        %get3A_217 = arith.constant 80 : index
        %get3A_218 = tpu.vector_load %arg7[%get3A_216, %get3A_217] {strides = array<i32>} : memref<32x128xi32, #tpu.memory_space<vmem>>, vector<1x16xi32>,
        %get3A_219 = vector.shape_cast %get3A_218 : vector<1x16xi32> to vector<16xi32>
        %xor3A_220 = arith.constant 16711680 : i32
        %xor3A_221 = vector.broadcast %xor3A_220 : i32 to vector<16xi32>
        %xor3A_222 = arith.xori %get3A_219, %xor3A_221 : vector<16xi32>
        %swap3A_223 = arith.index_cast %scan3A_155 : i32 to index
        %swap3A_224 = arith.constant 80 : index
        %swap3A_225 = tpu.vector_load %arg7[%swap3A_223, %swap3A_224] {strides = array<i32>} : memref<32x128xi32, #tpu.memory_space<vmem>>, vector<1x16xi32>,
        %swap3A_226 = vector.shape_cast %swap3A_225 : vector<1x16xi32> to vector<16xi32>
        %swap3A_227 = vector.shape_cast %xor3A_222 : vector<16xi32> to vector<1x16xi32>
        tpu.vector_store %arg7[%swap3A_223, %swap3A_224], %swap3A_227 {strides = array<i32>} : memref<32x128xi32, #tpu.memory_space<vmem>>, vector<1x16xi32>,
        %get3A_228 = arith.index_cast %scan3A_155 : i32 to index
        %get3A_229 = arith.constant 96 : index
        %get3A_230 = tpu.vector_load %arg7[%get3A_228, %get3A_229] {strides = array<i32>} : memref<32x128xi32, #tpu.memory_space<vmem>>, vector<1x16xi32>,
        %get3A_231 = vector.shape_cast %get3A_230 : vector<1x16xi32> to vector<16xi32>
        %xor3A_232 = arith.constant 16711680 : i32
        %xor3A_233 = vector.broadcast %xor3A_232 : i32 to vector<16xi32>
        %xor3A_234 = arith.xori %get3A_231, %xor3A_233 : vector<16xi32>
        %swap3A_235 = arith.index_cast %scan3A_155 : i32 to index
        %swap3A_236 = arith.constant 96 : index
        %swap3A_237 = tpu.vector_load %arg7[%swap3A_235, %swap3A_236] {strides = array<i32>} : memref<32x128xi32, #tpu.memory_space<vmem>>, vector<1x16xi32>,
        %swap3A_238 = vector.shape_cast %swap3A_237 : vector<1x16xi32> to vector<16xi32>
        %swap3A_239 = vector.shape_cast %xor3A_234 : vector<16xi32> to vector<1x16xi32>
        tpu.vector_store %arg7[%swap3A_235, %swap3A_236], %swap3A_239 {strides = array<i32>} : memref<32x128xi32, #tpu.memory_space<vmem>>, vector<1x16xi32>,
        %get3A_240 = arith.index_cast %scan3A_155 : i32 to index
        %get3A_241 = arith.constant 112 : index
        %get3A_242 = tpu.vector_load %arg7[%get3A_240, %get3A_241] {strides = array<i32>} : memref<32x128xi32, #tpu.memory_space<vmem>>, vector<1x16xi32>,
        %get3A_243 = vector.shape_cast %get3A_242 : vector<1x16xi32> to vector<16xi32>
        %xor3A_244 = arith.constant 16711680 : i32
        %xor3A_245 = vector.broadcast %xor3A_244 : i32 to vector<16xi32>
        %xor3A_246 = arith.xori %get3A_243, %xor3A_245 : vector<16xi32>
        %swap3A_247 = arith.index_cast %scan3A_155 : i32 to index
        %swap3A_248 = arith.constant 112 : index
        %swap3A_249 = tpu.vector_load %arg7[%swap3A_247, %swap3A_248] {strides = array<i32>} : memref<32x128xi32, #tpu.memory_space<vmem>>, vector<1x16xi32>,
        %swap3A_250 = vector.shape_cast %swap3A_249 : vector<1x16xi32> to vector<16xi32>
        %swap3A_251 = vector.shape_cast %xor3A_246 : vector<16xi32> to vector<1x16xi32>
        tpu.vector_store %arg7[%swap3A_247, %swap3A_248], %swap3A_251 {strides = array<i32>} : memref<32x128xi32, #tpu.memory_space<vmem>>, vector<1x16xi32>,
        %scan3A_252 = arith.constant 0 : i32
        scf.yield %scan3A_252 : i32
      }
      %scan3A_119 = arith.constant 32 : i32
      %scan3A_120 = arith.constant 0 : i32
      %scan3A_121 = arith.constant 0 : i32
      %scan3A_122 = arith.constant 32 : i32
      %scan3A_123 = arith.addi %scan3A_121, %scan3A_122 : i32
      %scan3A_124 = arith.constant 1 : i32
      %scan3A_125 = scf.for %scan3A_155 = %scan3A_121 to %scan3A_123 step %scan3A_124 iter_args(%scan3A_156 = %scan3A_120) -> (i32)  : i32 {
        %dma_start3A_157 = arith.constant 0 : i32
        %dma_start3A_158 = tpu.memref_slice %arg9[%scan3A_155, %dma_start3A_157] : memref<32x128xf32, #tpu.memory_space<vmem>> -> memref<1x128xf32, #tpu.memory_space<vmem>>
        %dma_start3A_159 = tpu.memref_squeeze %dma_start3A_158 : memref<1x128xf32, #tpu.memory_space<vmem>> -> memref<128xf32, #tpu.memory_space<vmem>>
        %dma_start3A_160 = arith.constant 0 : i32
        %dma_start3A_161 = tpu.memref_slice %arg7[%scan3A_155, %dma_start3A_160] : memref<32x128xi32, #tpu.memory_space<vmem>> -> memref<1x128xi32, #tpu.memory_space<vmem>>
        %dma_start3A_162 = tpu.memref_squeeze %dma_start3A_161 : memref<1x128xi32, #tpu.memory_space<vmem>> -> memref<128xi32, #tpu.memory_space<vmem>>
        %dma_start3A_163 = arith.constant 0 : i32
        %dma_start3A_164 = tpu.memref_slice %arg2[%dma_start3A_163] : memref<16777216xf32, #tpu.memory_space<hbm>> -> memref<16777216xf32, #tpu.memory_space<hbm>>
        tpu.enqueue_indirect_dma source(%dma_start3A_164 : memref<16777216xf32, #tpu.memory_space<hbm>>) target(%dma_start3A_159 : memref<128xf32, #tpu.memory_space<vmem>>) offsets(%dma_start3A_162 : memref<128xi32, #tpu.memory_space<vmem>>) semaphore(%arg15 : memref<!tpu.dma_semaphore, #tpu.memory_space<semaphore_mem>>)
        %scan3A_165 = arith.constant 0 : i32
        scf.yield %scan3A_165 : i32
      }
      %scan3A_126 = arith.constant 32 : i32
      %scan3A_127 = arith.constant 0 : i32
      %scan3A_128 = arith.constant 0 : i32
      %scan3A_129 = arith.constant 32 : i32
      %scan3A_130 = arith.addi %scan3A_128, %scan3A_129 : i32
      %scan3A_131 = arith.constant 1 : i32
      %scan3A_132 = scf.for %scan3A_155 = %scan3A_128 to %scan3A_130 step %scan3A_131 iter_args(%scan3A_156 = %scan3A_127) -> (i32)  : i32 {
        %dma_wait3A_157 = arith.constant 0 : i32
        %dma_wait3A_158 = tpu.memref_slice %arg8[%scan3A_155, %dma_wait3A_157] : memref<32x128xf32, #tpu.memory_space<vmem>> -> memref<1x128xf32, #tpu.memory_space<vmem>>
        %dma_wait3A_159 = tpu.memref_squeeze %dma_wait3A_158 : memref<1x128xf32, #tpu.memory_space<vmem>> -> memref<128xf32, #tpu.memory_space<vmem>>
        %dma_wait3A_160 = arith.constant 0 : i32
        %dma_wait3A_161 = tpu.memref_slice %arg6[%scan3A_155, %dma_wait3A_160] : memref<32x128xi32, #tpu.memory_space<vmem>> -> memref<1x128xi32, #tpu.memory_space<vmem>>
        %dma_wait3A_162 = tpu.memref_squeeze %dma_wait3A_161 : memref<1x128xi32, #tpu.memory_space<vmem>> -> memref<128xi32, #tpu.memory_space<vmem>>
        %dma_wait3A_163 = arith.constant 0 : i32
        %dma_wait3A_164 = tpu.memref_slice %arg2[%dma_wait3A_163] : memref<16777216xf32, #tpu.memory_space<hbm>> -> memref<16777216xf32, #tpu.memory_space<hbm>>
        tpu.wait_indirect_dma semaphore(%arg14 : memref<!tpu.dma_semaphore, #tpu.memory_space<semaphore_mem>>) src(%dma_wait3A_164 : memref<16777216xf32, #tpu.memory_space<hbm>>) dst(%dma_wait3A_159 : memref<128xf32, #tpu.memory_space<vmem>>)
        %scan3A_165 = arith.constant 0 : i32
        scf.yield %scan3A_165 : i32
      }
      %scan3A_133 = arith.constant 32 : i32
      %broadcast_in_dim3A_134 = arith.constant 0.000000e+00 : f32
      %broadcast_in_dim3A_135 = vector.broadcast %broadcast_in_dim3A_134 : f32 to vector<16xf32>
      %scan3A_136 = arith.constant 0 : i32
      %scan3A_137 = arith.constant 16 : i32
      %scan3A_138 = arith.addi %scan3A_136, %scan3A_137 : i32
      %scan3A_139 = arith.constant 1 : i32
      %scan3A_140 = scf.for %scan3A_155 = %scan3A_136 to %scan3A_138 step %scan3A_139 iter_args(%scan3A_156 = %broadcast_in_dim3A_135) -> (vector<16xf32>)  : i32 {
        %add3A_157 = arith.constant 0 : i32
        %add3A_158 = arith.addi %add3A_157, %scan3A_155 : i32
        %broadcast_in_dim3A_159 = arith.constant 0.000000e+00 : f32
        %broadcast_in_dim3A_160 = vector.broadcast %broadcast_in_dim3A_159 : f32 to vector<16xf32>
        %mul3A_161 = arith.constant 2 : i32
        %mul3A_162 = arith.muli %mul3A_161, %add3A_158 : i32
        %add3A_163 = arith.constant 0 : i32
        %add3A_164 = arith.addi %mul3A_162, %add3A_163 : i32
        %get3A = arith.index_cast %add3A_164 : i32 to index
        %get3A_165 = arith.constant 0 : index
        %get3A_166 = tpu.vector_load %arg8[%get3A, %get3A_165] {strides = array<i32>} : memref<32x128xf32, #tpu.memory_space<vmem>>, vector<1x16xf32>,
        %get3A_167 = vector.shape_cast %get3A_166 : vector<1x16xf32> to vector<16xf32>
        %mul3A_168 = arith.constant 256 : i32
        %mul3A_169 = arith.muli %add3A_158, %mul3A_168 : i32
        %add3A_170 = arith.constant 0 : i32
        %add3A_171 = arith.addi %mul3A_169, %add3A_170 : i32
        %get3A_172 = arith.index_cast %add3A_171 : i32 to index
        %get3A_173 = tpu.vector_load %arg10[%get3A_172] {strides = array<i32>} : memref<4096xf32, #tpu.memory_space<vmem>>, vector<16xf32>,
        %get3A_174 = vector.shape_cast %get3A_173 : vector<16xf32> to vector<16xf32>
        %mul3A_175 = arith.mulf %get3A_167, %get3A_174 : vector<16xf32>
        %add3A_176 = arith.addf %broadcast_in_dim3A_160, %mul3A_175 : vector<16xf32>
        %mul3A_177 = arith.constant 2 : i32
        %mul3A_178 = arith.muli %mul3A_177, %add3A_158 : i32
        %add3A_179 = arith.constant 0 : i32
        %add3A_180 = arith.addi %mul3A_178, %add3A_179 : i32
        %get3A_181 = arith.index_cast %add3A_180 : i32 to index
        %get3A_182 = arith.constant 16 : index
        %get3A_183 = tpu.vector_load %arg8[%get3A_181, %get3A_182] {strides = array<i32>} : memref<32x128xf32, #tpu.memory_space<vmem>>, vector<1x16xf32>,
        %get3A_184 = vector.shape_cast %get3A_183 : vector<1x16xf32> to vector<16xf32>
        %mul3A_185 = arith.constant 256 : i32
        %mul3A_186 = arith.muli %add3A_158, %mul3A_185 : i32
        %add3A_187 = arith.constant 16 : i32
        %add3A_188 = arith.addi %mul3A_186, %add3A_187 : i32
        %get3A_189 = arith.index_cast %add3A_188 : i32 to index
        %get3A_190 = tpu.vector_load %arg10[%get3A_189] {strides = array<i32>} : memref<4096xf32, #tpu.memory_space<vmem>>, vector<16xf32>,
        %get3A_191 = vector.shape_cast %get3A_190 : vector<16xf32> to vector<16xf32>
        %mul3A_192 = arith.mulf %get3A_184, %get3A_191 : vector<16xf32>
        %add3A_193 = arith.addf %add3A_176, %mul3A_192 : vector<16xf32>
        %mul3A_194 = arith.constant 2 : i32
        %mul3A_195 = arith.muli %mul3A_194, %add3A_158 : i32
        %add3A_196 = arith.constant 0 : i32
        %add3A_197 = arith.addi %mul3A_195, %add3A_196 : i32
        %get3A_198 = arith.index_cast %add3A_197 : i32 to index
        %get3A_199 = arith.constant 32 : index
        %get3A_200 = tpu.vector_load %arg8[%get3A_198, %get3A_199] {strides = array<i32>} : memref<32x128xf32, #tpu.memory_space<vmem>>, vector<1x16xf32>,
        %get3A_201 = vector.shape_cast %get3A_200 : vector<1x16xf32> to vector<16xf32>
        %mul3A_202 = arith.constant 256 : i32
        %mul3A_203 = arith.muli %add3A_158, %mul3A_202 : i32
        %add3A_204 = arith.constant 32 : i32
        %add3A_205 = arith.addi %mul3A_203, %add3A_204 : i32
        %get3A_206 = arith.index_cast %add3A_205 : i32 to index
        %get3A_207 = tpu.vector_load %arg10[%get3A_206] {strides = array<i32>} : memref<4096xf32, #tpu.memory_space<vmem>>, vector<16xf32>,
        %get3A_208 = vector.shape_cast %get3A_207 : vector<16xf32> to vector<16xf32>
        %mul3A_209 = arith.mulf %get3A_201, %get3A_208 : vector<16xf32>
        %add3A_210 = arith.addf %add3A_193, %mul3A_209 : vector<16xf32>
        %mul3A_211 = arith.constant 2 : i32
        %mul3A_212 = arith.muli %mul3A_211, %add3A_158 : i32
        %add3A_213 = arith.constant 0 : i32
        %add3A_214 = arith.addi %mul3A_212, %add3A_213 : i32
        %get3A_215 = arith.index_cast %add3A_214 : i32 to index
        %get3A_216 = arith.constant 48 : index
        %get3A_217 = tpu.vector_load %arg8[%get3A_215, %get3A_216] {strides = array<i32>} : memref<32x128xf32, #tpu.memory_space<vmem>>, vector<1x16xf32>,
        %get3A_218 = vector.shape_cast %get3A_217 : vector<1x16xf32> to vector<16xf32>
        %mul3A_219 = arith.constant 256 : i32
        %mul3A_220 = arith.muli %add3A_158, %mul3A_219 : i32
        %add3A_221 = arith.constant 48 : i32
        %add3A_222 = arith.addi %mul3A_220, %add3A_221 : i32
        %get3A_223 = arith.index_cast %add3A_222 : i32 to index
        %get3A_224 = tpu.vector_load %arg10[%get3A_223] {strides = array<i32>} : memref<4096xf32, #tpu.memory_space<vmem>>, vector<16xf32>,
        %get3A_225 = vector.shape_cast %get3A_224 : vector<16xf32> to vector<16xf32>
        %mul3A_226 = arith.mulf %get3A_218, %get3A_225 : vector<16xf32>
        %add3A_227 = arith.addf %add3A_210, %mul3A_226 : vector<16xf32>
        %mul3A_228 = arith.constant 2 : i32
        %mul3A_229 = arith.muli %mul3A_228, %add3A_158 : i32
        %add3A_230 = arith.constant 0 : i32
        %add3A_231 = arith.addi %mul3A_229, %add3A_230 : i32
        %get3A_232 = arith.index_cast %add3A_231 : i32 to index
        %get3A_233 = arith.constant 64 : index
        %get3A_234 = tpu.vector_load %arg8[%get3A_232, %get3A_233] {strides = array<i32>} : memref<32x128xf32, #tpu.memory_space<vmem>>, vector<1x16xf32>,
        %get3A_235 = vector.shape_cast %get3A_234 : vector<1x16xf32> to vector<16xf32>
        %mul3A_236 = arith.constant 256 : i32
        %mul3A_237 = arith.muli %add3A_158, %mul3A_236 : i32
        %add3A_238 = arith.constant 64 : i32
        %add3A_239 = arith.addi %mul3A_237, %add3A_238 : i32
        %get3A_240 = arith.index_cast %add3A_239 : i32 to index
        %get3A_241 = tpu.vector_load %arg10[%get3A_240] {strides = array<i32>} : memref<4096xf32, #tpu.memory_space<vmem>>, vector<16xf32>,
        %get3A_242 = vector.shape_cast %get3A_241 : vector<16xf32> to vector<16xf32>
        %mul3A_243 = arith.mulf %get3A_235, %get3A_242 : vector<16xf32>
        %add3A_244 = arith.addf %add3A_227, %mul3A_243 : vector<16xf32>
        %mul3A_245 = arith.constant 2 : i32
        %mul3A_246 = arith.muli %mul3A_245, %add3A_158 : i32
        %add3A_247 = arith.constant 0 : i32
        %add3A_248 = arith.addi %mul3A_246, %add3A_247 : i32
        %get3A_249 = arith.index_cast %add3A_248 : i32 to index
        %get3A_250 = arith.constant 80 : index
        %get3A_251 = tpu.vector_load %arg8[%get3A_249, %get3A_250] {strides = array<i32>} : memref<32x128xf32, #tpu.memory_space<vmem>>, vector<1x16xf32>,
        %get3A_252 = vector.shape_cast %get3A_251 : vector<1x16xf32> to vector<16xf32>
        %mul3A_253 = arith.constant 256 : i32
        %mul3A_254 = arith.muli %add3A_158, %mul3A_253 : i32
        %add3A_255 = arith.constant 80 : i32
        %add3A_256 = arith.addi %mul3A_254, %add3A_255 : i32
        %get3A_257 = arith.index_cast %add3A_256 : i32 to index
        %get3A_258 = tpu.vector_load %arg10[%get3A_257] {strides = array<i32>} : memref<4096xf32, #tpu.memory_space<vmem>>, vector<16xf32>,
        %get3A_259 = vector.shape_cast %get3A_258 : vector<16xf32> to vector<16xf32>
        %mul3A_260 = arith.mulf %get3A_252, %get3A_259 : vector<16xf32>
        %add3A_261 = arith.addf %add3A_244, %mul3A_260 : vector<16xf32>
        %mul3A_262 = arith.constant 2 : i32
        %mul3A_263 = arith.muli %mul3A_262, %add3A_158 : i32
        %add3A_264 = arith.constant 0 : i32
        %add3A_265 = arith.addi %mul3A_263, %add3A_264 : i32
        %get3A_266 = arith.index_cast %add3A_265 : i32 to index
        %get3A_267 = arith.constant 96 : index
        %get3A_268 = tpu.vector_load %arg8[%get3A_266, %get3A_267] {strides = array<i32>} : memref<32x128xf32, #tpu.memory_space<vmem>>, vector<1x16xf32>,
        %get3A_269 = vector.shape_cast %get3A_268 : vector<1x16xf32> to vector<16xf32>
        %mul3A_270 = arith.constant 256 : i32
        %mul3A_271 = arith.muli %add3A_158, %mul3A_270 : i32
        %add3A_272 = arith.constant 96 : i32
        %add3A_273 = arith.addi %mul3A_271, %add3A_272 : i32
        %get3A_274 = arith.index_cast %add3A_273 : i32 to index
        %get3A_275 = tpu.vector_load %arg10[%get3A_274] {strides = array<i32>} : memref<4096xf32, #tpu.memory_space<vmem>>, vector<16xf32>,
        %get3A_276 = vector.shape_cast %get3A_275 : vector<16xf32> to vector<16xf32>
        %mul3A_277 = arith.mulf %get3A_269, %get3A_276 : vector<16xf32>
        %add3A_278 = arith.addf %add3A_261, %mul3A_277 : vector<16xf32>
        %mul3A_279 = arith.constant 2 : i32
        %mul3A_280 = arith.muli %mul3A_279, %add3A_158 : i32
        %add3A_281 = arith.constant 0 : i32
        %add3A_282 = arith.addi %mul3A_280, %add3A_281 : i32
        %get3A_283 = arith.index_cast %add3A_282 : i32 to index
        %get3A_284 = arith.constant 112 : index
        %get3A_285 = tpu.vector_load %arg8[%get3A_283, %get3A_284] {strides = array<i32>} : memref<32x128xf32, #tpu.memory_space<vmem>>, vector<1x16xf32>,
        %get3A_286 = vector.shape_cast %get3A_285 : vector<1x16xf32> to vector<16xf32>
        %mul3A_287 = arith.constant 256 : i32
        %mul3A_288 = arith.muli %add3A_158, %mul3A_287 : i32
        %add3A_289 = arith.constant 112 : i32
        %add3A_290 = arith.addi %mul3A_288, %add3A_289 : i32
        %get3A_291 = arith.index_cast %add3A_290 : i32 to index
        %get3A_292 = tpu.vector_load %arg10[%get3A_291] {strides = array<i32>} : memref<4096xf32, #tpu.memory_space<vmem>>, vector<16xf32>,
        %get3A_293 = vector.shape_cast %get3A_292 : vector<16xf32> to vector<16xf32>
        %mul3A_294 = arith.mulf %get3A_286, %get3A_293 : vector<16xf32>
        %add3A_295 = arith.addf %add3A_278, %mul3A_294 : vector<16xf32>
        %mul3A_296 = arith.constant 2 : i32
        %mul3A_297 = arith.muli %mul3A_296, %add3A_158 : i32
        %add3A_298 = arith.constant 1 : i32
        %add3A_299 = arith.addi %mul3A_297, %add3A_298 : i32
        %get3A_300 = arith.index_cast %add3A_299 : i32 to index
        %get3A_301 = arith.constant 0 : index
        %get3A_302 = tpu.vector_load %arg8[%get3A_300, %get3A_301] {strides = array<i32>} : memref<32x128xf32, #tpu.memory_space<vmem>>, vector<1x16xf32>,
        %get3A_303 = vector.shape_cast %get3A_302 : vector<1x16xf32> to vector<16xf32>
        %mul3A_304 = arith.constant 256 : i32
        %mul3A_305 = arith.muli %add3A_158, %mul3A_304 : i32
        %add3A_306 = arith.constant 128 : i32
        %add3A_307 = arith.addi %mul3A_305, %add3A_306 : i32
        %get3A_308 = arith.index_cast %add3A_307 : i32 to index
        %get3A_309 = tpu.vector_load %arg10[%get3A_308] {strides = array<i32>} : memref<4096xf32, #tpu.memory_space<vmem>>, vector<16xf32>,
        %get3A_310 = vector.shape_cast %get3A_309 : vector<16xf32> to vector<16xf32>
        %mul3A_311 = arith.mulf %get3A_303, %get3A_310 : vector<16xf32>
        %add3A_312 = arith.addf %add3A_295, %mul3A_311 : vector<16xf32>
        %mul3A_313 = arith.constant 2 : i32
        %mul3A_314 = arith.muli %mul3A_313, %add3A_158 : i32
        %add3A_315 = arith.constant 1 : i32
        %add3A_316 = arith.addi %mul3A_314, %add3A_315 : i32
        %get3A_317 = arith.index_cast %add3A_316 : i32 to index
        %get3A_318 = arith.constant 16 : index
        %get3A_319 = tpu.vector_load %arg8[%get3A_317, %get3A_318] {strides = array<i32>} : memref<32x128xf32, #tpu.memory_space<vmem>>, vector<1x16xf32>,
        %get3A_320 = vector.shape_cast %get3A_319 : vector<1x16xf32> to vector<16xf32>
        %mul3A_321 = arith.constant 256 : i32
        %mul3A_322 = arith.muli %add3A_158, %mul3A_321 : i32
        %add3A_323 = arith.constant 144 : i32
        %add3A_324 = arith.addi %mul3A_322, %add3A_323 : i32
        %get3A_325 = arith.index_cast %add3A_324 : i32 to index
        %get3A_326 = tpu.vector_load %arg10[%get3A_325] {strides = array<i32>} : memref<4096xf32, #tpu.memory_space<vmem>>, vector<16xf32>,
        %get3A_327 = vector.shape_cast %get3A_326 : vector<16xf32> to vector<16xf32>
        %mul3A_328 = arith.mulf %get3A_320, %get3A_327 : vector<16xf32>
        %add3A_329 = arith.addf %add3A_312, %mul3A_328 : vector<16xf32>
        %mul3A_330 = arith.constant 2 : i32
        %mul3A_331 = arith.muli %mul3A_330, %add3A_158 : i32
        %add3A_332 = arith.constant 1 : i32
        %add3A_333 = arith.addi %mul3A_331, %add3A_332 : i32
        %get3A_334 = arith.index_cast %add3A_333 : i32 to index
        %get3A_335 = arith.constant 32 : index
        %get3A_336 = tpu.vector_load %arg8[%get3A_334, %get3A_335] {strides = array<i32>} : memref<32x128xf32, #tpu.memory_space<vmem>>, vector<1x16xf32>,
        %get3A_337 = vector.shape_cast %get3A_336 : vector<1x16xf32> to vector<16xf32>
        %mul3A_338 = arith.constant 256 : i32
        %mul3A_339 = arith.muli %add3A_158, %mul3A_338 : i32
        %add3A_340 = arith.constant 160 : i32
        %add3A_341 = arith.addi %mul3A_339, %add3A_340 : i32
        %get3A_342 = arith.index_cast %add3A_341 : i32 to index
        %get3A_343 = tpu.vector_load %arg10[%get3A_342] {strides = array<i32>} : memref<4096xf32, #tpu.memory_space<vmem>>, vector<16xf32>,
        %get3A_344 = vector.shape_cast %get3A_343 : vector<16xf32> to vector<16xf32>
        %mul3A_345 = arith.mulf %get3A_337, %get3A_344 : vector<16xf32>
        %add3A_346 = arith.addf %add3A_329, %mul3A_345 : vector<16xf32>
        %mul3A_347 = arith.constant 2 : i32
        %mul3A_348 = arith.muli %mul3A_347, %add3A_158 : i32
        %add3A_349 = arith.constant 1 : i32
        %add3A_350 = arith.addi %mul3A_348, %add3A_349 : i32
        %get3A_351 = arith.index_cast %add3A_350 : i32 to index
        %get3A_352 = arith.constant 48 : index
        %get3A_353 = tpu.vector_load %arg8[%get3A_351, %get3A_352] {strides = array<i32>} : memref<32x128xf32, #tpu.memory_space<vmem>>, vector<1x16xf32>,
        %get3A_354 = vector.shape_cast %get3A_353 : vector<1x16xf32> to vector<16xf32>
        %mul3A_355 = arith.constant 256 : i32
        %mul3A_356 = arith.muli %add3A_158, %mul3A_355 : i32
        %add3A_357 = arith.constant 176 : i32
        %add3A_358 = arith.addi %mul3A_356, %add3A_357 : i32
        %get3A_359 = arith.index_cast %add3A_358 : i32 to index
        %get3A_360 = tpu.vector_load %arg10[%get3A_359] {strides = array<i32>} : memref<4096xf32, #tpu.memory_space<vmem>>, vector<16xf32>,
        %get3A_361 = vector.shape_cast %get3A_360 : vector<16xf32> to vector<16xf32>
        %mul3A_362 = arith.mulf %get3A_354, %get3A_361 : vector<16xf32>
        %add3A_363 = arith.addf %add3A_346, %mul3A_362 : vector<16xf32>
        %mul3A_364 = arith.constant 2 : i32
        %mul3A_365 = arith.muli %mul3A_364, %add3A_158 : i32
        %add3A_366 = arith.constant 1 : i32
        %add3A_367 = arith.addi %mul3A_365, %add3A_366 : i32
        %get3A_368 = arith.index_cast %add3A_367 : i32 to index
        %get3A_369 = arith.constant 64 : index
        %get3A_370 = tpu.vector_load %arg8[%get3A_368, %get3A_369] {strides = array<i32>} : memref<32x128xf32, #tpu.memory_space<vmem>>, vector<1x16xf32>,
        %get3A_371 = vector.shape_cast %get3A_370 : vector<1x16xf32> to vector<16xf32>
        %mul3A_372 = arith.constant 256 : i32
        %mul3A_373 = arith.muli %add3A_158, %mul3A_372 : i32
        %add3A_374 = arith.constant 192 : i32
        %add3A_375 = arith.addi %mul3A_373, %add3A_374 : i32
        %get3A_376 = arith.index_cast %add3A_375 : i32 to index
        %get3A_377 = tpu.vector_load %arg10[%get3A_376] {strides = array<i32>} : memref<4096xf32, #tpu.memory_space<vmem>>, vector<16xf32>,
        %get3A_378 = vector.shape_cast %get3A_377 : vector<16xf32> to vector<16xf32>
        %mul3A_379 = arith.mulf %get3A_371, %get3A_378 : vector<16xf32>
        %add3A_380 = arith.addf %add3A_363, %mul3A_379 : vector<16xf32>
        %mul3A_381 = arith.constant 2 : i32
        %mul3A_382 = arith.muli %mul3A_381, %add3A_158 : i32
        %add3A_383 = arith.constant 1 : i32
        %add3A_384 = arith.addi %mul3A_382, %add3A_383 : i32
        %get3A_385 = arith.index_cast %add3A_384 : i32 to index
        %get3A_386 = arith.constant 80 : index
        %get3A_387 = tpu.vector_load %arg8[%get3A_385, %get3A_386] {strides = array<i32>} : memref<32x128xf32, #tpu.memory_space<vmem>>, vector<1x16xf32>,
        %get3A_388 = vector.shape_cast %get3A_387 : vector<1x16xf32> to vector<16xf32>
        %mul3A_389 = arith.constant 256 : i32
        %mul3A_390 = arith.muli %add3A_158, %mul3A_389 : i32
        %add3A_391 = arith.constant 208 : i32
        %add3A_392 = arith.addi %mul3A_390, %add3A_391 : i32
        %get3A_393 = arith.index_cast %add3A_392 : i32 to index
        %get3A_394 = tpu.vector_load %arg10[%get3A_393] {strides = array<i32>} : memref<4096xf32, #tpu.memory_space<vmem>>, vector<16xf32>,
        %get3A_395 = vector.shape_cast %get3A_394 : vector<16xf32> to vector<16xf32>
        %mul3A_396 = arith.mulf %get3A_388, %get3A_395 : vector<16xf32>
        %add3A_397 = arith.addf %add3A_380, %mul3A_396 : vector<16xf32>
        %mul3A_398 = arith.constant 2 : i32
        %mul3A_399 = arith.muli %mul3A_398, %add3A_158 : i32
        %add3A_400 = arith.constant 1 : i32
        %add3A_401 = arith.addi %mul3A_399, %add3A_400 : i32
        %get3A_402 = arith.index_cast %add3A_401 : i32 to index
        %get3A_403 = arith.constant 96 : index
        %get3A_404 = tpu.vector_load %arg8[%get3A_402, %get3A_403] {strides = array<i32>} : memref<32x128xf32, #tpu.memory_space<vmem>>, vector<1x16xf32>,
        %get3A_405 = vector.shape_cast %get3A_404 : vector<1x16xf32> to vector<16xf32>
        %mul3A_406 = arith.constant 256 : i32
        %mul3A_407 = arith.muli %add3A_158, %mul3A_406 : i32
        %add3A_408 = arith.constant 224 : i32
        %add3A_409 = arith.addi %mul3A_407, %add3A_408 : i32
        %get3A_410 = arith.index_cast %add3A_409 : i32 to index
        %get3A_411 = tpu.vector_load %arg10[%get3A_410] {strides = array<i32>} : memref<4096xf32, #tpu.memory_space<vmem>>, vector<16xf32>,
        %get3A_412 = vector.shape_cast %get3A_411 : vector<16xf32> to vector<16xf32>
        %mul3A_413 = arith.mulf %get3A_405, %get3A_412 : vector<16xf32>
        %add3A_414 = arith.addf %add3A_397, %mul3A_413 : vector<16xf32>
        %mul3A_415 = arith.constant 2 : i32
        %mul3A_416 = arith.muli %mul3A_415, %add3A_158 : i32
        %add3A_417 = arith.constant 1 : i32
        %add3A_418 = arith.addi %mul3A_416, %add3A_417 : i32
        %get3A_419 = arith.index_cast %add3A_418 : i32 to index
        %get3A_420 = arith.constant 112 : index
        %get3A_421 = tpu.vector_load %arg8[%get3A_419, %get3A_420] {strides = array<i32>} : memref<32x128xf32, #tpu.memory_space<vmem>>, vector<1x16xf32>,
        %get3A_422 = vector.shape_cast %get3A_421 : vector<1x16xf32> to vector<16xf32>
        %mul3A_423 = arith.constant 256 : i32
        %mul3A_424 = arith.muli %add3A_158, %mul3A_423 : i32
        %add3A_425 = arith.constant 240 : i32
        %add3A_426 = arith.addi %mul3A_424, %add3A_425 : i32
        %get3A_427 = arith.index_cast %add3A_426 : i32 to index
        %get3A_428 = tpu.vector_load %arg10[%get3A_427] {strides = array<i32>} : memref<4096xf32, #tpu.memory_space<vmem>>, vector<16xf32>,
        %get3A_429 = vector.shape_cast %get3A_428 : vector<16xf32> to vector<16xf32>
        %mul3A_430 = arith.mulf %get3A_422, %get3A_429 : vector<16xf32>
        %add3A_431 = arith.addf %add3A_414, %mul3A_430 : vector<16xf32>
        %lt3A_432 = arith.constant 0 : i32
        %lt3A_433 = vector.broadcast %lt3A_432 : i32 to vector<16xi32>
        %lt3A_434 = arith.cmpi slt, %xor3A_6, %lt3A_433 : vector<16xi32>
        %add3A_435 = arith.constant 16 : i32
        %add3A_436 = vector.broadcast %add3A_435 : i32 to vector<16xi32>
        %add3A_437 = arith.addi %xor3A_6, %add3A_436 : vector<16xi32>
        %select_n3A = arith.select %lt3A_434, %add3A_437, %xor3A_6 : vector<16xi1>, vector<16xi32>
        %broadcast_in_dim3A_438 = vector.shape_cast %select_n3A : vector<16xi32> to vector<16x1xi32>
        %gather3A = vector.shape_cast %broadcast_in_dim3A_438 : vector<16x1xi32> to vector<16xi32>
        %gather3A_439 = tpu.dynamic_gather %add3A_431[%gather3A] in [0] : vector<16xf32>, vector<16xi32> -> vector<16xf32>
        %add3A_440 = arith.addf %add3A_431, %gather3A_439 : vector<16xf32>
        %lt3A_441 = arith.constant 0 : i32
        %lt3A_442 = vector.broadcast %lt3A_441 : i32 to vector<16xi32>
        %lt3A_443 = arith.cmpi slt, %xor3A_9, %lt3A_442 : vector<16xi32>
        %add3A_444 = arith.constant 16 : i32
        %add3A_445 = vector.broadcast %add3A_444 : i32 to vector<16xi32>
        %add3A_446 = arith.addi %xor3A_9, %add3A_445 : vector<16xi32>
        %select_n3A_447 = arith.select %lt3A_443, %add3A_446, %xor3A_9 : vector<16xi1>, vector<16xi32>
        %broadcast_in_dim3A_448 = vector.shape_cast %select_n3A_447 : vector<16xi32> to vector<16x1xi32>
        %gather3A_449 = vector.shape_cast %broadcast_in_dim3A_448 : vector<16x1xi32> to vector<16xi32>
        %gather3A_450 = tpu.dynamic_gather %add3A_440[%gather3A_449] in [0] : vector<16xf32>, vector<16xi32> -> vector<16xf32>
        %add3A_451 = arith.addf %add3A_440, %gather3A_450 : vector<16xf32>
        %lt3A_452 = arith.constant 0 : i32
        %lt3A_453 = vector.broadcast %lt3A_452 : i32 to vector<16xi32>
        %lt3A_454 = arith.cmpi slt, %xor3A_12, %lt3A_453 : vector<16xi32>
        %add3A_455 = arith.constant 16 : i32
        %add3A_456 = vector.broadcast %add3A_455 : i32 to vector<16xi32>
        %add3A_457 = arith.addi %xor3A_12, %add3A_456 : vector<16xi32>
        %select_n3A_458 = arith.select %lt3A_454, %add3A_457, %xor3A_12 : vector<16xi1>, vector<16xi32>
        %broadcast_in_dim3A_459 = vector.shape_cast %select_n3A_458 : vector<16xi32> to vector<16x1xi32>
        %gather3A_460 = vector.shape_cast %broadcast_in_dim3A_459 : vector<16x1xi32> to vector<16xi32>
        %gather3A_461 = tpu.dynamic_gather %add3A_451[%gather3A_460] in [0] : vector<16xf32>, vector<16xi32> -> vector<16xf32>
        %add3A_462 = arith.addf %add3A_451, %gather3A_461 : vector<16xf32>
        %lt3A_463 = arith.constant 0 : i32
        %lt3A_464 = vector.broadcast %lt3A_463 : i32 to vector<16xi32>
        %lt3A_465 = arith.cmpi slt, %xor3A_15, %lt3A_464 : vector<16xi32>
        %add3A_466 = arith.constant 16 : i32
        %add3A_467 = vector.broadcast %add3A_466 : i32 to vector<16xi32>
        %add3A_468 = arith.addi %xor3A_15, %add3A_467 : vector<16xi32>
        %select_n3A_469 = arith.select %lt3A_465, %add3A_468, %xor3A_15 : vector<16xi1>, vector<16xi32>
        %broadcast_in_dim3A_470 = vector.shape_cast %select_n3A_469 : vector<16xi32> to vector<16x1xi32>
        %gather3A_471 = vector.shape_cast %broadcast_in_dim3A_470 : vector<16x1xi32> to vector<16xi32>
        %gather3A_472 = tpu.dynamic_gather %add3A_462[%gather3A_471] in [0] : vector<16xf32>, vector<16xi32> -> vector<16xf32>
        %add3A_473 = arith.addf %add3A_462, %gather3A_472 : vector<16xf32>
        %eq3A = vector.broadcast %scan3A_155 : i32 to vector<16xi32>
        %eq3A_474 = arith.cmpi eq, %iota3A, %eq3A : vector<16xi32>
        %select_n3A_475 = arith.select %eq3A_474, %add3A_473, %scan3A_156 : vector<16xi1>, vector<16xf32>
        scf.yield %select_n3A_475 : vector<16xf32>
      }
      %scan3A_141 = arith.constant 16 : i32
      %mul3A_142 = arith.constant 16 : i32
      %mul3A_143 = arith.muli %mul3A_53, %mul3A_142 : i32
      %add3A_144 = arith.constant 0 : i32
      %add3A_145 = arith.addi %mul3A_143, %add3A_144 : i32
      %swap3A_146 = arith.index_cast %add3A_145 : i32 to index
      %swap3A_147 = tpu.vector_load %arg12[%swap3A_146] {strides = array<i32>} : memref<2048xf32, #tpu.memory_space<vmem>>, vector<16xf32>,
      %swap3A_148 = vector.shape_cast %swap3A_147 : vector<16xf32> to vector<16xf32>
      %swap3A_149 = vector.shape_cast %scan3A_140 : vector<16xf32> to vector<16xf32>
      tpu.vector_store %arg12[%swap3A_146], %swap3A_149 {strides = array<i32>} : memref<2048xf32, #tpu.memory_space<vmem>>, vector<16xf32>,
      %lt3A = arith.constant 63 : i32
      %lt3A_150 = arith.cmpi slt, %scan3A_50, %lt3A : i32
      %convert_element_type3A_151 = arith.extui %lt3A_150 : i1 to i32
      %cond3A_152 = arith.constant 0 : i32
      %cond3A_153 = arith.cmpi ne, %convert_element_type3A_151, %cond3A_152 : i32
      scf.if %cond3A_153 {
        %add3A_155 = arith.constant 2 : i32
        %add3A_156 = arith.addi %mul3A_53, %add3A_155 : i32
        %mul3A_157 = arith.constant 32 : i32
        %mul3A_158 = arith.muli %add3A_156, %mul3A_157 : i32
        %add3A_159 = arith.addi %mul3A_4, %mul3A_158 : i32
        %dma_start3A_160 = arith.constant 0 : i32
        %dma_start3A_161 = tpu.memref_slice %arg3[%add3A_159, %dma_start3A_160] : memref<131072x128xi32, #tpu.memory_space<hbm>> -> memref<32x128xi32, #tpu.memory_space<hbm>>
        %dma_start3A_162 = arith.constant 0 : i32
        %dma_start3A_163 = tpu.memref_slice %arg3[%add3A_159, %dma_start3A_162] : memref<131072x128xi32, #tpu.memory_space<hbm>> -> memref<32x128xi32, #tpu.memory_space<hbm>>
        tpu.enqueue_dma source(%dma_start3A_163 : memref<32x128xi32, #tpu.memory_space<hbm>>) target(%arg6 : memref<32x128xi32, #tpu.memory_space<vmem>>) target_semaphore(%arg13 : memref<!tpu.dma_semaphore, #tpu.memory_space<semaphore_mem>>)
        %mul3A_164 = arith.constant 16 : i32
        %mul3A_165 = arith.muli %add3A_156, %mul3A_164 : i32
        %add3A_166 = arith.addi %mul3A_2, %mul3A_165 : i32
        %mul3A_167 = arith.constant 256 : i32
        %mul3A_168 = arith.muli %add3A_166, %mul3A_167 : i32
        %dma_start3A_169 = tpu.memref_slice %arg4[%mul3A_168] : memref<16777216xf32, #tpu.memory_space<hbm>> -> memref<4096xf32, #tpu.memory_space<hbm>>
        %dma_start3A_170 = tpu.memref_slice %arg4[%mul3A_168] : memref<16777216xf32, #tpu.memory_space<hbm>> -> memref<4096xf32, #tpu.memory_space<hbm>>
        tpu.enqueue_dma source(%dma_start3A_170 : memref<4096xf32, #tpu.memory_space<hbm>>) target(%arg10 : memref<4096xf32, #tpu.memory_space<vmem>>) target_semaphore(%arg13 : memref<!tpu.dma_semaphore, #tpu.memory_space<semaphore_mem>>)
      } else {
      }
      %scan3A_154 = arith.constant 0 : i32
      scf.yield %scan3A_154 : i32
    }
    %scan3A_32 = arith.constant 64 : i32
    %scan3A_33 = arith.constant 0 : i32
    %scan3A_34 = arith.constant 0 : i32
    %scan3A_35 = arith.constant 32 : i32
    %scan3A_36 = arith.addi %scan3A_34, %scan3A_35 : i32
    %scan3A_37 = arith.constant 1 : i32
    %scan3A_38 = scf.for %scan3A_50 = %scan3A_34 to %scan3A_36 step %scan3A_37 iter_args(%scan3A_51 = %scan3A_33) -> (i32)  : i32 {
      %dma_wait3A = arith.constant 0 : i32
      %dma_wait3A_52 = tpu.memref_slice %arg9[%scan3A_50, %dma_wait3A] : memref<32x128xf32, #tpu.memory_space<vmem>> -> memref<1x128xf32, #tpu.memory_space<vmem>>
      %dma_wait3A_53 = tpu.memref_squeeze %dma_wait3A_52 : memref<1x128xf32, #tpu.memory_space<vmem>> -> memref<128xf32, #tpu.memory_space<vmem>>
      %dma_wait3A_54 = arith.constant 0 : i32
      %dma_wait3A_55 = tpu.memref_slice %arg7[%scan3A_50, %dma_wait3A_54] : memref<32x128xi32, #tpu.memory_space<vmem>> -> memref<1x128xi32, #tpu.memory_space<vmem>>
      %dma_wait3A_56 = tpu.memref_squeeze %dma_wait3A_55 : memref<1x128xi32, #tpu.memory_space<vmem>> -> memref<128xi32, #tpu.memory_space<vmem>>
      %dma_wait3A_57 = arith.constant 0 : i32
      %dma_wait3A_58 = tpu.memref_slice %arg2[%dma_wait3A_57] : memref<16777216xf32, #tpu.memory_space<hbm>> -> memref<16777216xf32, #tpu.memory_space<hbm>>
      tpu.wait_indirect_dma semaphore(%arg15 : memref<!tpu.dma_semaphore, #tpu.memory_space<semaphore_mem>>) src(%dma_wait3A_58 : memref<16777216xf32, #tpu.memory_space<hbm>>) dst(%dma_wait3A_53 : memref<128xf32, #tpu.memory_space<vmem>>)
      %scan3A_59 = arith.constant 0 : i32
      scf.yield %scan3A_59 : i32
    }
    %scan3A_39 = arith.constant 32 : i32
    %broadcast_in_dim3A = arith.constant 0.000000e+00 : f32
    %broadcast_in_dim3A_40 = vector.broadcast %broadcast_in_dim3A : f32 to vector<16xf32>
    %scan3A_41 = arith.constant 0 : i32
    %scan3A_42 = arith.constant 16 : i32
    %scan3A_43 = arith.addi %scan3A_41, %scan3A_42 : i32
    %scan3A_44 = arith.constant 1 : i32
    %scan3A_45 = scf.for %scan3A_50 = %scan3A_41 to %scan3A_43 step %scan3A_44 iter_args(%scan3A_51 = %broadcast_in_dim3A_40) -> (vector<16xf32>)  : i32 {
      %add3A_52 = arith.constant 0 : i32
      %add3A_53 = arith.addi %add3A_52, %scan3A_50 : i32
      %broadcast_in_dim3A_54 = arith.constant 0.000000e+00 : f32
      %broadcast_in_dim3A_55 = vector.broadcast %broadcast_in_dim3A_54 : f32 to vector<16xf32>
      %mul3A_56 = arith.constant 2 : i32
      %mul3A_57 = arith.muli %mul3A_56, %add3A_53 : i32
      %add3A_58 = arith.constant 0 : i32
      %add3A_59 = arith.addi %mul3A_57, %add3A_58 : i32
      %get3A = arith.index_cast %add3A_59 : i32 to index
      %get3A_60 = arith.constant 0 : index
      %get3A_61 = tpu.vector_load %arg9[%get3A, %get3A_60] {strides = array<i32>} : memref<32x128xf32, #tpu.memory_space<vmem>>, vector<1x16xf32>,
      %get3A_62 = vector.shape_cast %get3A_61 : vector<1x16xf32> to vector<16xf32>
      %mul3A_63 = arith.constant 256 : i32
      %mul3A_64 = arith.muli %add3A_53, %mul3A_63 : i32
      %add3A_65 = arith.constant 0 : i32
      %add3A_66 = arith.addi %mul3A_64, %add3A_65 : i32
      %get3A_67 = arith.index_cast %add3A_66 : i32 to index
      %get3A_68 = tpu.vector_load %arg11[%get3A_67] {strides = array<i32>} : memref<4096xf32, #tpu.memory_space<vmem>>, vector<16xf32>,
      %get3A_69 = vector.shape_cast %get3A_68 : vector<16xf32> to vector<16xf32>
      %mul3A_70 = arith.mulf %get3A_62, %get3A_69 : vector<16xf32>
      %add3A_71 = arith.addf %broadcast_in_dim3A_55, %mul3A_70 : vector<16xf32>
      %mul3A_72 = arith.constant 2 : i32
      %mul3A_73 = arith.muli %mul3A_72, %add3A_53 : i32
      %add3A_74 = arith.constant 0 : i32
      %add3A_75 = arith.addi %mul3A_73, %add3A_74 : i32
      %get3A_76 = arith.index_cast %add3A_75 : i32 to index
      %get3A_77 = arith.constant 16 : index
      %get3A_78 = tpu.vector_load %arg9[%get3A_76, %get3A_77] {strides = array<i32>} : memref<32x128xf32, #tpu.memory_space<vmem>>, vector<1x16xf32>,
      %get3A_79 = vector.shape_cast %get3A_78 : vector<1x16xf32> to vector<16xf32>
      %mul3A_80 = arith.constant 256 : i32
      %mul3A_81 = arith.muli %add3A_53, %mul3A_80 : i32
      %add3A_82 = arith.constant 16 : i32
      %add3A_83 = arith.addi %mul3A_81, %add3A_82 : i32
      %get3A_84 = arith.index_cast %add3A_83 : i32 to index
      %get3A_85 = tpu.vector_load %arg11[%get3A_84] {strides = array<i32>} : memref<4096xf32, #tpu.memory_space<vmem>>, vector<16xf32>,
      %get3A_86 = vector.shape_cast %get3A_85 : vector<16xf32> to vector<16xf32>
      %mul3A_87 = arith.mulf %get3A_79, %get3A_86 : vector<16xf32>
      %add3A_88 = arith.addf %add3A_71, %mul3A_87 : vector<16xf32>
      %mul3A_89 = arith.constant 2 : i32
      %mul3A_90 = arith.muli %mul3A_89, %add3A_53 : i32
      %add3A_91 = arith.constant 0 : i32
      %add3A_92 = arith.addi %mul3A_90, %add3A_91 : i32
      %get3A_93 = arith.index_cast %add3A_92 : i32 to index
      %get3A_94 = arith.constant 32 : index
      %get3A_95 = tpu.vector_load %arg9[%get3A_93, %get3A_94] {strides = array<i32>} : memref<32x128xf32, #tpu.memory_space<vmem>>, vector<1x16xf32>,
      %get3A_96 = vector.shape_cast %get3A_95 : vector<1x16xf32> to vector<16xf32>
      %mul3A_97 = arith.constant 256 : i32
      %mul3A_98 = arith.muli %add3A_53, %mul3A_97 : i32
      %add3A_99 = arith.constant 32 : i32
      %add3A_100 = arith.addi %mul3A_98, %add3A_99 : i32
      %get3A_101 = arith.index_cast %add3A_100 : i32 to index
      %get3A_102 = tpu.vector_load %arg11[%get3A_101] {strides = array<i32>} : memref<4096xf32, #tpu.memory_space<vmem>>, vector<16xf32>,
      %get3A_103 = vector.shape_cast %get3A_102 : vector<16xf32> to vector<16xf32>
      %mul3A_104 = arith.mulf %get3A_96, %get3A_103 : vector<16xf32>
      %add3A_105 = arith.addf %add3A_88, %mul3A_104 : vector<16xf32>
      %mul3A_106 = arith.constant 2 : i32
      %mul3A_107 = arith.muli %mul3A_106, %add3A_53 : i32
      %add3A_108 = arith.constant 0 : i32
      %add3A_109 = arith.addi %mul3A_107, %add3A_108 : i32
      %get3A_110 = arith.index_cast %add3A_109 : i32 to index
      %get3A_111 = arith.constant 48 : index
      %get3A_112 = tpu.vector_load %arg9[%get3A_110, %get3A_111] {strides = array<i32>} : memref<32x128xf32, #tpu.memory_space<vmem>>, vector<1x16xf32>,
      %get3A_113 = vector.shape_cast %get3A_112 : vector<1x16xf32> to vector<16xf32>
      %mul3A_114 = arith.constant 256 : i32
      %mul3A_115 = arith.muli %add3A_53, %mul3A_114 : i32
      %add3A_116 = arith.constant 48 : i32
      %add3A_117 = arith.addi %mul3A_115, %add3A_116 : i32
      %get3A_118 = arith.index_cast %add3A_117 : i32 to index
      %get3A_119 = tpu.vector_load %arg11[%get3A_118] {strides = array<i32>} : memref<4096xf32, #tpu.memory_space<vmem>>, vector<16xf32>,
      %get3A_120 = vector.shape_cast %get3A_119 : vector<16xf32> to vector<16xf32>
      %mul3A_121 = arith.mulf %get3A_113, %get3A_120 : vector<16xf32>
      %add3A_122 = arith.addf %add3A_105, %mul3A_121 : vector<16xf32>
      %mul3A_123 = arith.constant 2 : i32
      %mul3A_124 = arith.muli %mul3A_123, %add3A_53 : i32
      %add3A_125 = arith.constant 0 : i32
      %add3A_126 = arith.addi %mul3A_124, %add3A_125 : i32
      %get3A_127 = arith.index_cast %add3A_126 : i32 to index
      %get3A_128 = arith.constant 64 : index
      %get3A_129 = tpu.vector_load %arg9[%get3A_127, %get3A_128] {strides = array<i32>} : memref<32x128xf32, #tpu.memory_space<vmem>>, vector<1x16xf32>,
      %get3A_130 = vector.shape_cast %get3A_129 : vector<1x16xf32> to vector<16xf32>
      %mul3A_131 = arith.constant 256 : i32
      %mul3A_132 = arith.muli %add3A_53, %mul3A_131 : i32
      %add3A_133 = arith.constant 64 : i32
      %add3A_134 = arith.addi %mul3A_132, %add3A_133 : i32
      %get3A_135 = arith.index_cast %add3A_134 : i32 to index
      %get3A_136 = tpu.vector_load %arg11[%get3A_135] {strides = array<i32>} : memref<4096xf32, #tpu.memory_space<vmem>>, vector<16xf32>,
      %get3A_137 = vector.shape_cast %get3A_136 : vector<16xf32> to vector<16xf32>
      %mul3A_138 = arith.mulf %get3A_130, %get3A_137 : vector<16xf32>
      %add3A_139 = arith.addf %add3A_122, %mul3A_138 : vector<16xf32>
      %mul3A_140 = arith.constant 2 : i32
      %mul3A_141 = arith.muli %mul3A_140, %add3A_53 : i32
      %add3A_142 = arith.constant 0 : i32
      %add3A_143 = arith.addi %mul3A_141, %add3A_142 : i32
      %get3A_144 = arith.index_cast %add3A_143 : i32 to index
      %get3A_145 = arith.constant 80 : index
      %get3A_146 = tpu.vector_load %arg9[%get3A_144, %get3A_145] {strides = array<i32>} : memref<32x128xf32, #tpu.memory_space<vmem>>, vector<1x16xf32>,
      %get3A_147 = vector.shape_cast %get3A_146 : vector<1x16xf32> to vector<16xf32>
      %mul3A_148 = arith.constant 256 : i32
      %mul3A_149 = arith.muli %add3A_53, %mul3A_148 : i32
      %add3A_150 = arith.constant 80 : i32
      %add3A_151 = arith.addi %mul3A_149, %add3A_150 : i32
      %get3A_152 = arith.index_cast %add3A_151 : i32 to index
      %get3A_153 = tpu.vector_load %arg11[%get3A_152] {strides = array<i32>} : memref<4096xf32, #tpu.memory_space<vmem>>, vector<16xf32>,
      %get3A_154 = vector.shape_cast %get3A_153 : vector<16xf32> to vector<16xf32>
      %mul3A_155 = arith.mulf %get3A_147, %get3A_154 : vector<16xf32>
      %add3A_156 = arith.addf %add3A_139, %mul3A_155 : vector<16xf32>
      %mul3A_157 = arith.constant 2 : i32
      %mul3A_158 = arith.muli %mul3A_157, %add3A_53 : i32
      %add3A_159 = arith.constant 0 : i32
      %add3A_160 = arith.addi %mul3A_158, %add3A_159 : i32
      %get3A_161 = arith.index_cast %add3A_160 : i32 to index
      %get3A_162 = arith.constant 96 : index
      %get3A_163 = tpu.vector_load %arg9[%get3A_161, %get3A_162] {strides = array<i32>} : memref<32x128xf32, #tpu.memory_space<vmem>>, vector<1x16xf32>,
      %get3A_164 = vector.shape_cast %get3A_163 : vector<1x16xf32> to vector<16xf32>
      %mul3A_165 = arith.constant 256 : i32
      %mul3A_166 = arith.muli %add3A_53, %mul3A_165 : i32
      %add3A_167 = arith.constant 96 : i32
      %add3A_168 = arith.addi %mul3A_166, %add3A_167 : i32
      %get3A_169 = arith.index_cast %add3A_168 : i32 to index
      %get3A_170 = tpu.vector_load %arg11[%get3A_169] {strides = array<i32>} : memref<4096xf32, #tpu.memory_space<vmem>>, vector<16xf32>,
      %get3A_171 = vector.shape_cast %get3A_170 : vector<16xf32> to vector<16xf32>
      %mul3A_172 = arith.mulf %get3A_164, %get3A_171 : vector<16xf32>
      %add3A_173 = arith.addf %add3A_156, %mul3A_172 : vector<16xf32>
      %mul3A_174 = arith.constant 2 : i32
      %mul3A_175 = arith.muli %mul3A_174, %add3A_53 : i32
      %add3A_176 = arith.constant 0 : i32
      %add3A_177 = arith.addi %mul3A_175, %add3A_176 : i32
      %get3A_178 = arith.index_cast %add3A_177 : i32 to index
      %get3A_179 = arith.constant 112 : index
      %get3A_180 = tpu.vector_load %arg9[%get3A_178, %get3A_179] {strides = array<i32>} : memref<32x128xf32, #tpu.memory_space<vmem>>, vector<1x16xf32>,
      %get3A_181 = vector.shape_cast %get3A_180 : vector<1x16xf32> to vector<16xf32>
      %mul3A_182 = arith.constant 256 : i32
      %mul3A_183 = arith.muli %add3A_53, %mul3A_182 : i32
      %add3A_184 = arith.constant 112 : i32
      %add3A_185 = arith.addi %mul3A_183, %add3A_184 : i32
      %get3A_186 = arith.index_cast %add3A_185 : i32 to index
      %get3A_187 = tpu.vector_load %arg11[%get3A_186] {strides = array<i32>} : memref<4096xf32, #tpu.memory_space<vmem>>, vector<16xf32>,
      %get3A_188 = vector.shape_cast %get3A_187 : vector<16xf32> to vector<16xf32>
      %mul3A_189 = arith.mulf %get3A_181, %get3A_188 : vector<16xf32>
      %add3A_190 = arith.addf %add3A_173, %mul3A_189 : vector<16xf32>
      %mul3A_191 = arith.constant 2 : i32
      %mul3A_192 = arith.muli %mul3A_191, %add3A_53 : i32
      %add3A_193 = arith.constant 1 : i32
      %add3A_194 = arith.addi %mul3A_192, %add3A_193 : i32
      %get3A_195 = arith.index_cast %add3A_194 : i32 to index
      %get3A_196 = arith.constant 0 : index
      %get3A_197 = tpu.vector_load %arg9[%get3A_195, %get3A_196] {strides = array<i32>} : memref<32x128xf32, #tpu.memory_space<vmem>>, vector<1x16xf32>,
      %get3A_198 = vector.shape_cast %get3A_197 : vector<1x16xf32> to vector<16xf32>
      %mul3A_199 = arith.constant 256 : i32
      %mul3A_200 = arith.muli %add3A_53, %mul3A_199 : i32
      %add3A_201 = arith.constant 128 : i32
      %add3A_202 = arith.addi %mul3A_200, %add3A_201 : i32
      %get3A_203 = arith.index_cast %add3A_202 : i32 to index
      %get3A_204 = tpu.vector_load %arg11[%get3A_203] {strides = array<i32>} : memref<4096xf32, #tpu.memory_space<vmem>>, vector<16xf32>,
      %get3A_205 = vector.shape_cast %get3A_204 : vector<16xf32> to vector<16xf32>
      %mul3A_206 = arith.mulf %get3A_198, %get3A_205 : vector<16xf32>
      %add3A_207 = arith.addf %add3A_190, %mul3A_206 : vector<16xf32>
      %mul3A_208 = arith.constant 2 : i32
      %mul3A_209 = arith.muli %mul3A_208, %add3A_53 : i32
      %add3A_210 = arith.constant 1 : i32
      %add3A_211 = arith.addi %mul3A_209, %add3A_210 : i32
      %get3A_212 = arith.index_cast %add3A_211 : i32 to index
      %get3A_213 = arith.constant 16 : index
      %get3A_214 = tpu.vector_load %arg9[%get3A_212, %get3A_213] {strides = array<i32>} : memref<32x128xf32, #tpu.memory_space<vmem>>, vector<1x16xf32>,
      %get3A_215 = vector.shape_cast %get3A_214 : vector<1x16xf32> to vector<16xf32>
      %mul3A_216 = arith.constant 256 : i32
      %mul3A_217 = arith.muli %add3A_53, %mul3A_216 : i32
      %add3A_218 = arith.constant 144 : i32
      %add3A_219 = arith.addi %mul3A_217, %add3A_218 : i32
      %get3A_220 = arith.index_cast %add3A_219 : i32 to index
      %get3A_221 = tpu.vector_load %arg11[%get3A_220] {strides = array<i32>} : memref<4096xf32, #tpu.memory_space<vmem>>, vector<16xf32>,
      %get3A_222 = vector.shape_cast %get3A_221 : vector<16xf32> to vector<16xf32>
      %mul3A_223 = arith.mulf %get3A_215, %get3A_222 : vector<16xf32>
      %add3A_224 = arith.addf %add3A_207, %mul3A_223 : vector<16xf32>
      %mul3A_225 = arith.constant 2 : i32
      %mul3A_226 = arith.muli %mul3A_225, %add3A_53 : i32
      %add3A_227 = arith.constant 1 : i32
      %add3A_228 = arith.addi %mul3A_226, %add3A_227 : i32
      %get3A_229 = arith.index_cast %add3A_228 : i32 to index
      %get3A_230 = arith.constant 32 : index
      %get3A_231 = tpu.vector_load %arg9[%get3A_229, %get3A_230] {strides = array<i32>} : memref<32x128xf32, #tpu.memory_space<vmem>>, vector<1x16xf32>,
      %get3A_232 = vector.shape_cast %get3A_231 : vector<1x16xf32> to vector<16xf32>
      %mul3A_233 = arith.constant 256 : i32
      %mul3A_234 = arith.muli %add3A_53, %mul3A_233 : i32
      %add3A_235 = arith.constant 160 : i32
      %add3A_236 = arith.addi %mul3A_234, %add3A_235 : i32
      %get3A_237 = arith.index_cast %add3A_236 : i32 to index
      %get3A_238 = tpu.vector_load %arg11[%get3A_237] {strides = array<i32>} : memref<4096xf32, #tpu.memory_space<vmem>>, vector<16xf32>,
      %get3A_239 = vector.shape_cast %get3A_238 : vector<16xf32> to vector<16xf32>
      %mul3A_240 = arith.mulf %get3A_232, %get3A_239 : vector<16xf32>
      %add3A_241 = arith.addf %add3A_224, %mul3A_240 : vector<16xf32>
      %mul3A_242 = arith.constant 2 : i32
      %mul3A_243 = arith.muli %mul3A_242, %add3A_53 : i32
      %add3A_244 = arith.constant 1 : i32
      %add3A_245 = arith.addi %mul3A_243, %add3A_244 : i32
      %get3A_246 = arith.index_cast %add3A_245 : i32 to index
      %get3A_247 = arith.constant 48 : index
      %get3A_248 = tpu.vector_load %arg9[%get3A_246, %get3A_247] {strides = array<i32>} : memref<32x128xf32, #tpu.memory_space<vmem>>, vector<1x16xf32>,
      %get3A_249 = vector.shape_cast %get3A_248 : vector<1x16xf32> to vector<16xf32>
      %mul3A_250 = arith.constant 256 : i32
      %mul3A_251 = arith.muli %add3A_53, %mul3A_250 : i32
      %add3A_252 = arith.constant 176 : i32
      %add3A_253 = arith.addi %mul3A_251, %add3A_252 : i32
      %get3A_254 = arith.index_cast %add3A_253 : i32 to index
      %get3A_255 = tpu.vector_load %arg11[%get3A_254] {strides = array<i32>} : memref<4096xf32, #tpu.memory_space<vmem>>, vector<16xf32>,
      %get3A_256 = vector.shape_cast %get3A_255 : vector<16xf32> to vector<16xf32>
      %mul3A_257 = arith.mulf %get3A_249, %get3A_256 : vector<16xf32>
      %add3A_258 = arith.addf %add3A_241, %mul3A_257 : vector<16xf32>
      %mul3A_259 = arith.constant 2 : i32
      %mul3A_260 = arith.muli %mul3A_259, %add3A_53 : i32
      %add3A_261 = arith.constant 1 : i32
      %add3A_262 = arith.addi %mul3A_260, %add3A_261 : i32
      %get3A_263 = arith.index_cast %add3A_262 : i32 to index
      %get3A_264 = arith.constant 64 : index
      %get3A_265 = tpu.vector_load %arg9[%get3A_263, %get3A_264] {strides = array<i32>} : memref<32x128xf32, #tpu.memory_space<vmem>>, vector<1x16xf32>,
      %get3A_266 = vector.shape_cast %get3A_265 : vector<1x16xf32> to vector<16xf32>
      %mul3A_267 = arith.constant 256 : i32
      %mul3A_268 = arith.muli %add3A_53, %mul3A_267 : i32
      %add3A_269 = arith.constant 192 : i32
      %add3A_270 = arith.addi %mul3A_268, %add3A_269 : i32
      %get3A_271 = arith.index_cast %add3A_270 : i32 to index
      %get3A_272 = tpu.vector_load %arg11[%get3A_271] {strides = array<i32>} : memref<4096xf32, #tpu.memory_space<vmem>>, vector<16xf32>,
      %get3A_273 = vector.shape_cast %get3A_272 : vector<16xf32> to vector<16xf32>
      %mul3A_274 = arith.mulf %get3A_266, %get3A_273 : vector<16xf32>
      %add3A_275 = arith.addf %add3A_258, %mul3A_274 : vector<16xf32>
      %mul3A_276 = arith.constant 2 : i32
      %mul3A_277 = arith.muli %mul3A_276, %add3A_53 : i32
      %add3A_278 = arith.constant 1 : i32
      %add3A_279 = arith.addi %mul3A_277, %add3A_278 : i32
      %get3A_280 = arith.index_cast %add3A_279 : i32 to index
      %get3A_281 = arith.constant 80 : index
      %get3A_282 = tpu.vector_load %arg9[%get3A_280, %get3A_281] {strides = array<i32>} : memref<32x128xf32, #tpu.memory_space<vmem>>, vector<1x16xf32>,
      %get3A_283 = vector.shape_cast %get3A_282 : vector<1x16xf32> to vector<16xf32>
      %mul3A_284 = arith.constant 256 : i32
      %mul3A_285 = arith.muli %add3A_53, %mul3A_284 : i32
      %add3A_286 = arith.constant 208 : i32
      %add3A_287 = arith.addi %mul3A_285, %add3A_286 : i32
      %get3A_288 = arith.index_cast %add3A_287 : i32 to index
      %get3A_289 = tpu.vector_load %arg11[%get3A_288] {strides = array<i32>} : memref<4096xf32, #tpu.memory_space<vmem>>, vector<16xf32>,
      %get3A_290 = vector.shape_cast %get3A_289 : vector<16xf32> to vector<16xf32>
      %mul3A_291 = arith.mulf %get3A_283, %get3A_290 : vector<16xf32>
      %add3A_292 = arith.addf %add3A_275, %mul3A_291 : vector<16xf32>
      %mul3A_293 = arith.constant 2 : i32
      %mul3A_294 = arith.muli %mul3A_293, %add3A_53 : i32
      %add3A_295 = arith.constant 1 : i32
      %add3A_296 = arith.addi %mul3A_294, %add3A_295 : i32
      %get3A_297 = arith.index_cast %add3A_296 : i32 to index
      %get3A_298 = arith.constant 96 : index
      %get3A_299 = tpu.vector_load %arg9[%get3A_297, %get3A_298] {strides = array<i32>} : memref<32x128xf32, #tpu.memory_space<vmem>>, vector<1x16xf32>,
      %get3A_300 = vector.shape_cast %get3A_299 : vector<1x16xf32> to vector<16xf32>
      %mul3A_301 = arith.constant 256 : i32
      %mul3A_302 = arith.muli %add3A_53, %mul3A_301 : i32
      %add3A_303 = arith.constant 224 : i32
      %add3A_304 = arith.addi %mul3A_302, %add3A_303 : i32
      %get3A_305 = arith.index_cast %add3A_304 : i32 to index
      %get3A_306 = tpu.vector_load %arg11[%get3A_305] {strides = array<i32>} : memref<4096xf32, #tpu.memory_space<vmem>>, vector<16xf32>,
      %get3A_307 = vector.shape_cast %get3A_306 : vector<16xf32> to vector<16xf32>
      %mul3A_308 = arith.mulf %get3A_300, %get3A_307 : vector<16xf32>
      %add3A_309 = arith.addf %add3A_292, %mul3A_308 : vector<16xf32>
      %mul3A_310 = arith.constant 2 : i32
      %mul3A_311 = arith.muli %mul3A_310, %add3A_53 : i32
      %add3A_312 = arith.constant 1 : i32
      %add3A_313 = arith.addi %mul3A_311, %add3A_312 : i32
      %get3A_314 = arith.index_cast %add3A_313 : i32 to index
      %get3A_315 = arith.constant 112 : index
      %get3A_316 = tpu.vector_load %arg9[%get3A_314, %get3A_315] {strides = array<i32>} : memref<32x128xf32, #tpu.memory_space<vmem>>, vector<1x16xf32>,
      %get3A_317 = vector.shape_cast %get3A_316 : vector<1x16xf32> to vector<16xf32>
      %mul3A_318 = arith.constant 256 : i32
      %mul3A_319 = arith.muli %add3A_53, %mul3A_318 : i32
      %add3A_320 = arith.constant 240 : i32
      %add3A_321 = arith.addi %mul3A_319, %add3A_320 : i32
      %get3A_322 = arith.index_cast %add3A_321 : i32 to index
      %get3A_323 = tpu.vector_load %arg11[%get3A_322] {strides = array<i32>} : memref<4096xf32, #tpu.memory_space<vmem>>, vector<16xf32>,
      %get3A_324 = vector.shape_cast %get3A_323 : vector<16xf32> to vector<16xf32>
      %mul3A_325 = arith.mulf %get3A_317, %get3A_324 : vector<16xf32>
      %add3A_326 = arith.addf %add3A_309, %mul3A_325 : vector<16xf32>
      %lt3A = arith.constant 0 : i32
      %lt3A_327 = vector.broadcast %lt3A : i32 to vector<16xi32>
      %lt3A_328 = arith.cmpi slt, %xor3A_6, %lt3A_327 : vector<16xi32>
      %add3A_329 = arith.constant 16 : i32
      %add3A_330 = vector.broadcast %add3A_329 : i32 to vector<16xi32>
      %add3A_331 = arith.addi %xor3A_6, %add3A_330 : vector<16xi32>
      %select_n3A = arith.select %lt3A_328, %add3A_331, %xor3A_6 : vector<16xi1>, vector<16xi32>
      %broadcast_in_dim3A_332 = vector.shape_cast %select_n3A : vector<16xi32> to vector<16x1xi32>
      %gather3A = vector.shape_cast %broadcast_in_dim3A_332 : vector<16x1xi32> to vector<16xi32>
      %gather3A_333 = tpu.dynamic_gather %add3A_326[%gather3A] in [0] : vector<16xf32>, vector<16xi32> -> vector<16xf32>
      %add3A_334 = arith.addf %add3A_326, %gather3A_333 : vector<16xf32>
      %lt3A_335 = arith.constant 0 : i32
      %lt3A_336 = vector.broadcast %lt3A_335 : i32 to vector<16xi32>
      %lt3A_337 = arith.cmpi slt, %xor3A_9, %lt3A_336 : vector<16xi32>
      %add3A_338 = arith.constant 16 : i32
      %add3A_339 = vector.broadcast %add3A_338 : i32 to vector<16xi32>
      %add3A_340 = arith.addi %xor3A_9, %add3A_339 : vector<16xi32>
      %select_n3A_341 = arith.select %lt3A_337, %add3A_340, %xor3A_9 : vector<16xi1>, vector<16xi32>
      %broadcast_in_dim3A_342 = vector.shape_cast %select_n3A_341 : vector<16xi32> to vector<16x1xi32>
      %gather3A_343 = vector.shape_cast %broadcast_in_dim3A_342 : vector<16x1xi32> to vector<16xi32>
      %gather3A_344 = tpu.dynamic_gather %add3A_334[%gather3A_343] in [0] : vector<16xf32>, vector<16xi32> -> vector<16xf32>
      %add3A_345 = arith.addf %add3A_334, %gather3A_344 : vector<16xf32>
      %lt3A_346 = arith.constant 0 : i32
      %lt3A_347 = vector.broadcast %lt3A_346 : i32 to vector<16xi32>
      %lt3A_348 = arith.cmpi slt, %xor3A_12, %lt3A_347 : vector<16xi32>
      %add3A_349 = arith.constant 16 : i32
      %add3A_350 = vector.broadcast %add3A_349 : i32 to vector<16xi32>
      %add3A_351 = arith.addi %xor3A_12, %add3A_350 : vector<16xi32>
      %select_n3A_352 = arith.select %lt3A_348, %add3A_351, %xor3A_12 : vector<16xi1>, vector<16xi32>
      %broadcast_in_dim3A_353 = vector.shape_cast %select_n3A_352 : vector<16xi32> to vector<16x1xi32>
      %gather3A_354 = vector.shape_cast %broadcast_in_dim3A_353 : vector<16x1xi32> to vector<16xi32>
      %gather3A_355 = tpu.dynamic_gather %add3A_345[%gather3A_354] in [0] : vector<16xf32>, vector<16xi32> -> vector<16xf32>
      %add3A_356 = arith.addf %add3A_345, %gather3A_355 : vector<16xf32>
      %lt3A_357 = arith.constant 0 : i32
      %lt3A_358 = vector.broadcast %lt3A_357 : i32 to vector<16xi32>
      %lt3A_359 = arith.cmpi slt, %xor3A_15, %lt3A_358 : vector<16xi32>
      %add3A_360 = arith.constant 16 : i32
      %add3A_361 = vector.broadcast %add3A_360 : i32 to vector<16xi32>
      %add3A_362 = arith.addi %xor3A_15, %add3A_361 : vector<16xi32>
      %select_n3A_363 = arith.select %lt3A_359, %add3A_362, %xor3A_15 : vector<16xi1>, vector<16xi32>
      %broadcast_in_dim3A_364 = vector.shape_cast %select_n3A_363 : vector<16xi32> to vector<16x1xi32>
      %gather3A_365 = vector.shape_cast %broadcast_in_dim3A_364 : vector<16x1xi32> to vector<16xi32>
      %gather3A_366 = tpu.dynamic_gather %add3A_356[%gather3A_365] in [0] : vector<16xf32>, vector<16xi32> -> vector<16xf32>
      %add3A_367 = arith.addf %add3A_356, %gather3A_366 : vector<16xf32>
      %eq3A = vector.broadcast %scan3A_50 : i32 to vector<16xi32>
      %eq3A_368 = arith.cmpi eq, %iota3A, %eq3A : vector<16xi32>
      %select_n3A_369 = arith.select %eq3A_368, %add3A_367, %scan3A_51 : vector<16xi1>, vector<16xf32>
      scf.yield %select_n3A_369 : vector<16xf32>
    }
    %scan3A_46 = arith.constant 16 : i32
    %swap3A = arith.constant 2032 : index
    %swap3A_47 = tpu.vector_load %arg12[%swap3A] {strides = array<i32>} : memref<2048xf32, #tpu.memory_space<vmem>>, vector<16xf32>,
    %swap3A_48 = vector.shape_cast %swap3A_47 : vector<16xf32> to vector<16xf32>
    %swap3A_49 = vector.shape_cast %scan3A_45 : vector<16xf32> to vector<16xf32>
    tpu.vector_store %arg12[%swap3A], %swap3A_49 {strides = array<i32>} : memref<2048xf32, #tpu.memory_space<vmem>>, vector<16xf32>,
    "tpu.region"() ({
      %run_scoped3A = tpu.sem_alloc : memref<!tpu.dma_semaphore, #tpu.memory_space<semaphore_mem>>
      %dma_start3A_50 = tpu.memref_slice %arg5[%mul3A_2] : memref<65536xf32, #tpu.memory_space<hbm>> -> memref<2048xf32, #tpu.memory_space<hbm>>
      %dma_start3A_51 = tpu.memref_slice %arg5[%mul3A_2] : memref<65536xf32, #tpu.memory_space<hbm>> -> memref<2048xf32, #tpu.memory_space<hbm>>
      tpu.enqueue_dma source(%arg12 : memref<2048xf32, #tpu.memory_space<vmem>>) target(%dma_start3A_51 : memref<2048xf32, #tpu.memory_space<hbm>>) target_semaphore(%run_scoped3A : memref<!tpu.dma_semaphore, #tpu.memory_space<semaphore_mem>>)
      %dma_wait3A = tpu.memref_slice %arg5[%mul3A_2] : memref<65536xf32, #tpu.memory_space<hbm>> -> memref<2048xf32, #tpu.memory_space<hbm>>
      %dma_wait3A_52 = tpu.memref_slice %arg5[%mul3A_2] : memref<65536xf32, #tpu.memory_space<hbm>> -> memref<2048xf32, #tpu.memory_space<hbm>>
      tpu.wait_dma2 semaphore(%run_scoped3A : memref<!tpu.dma_semaphore, #tpu.memory_space<semaphore_mem>>) src(%arg12 : memref<2048xf32, #tpu.memory_space<vmem>>) dst(%dma_wait3A_52 : memref<2048xf32, #tpu.memory_space<hbm>>)
      tpu.yield
    }) : () -> ()
    return
  }
}

module attributes {stable_mosaic.version = 14 : i64} {
  func.func @body(%arg0: memref<256x256xf32, #tpu.memory_space<vmem>>, %arg1: memref<3x256x256xf32, #tpu.memory_space<vmem>>, %arg2: memref<3x256x256xf32, #tpu.memory_space<vmem>>, %arg3: memref<256x256xf32, #tpu.memory_space<vmem>>) attributes {dimension_semantics = [], scalar_prefetch = 0 : i64, scratch_operands = 0 : i64, tpu.core_type = #tpu.core_type<tc>} {
    %get3A = arith.constant 0 : index
    %get3A_0 = arith.constant 0 : index
    %get3A_1 = arith.constant 0 : index
    %get3A_2 = vector.load %arg1[%get3A, %get3A_0, %get3A_1] : memref<3x256x256xf32, #tpu.memory_space<vmem>>, vector<3x256x256xf32>
    %get3A_3 = arith.constant 0 : index
    %get3A_4 = arith.constant 0 : index
    %get3A_5 = arith.constant 0 : index
    %get3A_6 = vector.load %arg2[%get3A_3, %get3A_4, %get3A_5] : memref<3x256x256xf32, #tpu.memory_space<vmem>>, vector<3x256x256xf32>
    %sub3A = arith.subf %get3A_2, %get3A_6 : vector<3x256x256xf32>
    %add3A = arith.constant 9.99999993E-9 : f32
    %add3A_7 = vector.broadcast %add3A : f32 to vector<3x256x256xf32>
    %add3A_8 = arith.addf %sub3A, %add3A_7 : vector<3x256x256xf32>
    %mul3A = arith.mulf %add3A_8, %add3A_8 : vector<3x256x256xf32>
    %reduce_sum3A = arith.constant dense<0.000000e+00> : vector<256x256xf32>
    %reduce_sum3A_9 = vector.multi_reduction <add>, %mul3A, %reduce_sum3A [0] : vector<3x256x256xf32> to vector<256x256xf32>
    %sqrt3A = math.sqrt %reduce_sum3A_9 : vector<256x256xf32>
    %get3A_10 = arith.constant 0 : index
    %get3A_11 = arith.constant 0 : index
    %get3A_12 = vector.load %arg0[%get3A_10, %get3A_11] : memref<256x256xf32, #tpu.memory_space<vmem>>, vector<256x256xf32>
    %mul3A_13 = arith.mulf %get3A_12, %sqrt3A : vector<256x256xf32>
    %swap3A = arith.constant 0 : index
    %swap3A_14 = arith.constant 0 : index
    %swap3A_15 = vector.load %arg3[%swap3A, %swap3A_14] : memref<256x256xf32, #tpu.memory_space<vmem>>, vector<256x256xf32>
    tpu.vector_store %arg3[%swap3A, %swap3A_14], %mul3A_13 {strides = array<i32>} : memref<256x256xf32, #tpu.memory_space<vmem>>, vector<256x256xf32>,
    return
  }
}

</mosaic_0001>

<sc_bundles>
// kernel: kernel.4.cloned.1.call-start
scs
__scs_entry_jumppad:
0x0: {  	(pc) =	sbr.rel $0x88, $3  }
0x1: {  	(tag) =	ssettag $0x0;
	lr =	simm.s32 $0x1  }
0x2: {  	[smem:$0x3F9C] =	sst lr;
	_ =	strace $0xD0000000  }
0x3: {  	_ = 	snop  }
0x4: {  	_ = 	snop  }
0x5: {  	_ = 	snop  }
0x6: {  	_ = 	snop  }
0x7: {  	_ = 	snop  }
__scs_overlays_trampoline_lowered:
0x8: {  	[smem:$0x3FAB] =	sst s0  }
0x9: {  	[smem:$0x3FAC] =	sst s1  }
0xa: {  	[smem:$0x3FAD] =	sst s2  }
0xb: {  	[smem:$0x3FAE] =	sst s3  }
0xc: {  	[smem:$0x3FAF] =	sst s4  }
0xd: {  	[smem:$0x3FB0] =	sst s5  }
0xe: {  	[smem:$0x3FB1] =	sst s6  }
0xf: {  	[smem:$0x3FB2] =	sst s7  }
0x10: {  	[smem:$0x3FB3] =	sst s8  }
0x11: {  	[smem:$0x3FB4] =	sst s9;
	s0 =	simm.s32 @!p0 $0x0  }
0x12: {  	s1 =	sld [smem:$0x3F9A];
	s0 =	simm.s32 @p0 $0x1  }
0x13: {  	[smem:$0x3FB5] =	sst s0;
	s0 =	simm.s32 @!p1 $0x0  }
0x14: {  	s2 =	sld [smem:$0x3F99];
	s0 =	simm.s32 @p1 $0x1  }
0x15: {  	[smem:$0x3FB6] =	sst s0;
	s0 =	simm.s32 @!p2 $0x0  }
0x16: {  	s3 =	sld [smem:$0x3FDB];
	s0 =	simm.s32 @p2 $0x1  }
0x17: {  	s4 =	simm.s32 $0x1BF5;
	[smem:$0x3FB8] =	sst s0  }
0x18: {  	s0 =	sld [smem:$0x3F9B];
	_ =	swait.ge [sflag:s4], $0x0  }
0x19: {  	s7 =	sld [smem:$0x3F9C]  }
0x1a: {  	s8 =	sadd.s32 $0xFFFFE003, lr  }
0x1b: {  	s9 =	sadd.s32 $0xFFFFFEF7, lr;
	s5 =	simm.s32 $0xFFFFFFFF;
	p2 =	slt.u32 s8, $0xFFFFF086  }
0x1c: {  	p1 =	slt.u32 s9, $0xF7A;
	s5 =	simm.s32 @!p2 $0x0  }
0x1d: {  	s5 =	simm.s32 @p1 $0x1;
	p0 =	seq.s32 s7, s2  }
0x1e: {  	s7 =	smul.u32 @!p0 $0xF7A, s2;
	p2 =	seq.s32 @!p0 s5, $0x0  }
0x1f: {  	s9 =	smul.u32 $0xF7A, s1;
	s8 =	simm.s32 @!p0 $0x1BF5;
	p2 =	por !p2, p0  }
0x20: {  	[sflag:s8] =	ssyncset.s32 @!p0 $0xFFFFF086;
	s6 =	sadd.s32 @!p0 s3, s7;
	s7 =	simm.s32 @!p0 $0x108  }
0x21: {  	s3 =	sadd.s32 s3, s9;
	s6 =	sadd.s32 @!p0 $0x88, s6;
	s7 =	simm.s32 @p2 $0x1082  }
0x22: {  	[simem:s7], [sflag:s8] =	dma.local @!p0 [hbm:s6], $0xF7A  }
0x23: {  	s9 =	sor.u32 $0xD0000000, s2;
	s6 =	simm.s32 $0x108;
	_ =	swait.ge @!p0 [sflag:s8], $0x0  }
0x24: {  	s3 =	sadd.s32 $0x88, s3;
	s6 =	simm.s32 @!p1 $0x1082;
	[sflag:s4] =	ssyncset.s32 $0xFFFFF086  }
0x25: {  	[simem:s6], [sflag:s4] =	dma.local [hbm:s3], $0xF7A  }
0x26: {  	[smem:$0x3F9C] =	sst s1;
	(tag) =	ssettag s2;
	_ =	strace s9  }
0x27: {  	s1 =	sld [smem:$0x3FAC]  }
0x28: {  	s2 =	sld [smem:$0x3FAD]  }
0x29: {  	s4 =	sld [smem:$0x3FAF]  }
0x2a: {  	p0 =	seq.s32 s5, $0x0;
	s5 =	sld [smem:$0x3FB0]  }
0x2b: {  	s6 =	sld [smem:$0x3FB1]  }
0x2c: {  	s7 =	sld [smem:$0x3FB2]  }
0x2d: {  	s3 =	simm.s32 $0x108;
	s8 =	sld [smem:$0x3FB3]  }
0x2e: {  	s3 =	simm.s32 @!p0 $0x1082;
	s9 =	sld [smem:$0x3FB4]  }
0x2f: {  	lr =	sadd.s32 s0, s3;
	s0 =	sld [smem:$0x3FAB]  }
0x30: {  	s3 =	sld [smem:$0x3FAE]  }
0x31: {  	[smem:$0x3FB7] =	sst s10  }
0x32: {  	s10 =	sld [smem:$0x3FB5];
	_ =	sdelay $0x3  }
0x33: {  	p0 =	seq.s32 s10, $0x1;
	s10 =	sld [smem:$0x3FB7];
	_ =	sdelay $0x3  }
0x34: {  	[smem:$0x3FB7] =	sst s10  }
0x35: {  	s10 =	sld [smem:$0x3FB6];
	_ =	sdelay $0x3  }
0x36: {  	p1 =	seq.s32 s10, $0x1;
	s10 =	sld [smem:$0x3FB7];
	_ =	sdelay $0x3  }
0x37: {  	[smem:$0x3FB7] =	sst s10  }
0x38: {  	s10 =	sld [smem:$0x3FB8]  }
0x39: {  	_ = 	snop;
	(pc) =	sbr.ind lr, $3  }
0x3a: {  	_ = 	snop  }
0x3b: {  	_ = 	snop  }
0x3c: {  	p2 =	seq.s32 s10, $0x1;
	s10 =	sld [smem:$0x3FB7]  }
0x3d: {  	_ =	shalt  }
0x3e: {  	_ =	shalt  }
0x3f: {  	_ =	shalt  }
0x40: {  	_ =	shalt  }
0x41: {  	_ =	shalt  }
0x42: {  	_ =	shalt  }
0x43: {  	_ =	shalt  }
0x44: {  	_ =	shalt  }
0x45: {  	_ =	shalt  }
0x46: {  	_ =	shalt  }
0x47: {  	_ =	shalt  }
0x48: {  	_ =	shalt  }
0x49: {  	_ =	shalt  }
0x4a: {  	_ =	shalt  }
0x4b: {  	_ =	shalt  }
0x4c: {  	_ =	shalt  }
0x4d: {  	_ =	shalt  }
0x4e: {  	_ =	shalt  }
0x4f: {  	_ =	shalt  }
0x50: {  	_ =	shalt  }
0x51: {  	_ =	shalt  }
0x52: {  	_ =	shalt  }
0x53: {  	_ =	shalt  }
0x54: {  	_ =	shalt  }
0x55: {  	_ =	shalt  }
0x56: {  	_ =	shalt  }
0x57: {  	_ =	shalt  }
0x58: {  	_ =	shalt  }
0x59: {  	_ =	shalt  }
0x5a: {  	_ =	shalt  }
0x5b: {  	_ =	shalt  }
0x5c: {  	_ =	shalt  }
0x5d: {  	_ =	shalt  }
0x5e: {  	_ =	shalt  }
0x5f: {  	_ =	shalt  }
0x60: {  	_ =	shalt  }
0x61: {  	_ =	shalt  }
0x62: {  	_ =	shalt  }
0x63: {  	_ =	shalt  }
0x64: {  	_ =	shalt  }
0x65: {  	_ =	shalt  }
0x66: {  	_ =	shalt  }
0x67: {  	_ =	shalt  }
0x68: {  	_ =	shalt  }
0x69: {  	_ =	shalt  }
0x6a: {  	_ =	shalt  }
0x6b: {  	_ =	shalt  }
0x6c: {  	_ =	shalt  }
0x6d: {  	_ =	shalt  }
0x6e: {  	_ =	shalt  }
0x6f: {  	_ =	shalt  }
0x70: {  	_ =	shalt  }
0x71: {  	_ =	shalt  }
0x72: {  	_ =	shalt  }
0x73: {  	_ =	shalt  }
0x74: {  	_ =	shalt  }
0x75: {  	_ =	shalt  }
0x76: {  	_ =	shalt  }
0x77: {  	_ =	shalt  }
0x78: {  	_ =	shalt  }
0x79: {  	_ =	shalt  }
0x7a: {  	_ =	shalt  }
0x7b: {  	_ =	shalt  }
0x7c: {  	_ =	shalt  }
0x7d: {  	_ =	shalt  }
0x7e: {  	_ =	shalt  }
0x7f: {  	_ =	shalt  }
0x80: {  	_ =	shalt  }
0x81: {  	_ =	shalt  }
0x82: {  	_ =	shalt  }
0x83: {  	_ =	shalt  }
0x84: {  	_ =	shalt  }
0x85: {  	_ =	shalt  }
0x86: {  	_ =	shalt  }
0x87: {  	_ =	shalt  }
.Lfunc_end0:
.L_simem_size_0:
called_computation.2_lowered:
.L_overlay_start_0:
0x88: {  	s2 =	sld [smem:$0x3FD9]  }
0x89: {  	s3 =	sld [smem:$0x3FFE];
	_ =	sdelay $0x1  }
0x8a: {  	s1 =	srdreg.scid  }
0x8b: {  	s0 =	sand.u32 $0x1, s1  }
0x8c: {  	s17 =	sshll.u32 s0, $0xA;
	s2 =	sadd.s32 s3, s2  }
0x8d: {  	s2 =	sadd.s32 s2, s17  }
0x8e: {  	[smem:$0x3FC3] =	sst s2  }
0x8f: {  	_ = 	snop  }
0x90: {  	s2 =	sld [smem:$0x3FD0];
	(tm) =	ssettm $0x1  }
0x91: {  	s18 =	sld [smem:$0x3FFB];
	_ =	sdelay $0x3  }
0x92: {  	_ =	strace s18  }
0x93: {  	s3 =	sld [smem:$0x3FFC];
	_ =	sdelay $0x3  }
0x94: {  	_ =	strace s3  }
0x95: {  	s3 =	sld [smem:$0x3FFD];
	_ =	sdelay $0x3  }
0x96: {  	_ =	strace s3  }
0x97: {  	_ =	strace $0x8FFFFFFF  }
0x98: {  	s19 =	sld [smem:$0x3FDB];
	_ =	sdelay $0x1  }
0x99: {  	s4 =	simm.s32 $_scs_section_size  }
0x9a: {  	s5 =	simm.s32 $_size__tile_overlayer_lowered;
	s6 =	simm.s32 $_tile_overlayer_lowered  }
0x9b: {  	s22 =	simm.s32 $0x1BFF;
	s21 =	sshll.u32 s6, $0x1;
	s3 =	sadd.s32 s4, s19  }
0x9c: {  	s7 =	simm.s32 $0x0;
	s20 =	sshll.u32 s5, $0x1;
	s5 =	sadd.s32 s21, s3  }
0x9d: {  	[timem:s7], [sflag:s22] =	dma.local [hbm:s5], s20  }
0x9e: {  	_ =	swait.ge [sflag:s22], s20  }
0x9f: {  	s4 =	ssub.s32 $0x0, s20;
	[sflag:s22] =	ssyncset.done $0x0  }
0xa0: {  	[sflag:s22] =	ssyncadd.s32 s4;
	_ =	sdelay $0x1  }
0xa1: {  	s23 =	simm.s32 $0x1B8B  }
0xa2: {  	_ =	swait.ge [sflag:s23], $0x1  }
0xa3: {  	[sflag:s23] =	ssyncset.done $0x0  }
0xa4: {  	s25 =	simm.s32 $0x1B8E;
	s24 =	sld [smem:$0x3FFE];
	[sflag:s23] =	ssyncadd.s32 $0xFFFFFFFF  }
0xa5: {  	s26 =	simm.s32 $execute0_lowered;
	[smem:$0x3FD2] =	sst s25  }
0xa6: {  	s5 =	sshll.u32 s26, $0x1;
	_ =	strace $0x8000004C;
	[dreg:$0x1] =	wrdreg $0xFFFFFFFF  }
0xa7: {  	s28 =	simm.s32 $_size_execute0_lowered;
	s3 =	sadd.s32 s3, s5;
	[dreg:$0x0] =	wrdreg $0x0  }
0xa8: {  	s5 =	sshll.u32 s28, $0x1;
	[dreg:$0x2] =	wrdreg s3  }
0xa9: {  	[dreg:$0x3] =	wrdreg s5  }
0xaa: {  	[dreg:$0x4] =	wrdreg $0xC0  }
0xab: {  	_ =	task [dreg:s7], $0x5FFFF  }
0xac: {  	[dreg:$0x1] =	wrdreg $0xFFFFFFFF  }
0xad: {  	[dreg:$0x0] =	wrdreg $0x60  }
0xae: {  	[dreg:$0x2] =	wrdreg s24  }
0xaf: {  	[dreg:$0x3] =	wrdreg s2  }
0xb0: {  	[dreg:$0x4] =	wrdreg $0x9  }
0xb1: {  	_ =	task.clear_ibuf [dreg:s7], $0x5FFFF;
	_ =	strace $0x9000004C  }
0xb2: {  	s29 =	simm.s32 $0x9;
	_ =	strace $0x8000004E  }
0xb3: {  	_ =	swait.ge [sflag:s29], $0x1  }
0xb4: {  	[sflag:s29] =	ssyncadd.s32 $0xFFFFFFFF  }
0xb5: {  	_ =	strace $0x9000004E  }
0xb6: {  	_ =	sfence  }
0xb7: {  	s30 =	sld [smem:$0x0];
	_ =	sdelay $0x2  }
0xb8: {  	s31 =	sshll.u32 s1, $0xD;
	s1 =	sshrl.u32 s1, $0x2  }
0xb9: {  	s3 =	sand.u32 $0x4000, s31;
	s1 =	sadd.s32 s1, s30  }
0xba: {  	s0 =	sor.u32 s3, s0;
	s1 =	sshll.u32 s1, $0x11  }
0xbb: {  	s0 =	sor.u32 s1, s0  }
0xbc: {  	s0 =	sadd.s32 $0x8F2B, s0  }
0xbd: {  	[sflag:s0] =	ssyncadd.remote.s32 $0x1  }
0xbe: {  	_ =	sfence.sel $0xFFFF  }
0xbf: {  	[dreg:$0x0] =	wrdreg $0xFFFFFFFF;
	(pc) =	sbr.abs _section_cstart, $3  }
0xc0: {  	[dreg:$0x1] =	wrdreg $0xFFFFFFFF  }
0xc1: {  	_ =	task.clear_ibuf [dreg:s7], $0x2FFFF;
	_ =	strace $0x9FFFFFFF  }
0xc2: {  	(tm) =	ssettm $0x7FFFFFFF  }
0xc3: {  	_ =	shalt  }
tec
execute0_lowered:
.L_overlay_start_1:
0x0: {  	(tag) =	ssettag $0x1  }
0x1: {  	s5 =	rddreg [dreg:$0x0]  }
0x2: {  	s10 =	rddreg [dreg:$0x1]  }
0x3: {  	s0 =	rddreg [dreg:$0x2];
	s1 =	simm.s32 $0x0;
	v0 =	vimm.s32 $0xEFCDAB89;
	s4 =	srdreg.scid  }
0x4: {  	v1 =	vimm.s32 $0x67452301;
	s2 =	stileid.u32;
	v2 =	vimm.s32 $0xDCFE98BA;
	v3 =	vimm.s32 $0x54761032;
	s13 =	simm.s32 $0x1;
	s14 =	simm.s32 $0x80  }
0x5: {  	v4 =	vimm.s32 $0xBA98FEDC;
	v5 =	vimm.s32 $0xFEDCBA98;
	s15 =	simm.s32 $0x1000;
	s16 =	simm.s32 $0x5000;
	s17 =	simm.s32 $0x2  }
0x6: {  	v6 =	vimm.s32 $0x32107654;
	v7 =	vimm.s32 $0x76543210;
	s18 =	simm.s32 $0x3;
	s19 =	simm.s32 $0x6000;
	s20 =	simm.s32 $0x4;
	v0 =	vunpack.c.l.s4.s8 v0  }
0x7: {  	s21 =	simm.s32 $0x0;
	[smem:$0x7FF] =	sst s1;
	v1 =	vunpack.c.l.s4.s8 v1;
	s3 =	sadd.s32 $0x1200, s5;
	v2 =	vunpack.c.l.s4.s8 v2;
	v3 =	vunpack.c.l.s4.s8 v3  }
0x8: {  	s6 =	sand.u32 $0x1, s4;
	s7 =	sshll.u32 s2, $0x1;
	s4 =	sadd.s32 $0x401200, s5;
	v5 =	vunpack.c.l.s4.s8 v5;
	v4 =	vunpack.c.l.s4.s8 v4;
	v6 =	vunpack.c.l.s4.s8 v6  }
0x9: {  	s5 =	sadd.s32 $0x201200, s5;
	v7 =	vunpack.c.l.s4.s8 v7;
	s8 =	ssub.s32 $0x2, s6;
	s11 =	sor.u32 s6, s7;
	v0 =	vunpack.c.0.s8.s32 v0;
	v1 =	vunpack.c.0.s8.s32 v1  }
0xa: {  	_ =	strace $0x8000004D;
	s31 =	sshrl.u32 s8, $0x1;
	s9 =	sshll.u32 s11, $0x10;
	v2 =	vunpack.c.0.s8.s32 v2;
	v3 =	vunpack.c.0.s8.s32 v3;
	v5 =	vunpack.c.0.s8.s32 v5  }
0xb: {  	s11 =	sshll.u32 s11, $0x8;
	v4 =	vunpack.c.0.s8.s32 v4;
	v6 =	vunpack.c.0.s8.s32 v6;
	v7 =	vunpack.c.0.s8.s32 v7;
	s12 =	ssub.s32 s8, s31;
	s6 =	sadd.s32 s4, s9  }
0xc: {  	s7 =	sadd.s32 s5, s9;
	s8 =	sor.u32 $0x200, s9;
	s9 =	sor.u32 $0x400, s9;
	v0 =	vcombine.low v1, v0;
	v1 =	vcombine.low v3, v2;
	v3 =	vand.u32 $0xF, v5  }
0xd: {  	s10 =	sadd.s32 s10, s11;
	s11 =	smax.u32 s12, $0x1;
	s12 =	simm.s32 $0x4000;
	v2 =	vcombine.low v6, v4;
	v4 =	vlaneseq.u32;
	v3 =	vcombine.low v3, v7  }
.LBB2_1:
0xe: {  	[tilespmem:s1], [sflag:$0x1] =	stream.linear.gather [hbm4b:s6+s1], $0x1000, $0x38;
	[tilespmem:$0x6800] =	vst v63  }
0xf: {  	s22 =	simm.s32 $0x0  }
0x10: {  	[tilespmem:s12], [sflag:$0x1] =	stream.linear.gather [hbm4b:s7+s1], $0x1000, $0x38;
	[tilespmem:$0x6800] =	vst v63  }
.LBB2_2:
0x11: {  	_ =	swait.ge [sflag:s13], $0x1000  }
0x12: {  	[sflag:s13] =	ssyncset.done $0x0  }
0x13: {  	[sflag:s13] =	ssyncadd.s32 $0xFFFFF000  }
0x14: {  	_ =	swait.ge [sflag:s13], $0x1000  }
0x15: {  	[sflag:s13] =	ssyncset.done $0x0  }
0x16: {  	s23 =	simm.s32 $0x0;
	[sflag:s13] =	ssyncadd.s32 $0xFFFFF000  }
0x17: {  	v7 =	vld [tilespmem:s23+$0x0]  }
0x18: {  	v9 =	vld [tilespmem:s23+$0x10]  }
0x19: {  	v8 =	vld [tilespmem:s23+$0x20]  }
0x1a: {  	v6 =	vld [tilespmem:s23+$0x30]  }
0x1b: {  	v5 =	vld [tilespmem:s23+$0x40]  }
0x1c: {  	v10 =	vxor.u32 $0xFF0000, v7;
	v7 =	vld [tilespmem:s23+$0x50]  }
0x1d: {  	s24 =	simm.s32 $0x200;
	[tilespmem:s23+$0x0] =	vst v10;
	v10 =	vxor.u32 $0xFF0000, v9;
	v9 =	vld [tilespmem:s23+$0x60]  }
.LBB2_3:
0x1e: {  	s25 =	sshra.s32 s24, $0x2;
	p0 =	sne.s32 s24, $0x3E00;
	[tilespmem:s23+$0x10] =	vst v10;
	v8 =	vxor.u32 $0xFF0000, v8;
	v10 =	vld [tilespmem:s23+$0x70]  }
0x1f: {  	v11 =	vld [tilespmem:s25+$0x0];
	[tilespmem:s23+$0x20] =	vst v8;
	v6 =	vxor.u32 $0xFF0000, v6  }
0x20: {  	v12 =	vld [tilespmem:s25+$0x10];
	[tilespmem:s23+$0x30] =	vst v6;
	v5 =	vxor.u32 $0xFF0000, v5  }
.Ltmp0:
0x21: {  	v8 =	vld [tilespmem:s25+$0x20];
	[tilespmem:s23+$0x40] =	vst v5;
	v5 =	vxor.u32 $0xFF0000, v7;
	(pc) =	sbr.rel @p0 .LBB2_3-.Ltmp0, $4  }
0x22: {  	v6 =	vld [tilespmem:s25+$0x30];
	[tilespmem:s23+$0x50] =	vst v5;
	v7 =	vxor.u32 $0xFF0000, v9  }
0x23: {  	v5 =	vld [tilespmem:s25+$0x40];
	[tilespmem:s23+$0x60] =	vst v7;
	v9 =	vxor.u32 $0xFF0000, v10  }
0x24: {  	v10 =	vxor.u32 $0xFF0000, v11;
	v7 =	vld [tilespmem:s25+$0x50];
	[tilespmem:s23+$0x70] =	vst v9;
	s23 =	smov.u32 s25  }
0x25: {  	s24 =	sadd.s32 $0x200, s24;
	[tilespmem:s23+$0x0] =	vst v10;
	v10 =	vxor.u32 $0xFF0000, v12;
	v9 =	vld [tilespmem:s23+$0x60]  }
0x26: {  	[tilespmem:s23+$0x10] =	vst v10;
	v8 =	vxor.u32 $0xFF0000, v8;
	v63 =	vld [tilespmem:s23+$0x70]  }
0x27: {  	[tilespmem:s23+$0x20] =	vst v8;
	v6 =	vxor.u32 $0xFF0000, v6  }
0x28: {  	[tilespmem:s23+$0x30] =	vst v6;
	v5 =	vxor.u32 $0xFF0000, v5  }
0x29: {  	[tilespmem:s23+$0x40] =	vst v5;
	v5 =	vxor.u32 $0xFF0000, v7  }
0x2a: {  	[tilespmem:s23+$0x50] =	vst v5;
	v5 =	vxor.u32 $0xFF0000, v9  }
0x2b: {  	[tilespmem:s23+$0x60] =	vst v5;
	v5 =	vxor.u32 $0xFF0000, v63  }
0x2c: {  	s24 =	simm.s32 $0x0;
	s25 =	simm.s32 $0x2000;
	[tilespmem:s23+$0x70] =	vst v5;
	s23 =	simm.s32 $0x200  }
.LBB2_5:
0x2d: {  	[tilespmem:s25], [sflag:$0x2] =	stream.indirect.gather [hbm4b:s3+s14], $0x1, s24, s14, $0xb8;
	[tilespmem:$0x6800] =	vst v63  }
0x2e: {  	s24 =	smov.u32 s23;
	p0 =	sne.s32 s23, $0x3E00  }
.Ltmp1:
0x2f: {  	s23 =	sadd.s32 $0x200, s23;
	(pc) =	sbr.rel @p0 .LBB2_5-.Ltmp1, $3  }
0x30: {  	_ =	sdelay $0x1  }
0x31: {  	s24 =	sshra.s32 s24, $0x2  }
0x32: {  	s25 =	sadd.s32 $0x2000, s24  }
0x33: {  	p0 =	seq.s32 s22, $0x0  }
.Ltmp2:
0x34: {  	_ = 	snop;
	(pc) =	sbr.rel @p0 .LBB2_10-.Ltmp2, $2  }
0x35: {  	_ =	sdelay $0x2  }
0x36: {  	[tilespmem:s25], [sflag:$0x2] =	stream.indirect.gather [hbm4b:s3+s14], $0x1, s24, s14, $0xb8;
	[tilespmem:$0x6800] =	vst v63  }
0x37: {  	_ =	swait.ge [sflag:s18], $0x80  }
0x38: {  	[sflag:s18] =	ssyncset.done $0x0  }
0x39: {  	[sflag:s18] =	ssyncadd.s32 $0xFFFFFF80  }
0x3a: {  	_ =	swait.ge [sflag:s18], $0x80  }
0x3b: {  	[sflag:s18] =	ssyncset.done $0x0  }
0x3c: {  	[sflag:s18] =	ssyncadd.s32 $0xFFFFFF80  }
0x3d: {  	_ =	swait.ge [sflag:s18], $0x80  }
0x3e: {  	[sflag:s18] =	ssyncset.done $0x0  }
0x3f: {  	[sflag:s18] =	ssyncadd.s32 $0xFFFFFF80  }
0x40: {  	_ =	swait.ge [sflag:s18], $0x80  }
0x41: {  	[sflag:s18] =	ssyncset.done $0x0  }
0x42: {  	[sflag:s18] =	ssyncadd.s32 $0xFFFFFF80  }
0x43: {  	_ =	swait.ge [sflag:s18], $0x80  }
0x44: {  	[sflag:s18] =	ssyncset.done $0x0  }
0x45: {  	[sflag:s18] =	ssyncadd.s32 $0xFFFFFF80  }
0x46: {  	_ =	swait.ge [sflag:s18], $0x80  }
0x47: {  	[sflag:s18] =	ssyncset.done $0x0  }
0x48: {  	[sflag:s18] =	ssyncadd.s32 $0xFFFFFF80  }
0x49: {  	_ =	swait.ge [sflag:s18], $0x80  }
0x4a: {  	[sflag:s18] =	ssyncset.done $0x0  }
0x4b: {  	[sflag:s18] =	ssyncadd.s32 $0xFFFFFF80  }
0x4c: {  	_ =	swait.ge [sflag:s18], $0x80  }
0x4d: {  	[sflag:s18] =	ssyncset.done $0x0  }
0x4e: {  	[sflag:s18] =	ssyncadd.s32 $0xFFFFFF80  }
0x4f: {  	_ =	swait.ge [sflag:s18], $0x80  }
0x50: {  	[sflag:s18] =	ssyncset.done $0x0  }
0x51: {  	[sflag:s18] =	ssyncadd.s32 $0xFFFFFF80  }
0x52: {  	_ =	swait.ge [sflag:s18], $0x80  }
0x53: {  	[sflag:s18] =	ssyncset.done $0x0  }
0x54: {  	[sflag:s18] =	ssyncadd.s32 $0xFFFFFF80  }
0x55: {  	_ =	swait.ge [sflag:s18], $0x80  }
0x56: {  	[sflag:s18] =	ssyncset.done $0x0  }
0x57: {  	[sflag:s18] =	ssyncadd.s32 $0xFFFFFF80  }
0x58: {  	_ =	swait.ge [sflag:s18], $0x80  }
0x59: {  	[sflag:s18] =	ssyncset.done $0x0  }
0x5a: {  	[sflag:s18] =	ssyncadd.s32 $0xFFFFFF80  }
0x5b: {  	_ =	swait.ge [sflag:s18], $0x80  }
0x5c: {  	[sflag:s18] =	ssyncset.done $0x0  }
0x5d: {  	[sflag:s18] =	ssyncadd.s32 $0xFFFFFF80  }
0x5e: {  	_ =	swait.ge [sflag:s18], $0x80  }
0x5f: {  	[sflag:s18] =	ssyncset.done $0x0  }
0x60: {  	[sflag:s18] =	ssyncadd.s32 $0xFFFFFF80  }
0x61: {  	_ =	swait.ge [sflag:s18], $0x80  }
0x62: {  	[sflag:s18] =	ssyncset.done $0x0  }
0x63: {  	[sflag:s18] =	ssyncadd.s32 $0xFFFFFF80  }
0x64: {  	_ =	swait.ge [sflag:s18], $0x80  }
0x65: {  	[sflag:s18] =	ssyncset.done $0x0  }
0x66: {  	[sflag:s18] =	ssyncadd.s32 $0xFFFFFF80  }
0x67: {  	_ =	swait.ge [sflag:s18], $0x80  }
0x68: {  	[sflag:s18] =	ssyncset.done $0x0  }
0x69: {  	[sflag:s18] =	ssyncadd.s32 $0xFFFFFF80  }
0x6a: {  	_ =	swait.ge [sflag:s18], $0x80  }
0x6b: {  	[sflag:s18] =	ssyncset.done $0x0  }
0x6c: {  	[sflag:s18] =	ssyncadd.s32 $0xFFFFFF80  }
0x6d: {  	_ =	swait.ge [sflag:s18], $0x80  }
0x6e: {  	[sflag:s18] =	ssyncset.done $0x0  }
0x6f: {  	[sflag:s18] =	ssyncadd.s32 $0xFFFFFF80  }
0x70: {  	_ =	swait.ge [sflag:s18], $0x80  }
0x71: {  	[sflag:s18] =	ssyncset.done $0x0  }
0x72: {  	[sflag:s18] =	ssyncadd.s32 $0xFFFFFF80  }
0x73: {  	_ =	swait.ge [sflag:s18], $0x80  }
0x74: {  	[sflag:s18] =	ssyncset.done $0x0  }
0x75: {  	[sflag:s18] =	ssyncadd.s32 $0xFFFFFF80  }
0x76: {  	_ =	swait.ge [sflag:s18], $0x80  }
0x77: {  	[sflag:s18] =	ssyncset.done $0x0  }
0x78: {  	[sflag:s18] =	ssyncadd.s32 $0xFFFFFF80  }
0x79: {  	_ =	swait.ge [sflag:s18], $0x80  }
0x7a: {  	[sflag:s18] =	ssyncset.done $0x0  }
0x7b: {  	[sflag:s18] =	ssyncadd.s32 $0xFFFFFF80  }
0x7c: {  	_ =	swait.ge [sflag:s18], $0x80  }
0x7d: {  	[sflag:s18] =	ssyncset.done $0x0  }
0x7e: {  	[sflag:s18] =	ssyncadd.s32 $0xFFFFFF80  }
0x7f: {  	_ =	swait.ge [sflag:s18], $0x80  }
0x80: {  	[sflag:s18] =	ssyncset.done $0x0  }
0x81: {  	[sflag:s18] =	ssyncadd.s32 $0xFFFFFF80  }
0x82: {  	_ =	swait.ge [sflag:s18], $0x80  }
0x83: {  	[sflag:s18] =	ssyncset.done $0x0  }
0x84: {  	[sflag:s18] =	ssyncadd.s32 $0xFFFFFF80  }
0x85: {  	_ =	swait.ge [sflag:s18], $0x80  }
0x86: {  	[sflag:s18] =	ssyncset.done $0x0  }
0x87: {  	[sflag:s18] =	ssyncadd.s32 $0xFFFFFF80  }
0x88: {  	_ =	swait.ge [sflag:s18], $0x80  }
0x89: {  	[sflag:s18] =	ssyncset.done $0x0  }
0x8a: {  	[sflag:s18] =	ssyncadd.s32 $0xFFFFFF80  }
0x8b: {  	_ =	swait.ge [sflag:s18], $0x80  }
0x8c: {  	[sflag:s18] =	ssyncset.done $0x0  }
0x8d: {  	[sflag:s18] =	ssyncadd.s32 $0xFFFFFF80  }
0x8e: {  	_ =	swait.ge [sflag:s18], $0x80  }
0x8f: {  	[sflag:s18] =	ssyncset.done $0x0  }
0x90: {  	[sflag:s18] =	ssyncadd.s32 $0xFFFFFF80  }
0x91: {  	_ =	swait.ge [sflag:s18], $0x80  }
0x92: {  	[sflag:s18] =	ssyncset.done $0x0  }
0x93: {  	[sflag:s18] =	ssyncadd.s32 $0xFFFFFF80  }
0x94: {  	_ =	swait.ge [sflag:s18], $0x80  }
0x95: {  	[sflag:s18] =	ssyncset.done $0x0  }
0x96: {  	s23 =	simm.s32 $0x3080;
	[sflag:s18] =	ssyncadd.s32 $0xFFFFFF80  }
0x97: {  	s24 =	simm.s32 $0x5080;
	v5 =	vld [tilespmem:s23+$0xFFFFFF80]  }
0x98: {  	v6 =	vld [tilespmem:s24+$0xFFFFFF80]  }
0x99: {  	v7 =	vld [tilespmem:s23+$0xFFFFFF90]  }
0x9a: {  	v8 =	vld [tilespmem:s24+$0xFFFFFF90]  }
0x9b: {  	v9 =	vld [tilespmem:s23+$0xFFFFFFA0]  }
0x9c: {  	v10 =	vld [tilespmem:s24+$0xFFFFFFA0]  }
0x9d: {  	v11 =	vld [tilespmem:s23+$0xFFFFFFB0];
	v5 =	vmul.f32 v6, v5  }
0x9e: {  	v6 =	vld [tilespmem:s24+$0xFFFFFFB0]  }
0x9f: {  	v12 =	vld [tilespmem:s23+$0xFFFFFFC0];
	v7 =	vmul.f32 v8, v7;
	v5 =	vadd.f32 $0.0e+00, v5  }
0xa0: {  	v8 =	vld [tilespmem:s24+$0xFFFFFFC0]  }
0xa1: {  	v13 =	vld [tilespmem:s23+$0xFFFFFFD0];
	v5 =	vadd.f32 v7, v5;
	v7 =	vmul.f32 v10, v9  }
0xa2: {  	v9 =	vld [tilespmem:s24+$0xFFFFFFD0]  }
0xa3: {  	v10 =	vld [tilespmem:s23+$0xFFFFFFE0];
	v6 =	vmul.f32 v6, v11;
	v5 =	vadd.f32 v7, v5  }
0xa4: {  	v7 =	vld [tilespmem:s24+$0xFFFFFFE0]  }
0xa5: {  	v11 =	vld [tilespmem:s23+$0xFFFFFFF0];
	v5 =	vadd.f32 v6, v5;
	v6 =	vmul.f32 v8, v12  }
0xa6: {  	v8 =	vld [tilespmem:s24+$0xFFFFFFF0]  }
0xa7: {  	v12 =	vld [tilespmem:s23+$0x0];
	v5 =	vadd.f32 v6, v5;
	v6 =	vmul.f32 v9, v13  }
0xa8: {  	v9 =	vld [tilespmem:s24+$0x0]  }
0xa9: {  	v13 =	vld [tilespmem:s23+$0x10];
	v5 =	vadd.f32 v6, v5;
	v6 =	vmul.f32 v7, v10  }
0xaa: {  	v7 =	vld [tilespmem:s24+$0x10]  }
0xab: {  	v10 =	vld [tilespmem:s23+$0x20];
	v5 =	vadd.f32 v6, v5;
	v6 =	vmul.f32 v8, v11  }
0xac: {  	v8 =	vld [tilespmem:s24+$0x20]  }
0xad: {  	v11 =	vld [tilespmem:s23+$0x30];
	v5 =	vadd.f32 v6, v5;
	v6 =	vmul.f32 v9, v12  }
0xae: {  	v9 =	vld [tilespmem:s24+$0x30]  }
0xaf: {  	v12 =	vld [tilespmem:s23+$0x40];
	v5 =	vadd.f32 v6, v5;
	v6 =	vmul.f32 v7, v13  }
0xb0: {  	v13 =	vld [tilespmem:s24+$0x40]  }
0xb1: {  	v14 =	vld [tilespmem:s23+$0x50];
	v7 =	vmul.f32 v8, v10;
	v5 =	vadd.f32 v6, v5  }
0xb2: {  	v15 =	vld [tilespmem:s24+$0x50]  }
0xb3: {  	v8 =	vld [tilespmem:s24+$0x60];
	v9 =	vmul.f32 v9, v11;
	v5 =	vadd.f32 v7, v5  }
0xb4: {  	v6 =	vld [tilespmem:s23+$0x60]  }
0xb5: {  	v7 =	vld [tilespmem:s23+$0x70];
	v11 =	vmul.f32 v13, v12;
	v10 =	vadd.f32 v9, v5  }
0xb6: {  	s25 =	simm.s32 $0x3180;
	v9 =	vld [tilespmem:s24+$0x70]  }
0xb7: {  	s26 =	simm.s32 $0x5180;
	v12 =	vld [tilespmem:s25+$0xFFFFFF80];
	v10 =	vadd.f32 v11, v10;
	v11 =	vmul.f32 v15, v14  }
0xb8: {  	s28 =	simm.s32 $0x2;
	s23 =	simm.s32 $0x1;
	v13 =	vld [tilespmem:s26+$0xFFFFFF80];
	s24 =	simm.s32 $0x0;
	v5 =	vimm.f32 $0.0e+00  }
.LBB2_8:
0xb9: {  	p0 =	sne.s32 s28, $0xF;
	v14 =	vld [tilespmem:s25+$0xFFFFFF90];
	v10 =	vadd.f32 v11, v10;
	v6 =	vmul.f32 v8, v6  }
0xba: {  	v8 =	vld [tilespmem:s26+$0xFFFFFF90]  }
0xbb: {  	v11 =	vld [tilespmem:s25+$0xFFFFFFA0];
	v6 =	vadd.f32 v6, v10;
	v7 =	vmul.f32 v9, v7  }
0xbc: {  	v9 =	vld [tilespmem:s26+$0xFFFFFFA0]  }
0xbd: {  	v10 =	vmul.f32 v13, v12;
	v12 =	vld [tilespmem:s25+$0xFFFFFFB0];
	v6 =	vadd.f32 v7, v6  }
0xbe: {  	v7 =	vld [tilespmem:s26+$0xFFFFFFB0]  }
0xbf: {  	v10 =	vadd.f32 $0.0e+00, v10;
	v8 =	vmul.f32 v8, v14;
	v13 =	vld [tilespmem:s25+$0xFFFFFFC0];
	v14 =	vperm.xlane v6, v0  }
0xc0: {  	v15 =	vld [tilespmem:s26+$0xFFFFFFC0]  }
0xc1: {  	v8 =	vadd.f32 v8, v10;
	v9 =	vmul.f32 v9, v11;
	v10 =	vld [tilespmem:s25+$0xFFFFFFD0];
	v6 =	vadd.f32 v6, v14  }
0xc2: {  	v11 =	vld [tilespmem:s26+$0xFFFFFFD0]  }
0xc3: {  	v8 =	vadd.f32 v9, v8;
	v7 =	vmul.f32 v7, v12;
	v9 =	vld [tilespmem:s25+$0xFFFFFFE0];
	v12 =	vperm.xlane v6, v1  }
0xc4: {  	v14 =	vld [tilespmem:s26+$0xFFFFFFE0]  }
0xc5: {  	v7 =	vadd.f32 v7, v8;
	v8 =	vmul.f32 v15, v13;
	v13 =	vld [tilespmem:s25+$0xFFFFFFF0];
	v6 =	vadd.f32 v6, v12  }
0xc6: {  	v12 =	vld [tilespmem:s26+$0xFFFFFFF0]  }
0xc7: {  	v7 =	vadd.f32 v8, v7;
	v8 =	vmul.f32 v11, v10;
	v10 =	vld [tilespmem:s25+$0x0];
	v11 =	vperm.xlane v6, v2  }
0xc8: {  	v15 =	vld [tilespmem:s26+$0x0]  }
0xc9: {  	v7 =	vadd.f32 v8, v7;
	v8 =	vmul.f32 v14, v9;
	v9 =	vld [tilespmem:s25+$0x10];
	v6 =	vadd.f32 v6, v11  }
0xca: {  	v11 =	vld [tilespmem:s26+$0x10]  }
0xcb: {  	v7 =	vadd.f32 v8, v7;
	v8 =	vmul.f32 v12, v13;
	v12 =	vld [tilespmem:s25+$0x20];
	v13 =	vperm.xlane v6, v3  }
0xcc: {  	v16 =	vmov s24;
	s24 =	smov.u32 s23;
	s23 =	smov.u32 s28;
	v14 =	vld [tilespmem:s26+$0x20]  }
0xcd: {  	v7 =	vadd.f32 v8, v7;
	v8 =	vmul.f32 v15, v10;
	v10 =	vld [tilespmem:s25+$0x30];
	v6 =	vadd.f32 v6, v13  }
0xce: {  	vm0 =	veq.s32 v16, v4;
	v13 =	vld [tilespmem:s26+$0x30]  }
0xcf: {  	v7 =	vadd.f32 v8, v7;
	v8 =	vmul.f32 v11, v9;
	v9 =	vld [tilespmem:s25+$0x40];
	v5 =	vsel vm0, v6, v5  }
0xd0: {  	v11 =	vld [tilespmem:s26+$0x40]  }
0xd1: {  	v6 =	vadd.f32 v8, v7;
	v7 =	vmul.f32 v14, v12;
	v14 =	vld [tilespmem:s25+$0x50]  }
0xd2: {  	v15 =	vld [tilespmem:s26+$0x50]  }
0xd3: {  	v7 =	vadd.f32 v7, v6;
	v10 =	vmul.f32 v13, v10;
	v6 =	vld [tilespmem:s25+$0x60]  }
.Ltmp3:
0xd4: {  	v8 =	vld [tilespmem:s26+$0x60];
	(pc) =	sbr.rel @p0 .LBB2_8-.Ltmp3, $4  }
0xd5: {  	v10 =	vadd.f32 v10, v7;
	v11 =	vmul.f32 v11, v9;
	v7 =	vld [tilespmem:s25+$0x70]  }
0xd6: {  	s25 =	sadd.s32 $0x100, s25;
	v9 =	vld [tilespmem:s26+$0x70]  }
0xd7: {  	s26 =	sadd.s32 $0x100, s26;
	v12 =	vld [tilespmem:s25+$0xFFFFFF80];
	v10 =	vadd.f32 v11, v10;
	v11 =	vmul.f32 v15, v14  }
0xd8: {  	s28 =	sadd.s32 $0x1, s28;
	v13 =	vld [tilespmem:s26+$0xFFFFFF80]  }
0xd9: {  	v14 =	vld [tilespmem:s25+$0xFFFFFF90]  }
0xda: {  	v15 =	vld [tilespmem:s26+$0xFFFFFF90]  }
0xdb: {  	v16 =	vld [tilespmem:s25+$0xFFFFFFA0]  }
0xdc: {  	v17 =	vld [tilespmem:s26+$0xFFFFFFA0]  }
0xdd: {  	v23 =	vld [tilespmem:s25+$0xFFFFFFB0];
	v12 =	vmul.f32 v13, v12  }
0xde: {  	v18 =	vld [tilespmem:s26+$0xFFFFFFB0]  }
0xdf: {  	v24 =	vld [tilespmem:s25+$0xFFFFFFC0];
	v14 =	vmul.f32 v15, v14;
	v12 =	vadd.f32 $0.0e+00, v12  }
0xe0: {  	v19 =	vld [tilespmem:s26+$0xFFFFFFC0]  }
0xe1: {  	v26 =	vld [tilespmem:s25+$0xFFFFFFD0];
	v25 =	vmul.f32 v17, v16;
	v12 =	vadd.f32 v14, v12  }
0xe2: {  	v27 =	vld [tilespmem:s26+$0xFFFFFFD0]  }
0xe3: {  	v28 =	vld [tilespmem:s25+$0xFFFFFFE0];
	v13 =	vmul.f32 v18, v23;
	v12 =	vadd.f32 v25, v12  }
0xe4: {  	v29 =	vld [tilespmem:s26+$0xFFFFFFE0]  }
0xe5: {  	v31 =	vld [tilespmem:s25+$0xFFFFFFF0];
	v30 =	vmul.f32 v19, v24;
	v12 =	vadd.f32 v13, v12  }
0xe6: {  	v32 =	vld [tilespmem:s26+$0xFFFFFFF0]  }
0xe7: {  	v34 =	vld [tilespmem:s25+$0x0];
	v33 =	vmul.f32 v27, v26;
	v12 =	vadd.f32 v30, v12  }
0xe8: {  	v35 =	vld [tilespmem:s26+$0x0]  }
0xe9: {  	v37 =	vld [tilespmem:s25+$0x10];
	v36 =	vmul.f32 v29, v28;
	v12 =	vadd.f32 v33, v12  }
0xea: {  	v38 =	vld [tilespmem:s26+$0x10]  }
0xeb: {  	v40 =	vld [tilespmem:s25+$0x20];
	v39 =	vmul.f32 v32, v31;
	v12 =	vadd.f32 v36, v12  }
0xec: {  	v41 =	vld [tilespmem:s26+$0x20]  }
0xed: {  	v43 =	vld [tilespmem:s25+$0x30];
	v42 =	vmul.f32 v35, v34;
	v12 =	vadd.f32 v39, v12  }
0xee: {  	v44 =	vld [tilespmem:s26+$0x30]  }
0xef: {  	v46 =	vld [tilespmem:s25+$0x40];
	v45 =	vmul.f32 v38, v37;
	v12 =	vadd.f32 v42, v12  }
0xf0: {  	v47 =	vld [tilespmem:s26+$0x40]  }
0xf1: {  	v49 =	vld [tilespmem:s25+$0x50];
	v48 =	vmul.f32 v41, v40;
	v12 =	vadd.f32 v45, v12  }
0xf2: {  	v50 =	vld [tilespmem:s26+$0x50]  }
0xf3: {  	v52 =	vld [tilespmem:s25+$0x60];
	v51 =	vmul.f32 v44, v43;
	v12 =	vadd.f32 v48, v12  }
0xf4: {  	v53 =	vld [tilespmem:s26+$0x60]  }
0xf5: {  	v55 =	vld [tilespmem:s25+$0x70];
	v54 =	vmul.f32 v47, v46;
	v12 =	vadd.f32 v51, v12  }
0xf6: {  	v56 =	vld [tilespmem:s26+$0x70]  }
0xf7: {  	v57 =	vmul.f32 v50, v49;
	v12 =	vadd.f32 v54, v12  }
0xf8: {  	v10 =	vadd.f32 v11, v10;
	v6 =	vmul.f32 v8, v6  }
0xf9: {  	v59 =	vmul.f32 v53, v52;
	v58 =	vadd.f32 v57, v12  }
0xfa: {  	v6 =	vadd.f32 v6, v10;
	v7 =	vmul.f32 v9, v7  }
0xfb: {  	v60 =	vmul.f32 v56, v55;
	v8 =	vadd.f32 v59, v58  }
0xfc: {  	v6 =	vadd.f32 v7, v6  }
0xfd: {  	v7 =	vadd.f32 v60, v8  }
0xfe: {  	v61 =	vperm.xlane v6, v0  }
0xff: {  	v9 =	vperm.xlane v7, v0  }
0x100: {  	v6 =	vadd.f32 v6, v61  }
0x101: {  	v7 =	vadd.f32 v7, v9  }
0x102: {  	v8 =	vperm.xlane v6, v1  }
0x103: {  	v9 =	vperm.xlane v7, v1  }
0x104: {  	v6 =	vadd.f32 v6, v8  }
0x105: {  	v7 =	vadd.f32 v7, v9  }
0x106: {  	v8 =	vperm.xlane v6, v2  }
0x107: {  	v9 =	vperm.xlane v7, v2  }
0x108: {  	v6 =	vadd.f32 v6, v8  }
0x109: {  	v7 =	vadd.f32 v7, v9  }
0x10a: {  	v8 =	vperm.xlane v6, v3  }
0x10b: {  	v9 =	vperm.xlane v7, v3  }
0x10c: {  	v62 =	vmov s24;
	v6 =	vadd.f32 v6, v8  }
0x10d: {  	v63 =	vmov s23;
	vm0 =	veq.s32 v62, v4;
	v7 =	vadd.f32 v7, v9  }
0x10e: {  	s31 =	sshll.u32 s22, $0x5;
	vm15 =	veq.s32 v63, v4;
	v5 =	vsel vm0, v6, v5  }
0x10f: {  	s23 =	sand.u32 $0x3FFFFFE0, s31;
	v5 =	vsel vm15, v7, v5  }
0x110: {  	[tilespmem:s23+$0x5FF0] =	vst v5  }
.LBB2_10:
0x111: {  	s23 =	sshll.u32 s22, $0xA  }
0x112: {  	s24 =	sadd.s32 s8, s23  }
0x113: {  	s26 =	simm.s32 $0x0;
	s25 =	sadd.s32 s4, s24  }
0x114: {  	[tilespmem:s15], [sflag:$0x1] =	stream.linear.gather [hbm4b:s25+s26], $0x1000, $0x38;
	[tilespmem:$0x6800] =	vst v63  }
0x115: {  	s24 =	sadd.s32 s5, s24  }
0x116: {  	[tilespmem:s16], [sflag:$0x1] =	stream.linear.gather [hbm4b:s24+s26], $0x1000, $0x38;
	[tilespmem:$0x6800] =	vst v63  }
0x117: {  	_ =	swait.ge [sflag:s13], $0x1000  }
0x118: {  	[sflag:s13] =	ssyncset.done $0x0  }
0x119: {  	[sflag:s13] =	ssyncadd.s32 $0xFFFFF000  }
0x11a: {  	_ =	swait.ge [sflag:s13], $0x1000  }
0x11b: {  	[sflag:s13] =	ssyncset.done $0x0  }
0x11c: {  	s24 =	simm.s32 $0x0;
	[sflag:s13] =	ssyncadd.s32 $0xFFFFF000  }
0x11d: {  	v7 =	vld [tilespmem:s24+$0x1000]  }
0x11e: {  	v9 =	vld [tilespmem:s24+$0x1010]  }
0x11f: {  	v8 =	vld [tilespmem:s24+$0x1020]  }
0x120: {  	v6 =	vld [tilespmem:s24+$0x1030]  }
0x121: {  	v5 =	vld [tilespmem:s24+$0x1040]  }
0x122: {  	v10 =	vxor.u32 $0xFF0000, v7;
	v7 =	vld [tilespmem:s24+$0x1050]  }
0x123: {  	s25 =	simm.s32 $0x200;
	[tilespmem:s24+$0x1000] =	vst v10;
	v10 =	vxor.u32 $0xFF0000, v9;
	v9 =	vld [tilespmem:s24+$0x1060]  }
.LBB2_11:
0x124: {  	s26 =	sshra.s32 s25, $0x2;
	p0 =	sne.s32 s25, $0x3E00;
	[tilespmem:s24+$0x1010] =	vst v10;
	v8 =	vxor.u32 $0xFF0000, v8;
	v10 =	vld [tilespmem:s24+$0x1070]  }
0x125: {  	v11 =	vld [tilespmem:s26+$0x1000];
	[tilespmem:s24+$0x1020] =	vst v8;
	v6 =	vxor.u32 $0xFF0000, v6  }
0x126: {  	v12 =	vld [tilespmem:s26+$0x1010];
	[tilespmem:s24+$0x1030] =	vst v6;
	v5 =	vxor.u32 $0xFF0000, v5  }
.Ltmp4:
0x127: {  	v8 =	vld [tilespmem:s26+$0x1020];
	[tilespmem:s24+$0x1040] =	vst v5;
	v5 =	vxor.u32 $0xFF0000, v7;
	(pc) =	sbr.rel @p0 .LBB2_11-.Ltmp4, $4  }
0x128: {  	v6 =	vld [tilespmem:s26+$0x1030];
	[tilespmem:s24+$0x1050] =	vst v5;
	v7 =	vxor.u32 $0xFF0000, v9  }
0x129: {  	v5 =	vld [tilespmem:s26+$0x1040];
	[tilespmem:s24+$0x1060] =	vst v7;
	v9 =	vxor.u32 $0xFF0000, v10  }
0x12a: {  	v10 =	vxor.u32 $0xFF0000, v11;
	v7 =	vld [tilespmem:s26+$0x1050];
	[tilespmem:s24+$0x1070] =	vst v9;
	s24 =	smov.u32 s26  }
0x12b: {  	s25 =	sadd.s32 $0x200, s25;
	[tilespmem:s24+$0x1000] =	vst v10;
	v10 =	vxor.u32 $0xFF0000, v12;
	v9 =	vld [tilespmem:s24+$0x1060]  }
0x12c: {  	[tilespmem:s24+$0x1010] =	vst v10;
	v8 =	vxor.u32 $0xFF0000, v8;
	v63 =	vld [tilespmem:s24+$0x1070]  }
0x12d: {  	[tilespmem:s24+$0x1020] =	vst v8;
	v6 =	vxor.u32 $0xFF0000, v6  }
0x12e: {  	[tilespmem:s24+$0x1030] =	vst v6;
	v5 =	vxor.u32 $0xFF0000, v5  }
0x12f: {  	[tilespmem:s24+$0x1040] =	vst v5;
	v5 =	vxor.u32 $0xFF0000, v7  }
0x130: {  	[tilespmem:s24+$0x1050] =	vst v5;
	v5 =	vxor.u32 $0xFF0000, v9  }
0x131: {  	[tilespmem:s24+$0x1060] =	vst v5;
	v5 =	vxor.u32 $0xFF0000, v63  }
0x132: {  	s25 =	simm.s32 $0x3000;
	s26 =	simm.s32 $0x1000;
	[tilespmem:s24+$0x1070] =	vst v5;
	s24 =	simm.s32 $0x200  }
.LBB2_13:
0x133: {  	[tilespmem:s25], [sflag:$0x3] =	stream.indirect.gather [hbm4b:s3+s14], $0x1, s26, s14, $0xb8;
	[tilespmem:$0x6800] =	vst v63  }
0x134: {  	s25 =	smov.u32 s24;
	p0 =	sne.s32 s24, $0x3E00  }
.Ltmp5:
0x135: {  	s24 =	sadd.s32 $0x200, s24;
	(pc) =	sbr.rel @p0 .LBB2_13-.Ltmp5, $3  }
0x136: {  	_ =	sdelay $0x1  }
0x137: {  	s26 =	sshra.s32 s25, $0x2  }
0x138: {  	s25 =	sadd.s32 $0x3000, s26;
	s26 =	sadd.s32 $0x1000, s26  }
0x139: {  	[tilespmem:s25], [sflag:$0x3] =	stream.indirect.gather [hbm4b:s3+s14], $0x1, s26, s14, $0xb8;
	[tilespmem:$0x6800] =	vst v63  }
0x13a: {  	_ =	swait.ge [sflag:s17], $0x80  }
0x13b: {  	[sflag:s17] =	ssyncset.done $0x0  }
0x13c: {  	[sflag:s17] =	ssyncadd.s32 $0xFFFFFF80  }
0x13d: {  	_ =	swait.ge [sflag:s17], $0x80  }
0x13e: {  	[sflag:s17] =	ssyncset.done $0x0  }
0x13f: {  	[sflag:s17] =	ssyncadd.s32 $0xFFFFFF80  }
0x140: {  	_ =	swait.ge [sflag:s17], $0x80  }
0x141: {  	[sflag:s17] =	ssyncset.done $0x0  }
0x142: {  	[sflag:s17] =	ssyncadd.s32 $0xFFFFFF80  }
0x143: {  	_ =	swait.ge [sflag:s17], $0x80  }
0x144: {  	[sflag:s17] =	ssyncset.done $0x0  }
0x145: {  	[sflag:s17] =	ssyncadd.s32 $0xFFFFFF80  }
0x146: {  	_ =	swait.ge [sflag:s17], $0x80  }
0x147: {  	[sflag:s17] =	ssyncset.done $0x0  }
0x148: {  	[sflag:s17] =	ssyncadd.s32 $0xFFFFFF80  }
0x149: {  	_ =	swait.ge [sflag:s17], $0x80  }
0x14a: {  	[sflag:s17] =	ssyncset.done $0x0  }
0x14b: {  	[sflag:s17] =	ssyncadd.s32 $0xFFFFFF80  }
0x14c: {  	_ =	swait.ge [sflag:s17], $0x80  }
0x14d: {  	[sflag:s17] =	ssyncset.done $0x0  }
0x14e: {  	[sflag:s17] =	ssyncadd.s32 $0xFFFFFF80  }
0x14f: {  	_ =	swait.ge [sflag:s17], $0x80  }
0x150: {  	[sflag:s17] =	ssyncset.done $0x0  }
0x151: {  	[sflag:s17] =	ssyncadd.s32 $0xFFFFFF80  }
0x152: {  	_ =	swait.ge [sflag:s17], $0x80  }
0x153: {  	[sflag:s17] =	ssyncset.done $0x0  }
0x154: {  	[sflag:s17] =	ssyncadd.s32 $0xFFFFFF80  }
0x155: {  	_ =	swait.ge [sflag:s17], $0x80  }
0x156: {  	[sflag:s17] =	ssyncset.done $0x0  }
0x157: {  	[sflag:s17] =	ssyncadd.s32 $0xFFFFFF80  }
0x158: {  	_ =	swait.ge [sflag:s17], $0x80  }
0x159: {  	[sflag:s17] =	ssyncset.done $0x0  }
0x15a: {  	[sflag:s17] =	ssyncadd.s32 $0xFFFFFF80  }
0x15b: {  	_ =	swait.ge [sflag:s17], $0x80  }
0x15c: {  	[sflag:s17] =	ssyncset.done $0x0  }
0x15d: {  	[sflag:s17] =	ssyncadd.s32 $0xFFFFFF80  }
0x15e: {  	_ =	swait.ge [sflag:s17], $0x80  }
0x15f: {  	[sflag:s17] =	ssyncset.done $0x0  }
0x160: {  	[sflag:s17] =	ssyncadd.s32 $0xFFFFFF80  }
0x161: {  	_ =	swait.ge [sflag:s17], $0x80  }
0x162: {  	[sflag:s17] =	ssyncset.done $0x0  }
0x163: {  	[sflag:s17] =	ssyncadd.s32 $0xFFFFFF80  }
0x164: {  	_ =	swait.ge [sflag:s17], $0x80  }
0x165: {  	[sflag:s17] =	ssyncset.done $0x0  }
0x166: {  	[sflag:s17] =	ssyncadd.s32 $0xFFFFFF80  }
0x167: {  	_ =	swait.ge [sflag:s17], $0x80  }
0x168: {  	[sflag:s17] =	ssyncset.done $0x0  }
0x169: {  	[sflag:s17] =	ssyncadd.s32 $0xFFFFFF80  }
0x16a: {  	_ =	swait.ge [sflag:s17], $0x80  }
0x16b: {  	[sflag:s17] =	ssyncset.done $0x0  }
0x16c: {  	[sflag:s17] =	ssyncadd.s32 $0xFFFFFF80  }
0x16d: {  	_ =	swait.ge [sflag:s17], $0x80  }
0x16e: {  	[sflag:s17] =	ssyncset.done $0x0  }
0x16f: {  	[sflag:s17] =	ssyncadd.s32 $0xFFFFFF80  }
0x170: {  	_ =	swait.ge [sflag:s17], $0x80  }
0x171: {  	[sflag:s17] =	ssyncset.done $0x0  }
0x172: {  	[sflag:s17] =	ssyncadd.s32 $0xFFFFFF80  }
0x173: {  	_ =	swait.ge [sflag:s17], $0x80  }
0x174: {  	[sflag:s17] =	ssyncset.done $0x0  }
0x175: {  	[sflag:s17] =	ssyncadd.s32 $0xFFFFFF80  }
0x176: {  	_ =	swait.ge [sflag:s17], $0x80  }
0x177: {  	[sflag:s17] =	ssyncset.done $0x0  }
0x178: {  	[sflag:s17] =	ssyncadd.s32 $0xFFFFFF80  }
0x179: {  	_ =	swait.ge [sflag:s17], $0x80  }
0x17a: {  	[sflag:s17] =	ssyncset.done $0x0  }
0x17b: {  	[sflag:s17] =	ssyncadd.s32 $0xFFFFFF80  }
0x17c: {  	_ =	swait.ge [sflag:s17], $0x80  }
0x17d: {  	[sflag:s17] =	ssyncset.done $0x0  }
0x17e: {  	[sflag:s17] =	ssyncadd.s32 $0xFFFFFF80  }
0x17f: {  	_ =	swait.ge [sflag:s17], $0x80  }
0x180: {  	[sflag:s17] =	ssyncset.done $0x0  }
0x181: {  	[sflag:s17] =	ssyncadd.s32 $0xFFFFFF80  }
0x182: {  	_ =	swait.ge [sflag:s17], $0x80  }
0x183: {  	[sflag:s17] =	ssyncset.done $0x0  }
0x184: {  	[sflag:s17] =	ssyncadd.s32 $0xFFFFFF80  }
0x185: {  	_ =	swait.ge [sflag:s17], $0x80  }
0x186: {  	[sflag:s17] =	ssyncset.done $0x0  }
0x187: {  	[sflag:s17] =	ssyncadd.s32 $0xFFFFFF80  }
0x188: {  	_ =	swait.ge [sflag:s17], $0x80  }
0x189: {  	[sflag:s17] =	ssyncset.done $0x0  }
0x18a: {  	[sflag:s17] =	ssyncadd.s32 $0xFFFFFF80  }
0x18b: {  	_ =	swait.ge [sflag:s17], $0x80  }
0x18c: {  	[sflag:s17] =	ssyncset.done $0x0  }
0x18d: {  	[sflag:s17] =	ssyncadd.s32 $0xFFFFFF80  }
0x18e: {  	_ =	swait.ge [sflag:s17], $0x80  }
0x18f: {  	[sflag:s17] =	ssyncset.done $0x0  }
0x190: {  	[sflag:s17] =	ssyncadd.s32 $0xFFFFFF80  }
0x191: {  	_ =	swait.ge [sflag:s17], $0x80  }
0x192: {  	[sflag:s17] =	ssyncset.done $0x0  }
0x193: {  	[sflag:s17] =	ssyncadd.s32 $0xFFFFFF80  }
0x194: {  	_ =	swait.ge [sflag:s17], $0x80  }
0x195: {  	[sflag:s17] =	ssyncset.done $0x0  }
0x196: {  	[sflag:s17] =	ssyncadd.s32 $0xFFFFFF80  }
0x197: {  	_ =	swait.ge [sflag:s17], $0x80  }
0x198: {  	[sflag:s17] =	ssyncset.done $0x0  }
0x199: {  	s24 =	simm.s32 $0x2080;
	[sflag:s17] =	ssyncadd.s32 $0xFFFFFF80  }
0x19a: {  	s31 =	simm.s32 $0x4080;
	v5 =	vld [tilespmem:s24+$0xFFFFFF80]  }
0x19b: {  	v6 =	vld [tilespmem:s31+$0xFFFFFF80]  }
0x19c: {  	v7 =	vld [tilespmem:s24+$0xFFFFFF90]  }
0x19d: {  	v8 =	vld [tilespmem:s31+$0xFFFFFF90]  }
0x19e: {  	v9 =	vld [tilespmem:s24+$0xFFFFFFA0]  }
0x19f: {  	v10 =	vld [tilespmem:s31+$0xFFFFFFA0]  }
0x1a0: {  	v11 =	vld [tilespmem:s24+$0xFFFFFFB0];
	v5 =	vmul.f32 v6, v5  }
0x1a1: {  	v6 =	vld [tilespmem:s31+$0xFFFFFFB0]  }
0x1a2: {  	v12 =	vld [tilespmem:s24+$0xFFFFFFC0];
	v7 =	vmul.f32 v8, v7;
	v5 =	vadd.f32 $0.0e+00, v5  }
0x1a3: {  	v8 =	vld [tilespmem:s31+$0xFFFFFFC0]  }
0x1a4: {  	v13 =	vld [tilespmem:s24+$0xFFFFFFD0];
	v5 =	vadd.f32 v7, v5;
	v7 =	vmul.f32 v10, v9  }
0x1a5: {  	v9 =	vld [tilespmem:s31+$0xFFFFFFD0]  }
0x1a6: {  	v10 =	vld [tilespmem:s24+$0xFFFFFFE0];
	v6 =	vmul.f32 v6, v11;
	v5 =	vadd.f32 v7, v5  }
0x1a7: {  	v7 =	vld [tilespmem:s31+$0xFFFFFFE0]  }
0x1a8: {  	v11 =	vld [tilespmem:s24+$0xFFFFFFF0];
	v5 =	vadd.f32 v6, v5;
	v6 =	vmul.f32 v8, v12  }
0x1a9: {  	v8 =	vld [tilespmem:s31+$0xFFFFFFF0]  }
0x1aa: {  	v12 =	vld [tilespmem:s24+$0x0];
	v5 =	vadd.f32 v6, v5;
	v6 =	vmul.f32 v9, v13  }
0x1ab: {  	v9 =	vld [tilespmem:s31+$0x0]  }
0x1ac: {  	v13 =	vld [tilespmem:s24+$0x10];
	v5 =	vadd.f32 v6, v5;
	v6 =	vmul.f32 v7, v10  }
0x1ad: {  	v7 =	vld [tilespmem:s31+$0x10]  }
0x1ae: {  	v10 =	vld [tilespmem:s24+$0x20];
	v5 =	vadd.f32 v6, v5;
	v6 =	vmul.f32 v8, v11  }
0x1af: {  	v8 =	vld [tilespmem:s31+$0x20]  }
0x1b0: {  	v11 =	vld [tilespmem:s24+$0x30];
	v5 =	vadd.f32 v6, v5;
	v6 =	vmul.f32 v9, v12  }
0x1b1: {  	v9 =	vld [tilespmem:s31+$0x30]  }
0x1b2: {  	v12 =	vld [tilespmem:s24+$0x40];
	v5 =	vadd.f32 v6, v5;
	v6 =	vmul.f32 v7, v13  }
0x1b3: {  	v13 =	vld [tilespmem:s31+$0x40]  }
0x1b4: {  	v14 =	vld [tilespmem:s24+$0x50];
	v7 =	vmul.f32 v8, v10;
	v5 =	vadd.f32 v6, v5  }
0x1b5: {  	v15 =	vld [tilespmem:s31+$0x50]  }
0x1b6: {  	v8 =	vld [tilespmem:s31+$0x60];
	v9 =	vmul.f32 v9, v11;
	v5 =	vadd.f32 v7, v5  }
0x1b7: {  	v6 =	vld [tilespmem:s24+$0x60]  }
0x1b8: {  	v7 =	vld [tilespmem:s24+$0x70];
	v11 =	vmul.f32 v13, v12;
	v10 =	vadd.f32 v9, v5  }
0x1b9: {  	s26 =	simm.s32 $0x2180;
	v9 =	vld [tilespmem:s31+$0x70]  }
0x1ba: {  	s28 =	simm.s32 $0x4180;
	v12 =	vld [tilespmem:s26+$0xFFFFFF80];
	v10 =	vadd.f32 v11, v10;
	v11 =	vmul.f32 v15, v14  }
0x1bb: {  	s25 =	simm.s32 $0x0;
	s29 =	simm.s32 $0x2;
	s24 =	simm.s32 $0x1;
	v13 =	vld [tilespmem:s28+$0xFFFFFF80];
	v5 =	vimm.f32 $0.0e+00  }
.LBB2_15:
0x1bc: {  	p0 =	sne.s32 s29, $0xF;
	v14 =	vld [tilespmem:s26+$0xFFFFFF90];
	v10 =	vadd.f32 v11, v10;
	v6 =	vmul.f32 v8, v6  }
0x1bd: {  	v8 =	vld [tilespmem:s28+$0xFFFFFF90]  }
0x1be: {  	v11 =	vld [tilespmem:s26+$0xFFFFFFA0];
	v6 =	vadd.f32 v6, v10;
	v7 =	vmul.f32 v9, v7  }
0x1bf: {  	v9 =	vld [tilespmem:s28+$0xFFFFFFA0]  }
0x1c0: {  	v10 =	vmul.f32 v13, v12;
	v12 =	vld [tilespmem:s26+$0xFFFFFFB0];
	v6 =	vadd.f32 v7, v6  }
0x1c1: {  	v7 =	vld [tilespmem:s28+$0xFFFFFFB0]  }
0x1c2: {  	v10 =	vadd.f32 $0.0e+00, v10;
	v8 =	vmul.f32 v8, v14;
	v13 =	vld [tilespmem:s26+$0xFFFFFFC0];
	v14 =	vperm.xlane v6, v0  }
0x1c3: {  	v15 =	vld [tilespmem:s28+$0xFFFFFFC0]  }
0x1c4: {  	v8 =	vadd.f32 v8, v10;
	v9 =	vmul.f32 v9, v11;
	v10 =	vld [tilespmem:s26+$0xFFFFFFD0];
	v6 =	vadd.f32 v6, v14  }
0x1c5: {  	v11 =	vld [tilespmem:s28+$0xFFFFFFD0]  }
0x1c6: {  	v8 =	vadd.f32 v9, v8;
	v7 =	vmul.f32 v7, v12;
	v9 =	vld [tilespmem:s26+$0xFFFFFFE0];
	v12 =	vperm.xlane v6, v1  }
0x1c7: {  	v14 =	vld [tilespmem:s28+$0xFFFFFFE0]  }
0x1c8: {  	v7 =	vadd.f32 v7, v8;
	v8 =	vmul.f32 v15, v13;
	v13 =	vld [tilespmem:s26+$0xFFFFFFF0];
	v6 =	vadd.f32 v6, v12  }
0x1c9: {  	v12 =	vld [tilespmem:s28+$0xFFFFFFF0]  }
0x1ca: {  	v7 =	vadd.f32 v8, v7;
	v8 =	vmul.f32 v11, v10;
	v10 =	vld [tilespmem:s26+$0x0];
	v11 =	vperm.xlane v6, v2  }
0x1cb: {  	v15 =	vld [tilespmem:s28+$0x0]  }
0x1cc: {  	v7 =	vadd.f32 v8, v7;
	v8 =	vmul.f32 v14, v9;
	v9 =	vld [tilespmem:s26+$0x10];
	v6 =	vadd.f32 v6, v11  }
0x1cd: {  	v11 =	vld [tilespmem:s28+$0x10]  }
0x1ce: {  	v7 =	vadd.f32 v8, v7;
	v8 =	vmul.f32 v12, v13;
	v12 =	vld [tilespmem:s26+$0x20];
	v13 =	vperm.xlane v6, v3  }
0x1cf: {  	v16 =	vmov s25;
	s25 =	smov.u32 s24;
	s24 =	smov.u32 s29;
	v14 =	vld [tilespmem:s28+$0x20]  }
0x1d0: {  	v7 =	vadd.f32 v8, v7;
	v8 =	vmul.f32 v15, v10;
	v10 =	vld [tilespmem:s26+$0x30];
	v6 =	vadd.f32 v6, v13  }
0x1d1: {  	vm0 =	veq.s32 v16, v4;
	v13 =	vld [tilespmem:s28+$0x30]  }
0x1d2: {  	v7 =	vadd.f32 v8, v7;
	v8 =	vmul.f32 v11, v9;
	v9 =	vld [tilespmem:s26+$0x40];
	v5 =	vsel vm0, v6, v5  }
0x1d3: {  	v11 =	vld [tilespmem:s28+$0x40]  }
0x1d4: {  	v6 =	vadd.f32 v8, v7;
	v7 =	vmul.f32 v14, v12;
	v14 =	vld [tilespmem:s26+$0x50]  }
0x1d5: {  	v15 =	vld [tilespmem:s28+$0x50]  }
0x1d6: {  	v7 =	vadd.f32 v7, v6;
	v10 =	vmul.f32 v13, v10;
	v6 =	vld [tilespmem:s26+$0x60]  }
.Ltmp6:
0x1d7: {  	v8 =	vld [tilespmem:s28+$0x60];
	(pc) =	sbr.rel @p0 .LBB2_15-.Ltmp6, $4  }
0x1d8: {  	v10 =	vadd.f32 v10, v7;
	v11 =	vmul.f32 v11, v9;
	v7 =	vld [tilespmem:s26+$0x70]  }
0x1d9: {  	s26 =	sadd.s32 $0x100, s26;
	v9 =	vld [tilespmem:s28+$0x70]  }
0x1da: {  	s28 =	sadd.s32 $0x100, s28;
	v12 =	vld [tilespmem:s26+$0xFFFFFF80];
	v10 =	vadd.f32 v11, v10;
	v11 =	vmul.f32 v15, v14  }
0x1db: {  	s29 =	sadd.s32 $0x1, s29;
	v13 =	vld [tilespmem:s28+$0xFFFFFF80]  }
0x1dc: {  	v14 =	vld [tilespmem:s26+$0xFFFFFF90]  }
0x1dd: {  	v15 =	vld [tilespmem:s28+$0xFFFFFF90]  }
0x1de: {  	v16 =	vld [tilespmem:s26+$0xFFFFFFA0]  }
0x1df: {  	v17 =	vld [tilespmem:s28+$0xFFFFFFA0]  }
0x1e0: {  	v23 =	vld [tilespmem:s26+$0xFFFFFFB0];
	v12 =	vmul.f32 v13, v12  }
0x1e1: {  	v18 =	vld [tilespmem:s28+$0xFFFFFFB0]  }
0x1e2: {  	v24 =	vld [tilespmem:s26+$0xFFFFFFC0];
	v14 =	vmul.f32 v15, v14;
	v12 =	vadd.f32 $0.0e+00, v12  }
0x1e3: {  	v19 =	vld [tilespmem:s28+$0xFFFFFFC0]  }
0x1e4: {  	v26 =	vld [tilespmem:s26+$0xFFFFFFD0];
	v25 =	vmul.f32 v17, v16;
	v12 =	vadd.f32 v14, v12  }
0x1e5: {  	v27 =	vld [tilespmem:s28+$0xFFFFFFD0]  }
0x1e6: {  	v28 =	vld [tilespmem:s26+$0xFFFFFFE0];
	v13 =	vmul.f32 v18, v23;
	v12 =	vadd.f32 v25, v12  }
0x1e7: {  	v29 =	vld [tilespmem:s28+$0xFFFFFFE0]  }
0x1e8: {  	v31 =	vld [tilespmem:s26+$0xFFFFFFF0];
	v30 =	vmul.f32 v19, v24;
	v12 =	vadd.f32 v13, v12  }
0x1e9: {  	v32 =	vld [tilespmem:s28+$0xFFFFFFF0]  }
0x1ea: {  	v34 =	vld [tilespmem:s26+$0x0];
	v33 =	vmul.f32 v27, v26;
	v12 =	vadd.f32 v30, v12  }
0x1eb: {  	v35 =	vld [tilespmem:s28+$0x0]  }
0x1ec: {  	v37 =	vld [tilespmem:s26+$0x10];
	v36 =	vmul.f32 v29, v28;
	v12 =	vadd.f32 v33, v12  }
0x1ed: {  	v38 =	vld [tilespmem:s28+$0x10]  }
0x1ee: {  	v40 =	vld [tilespmem:s26+$0x20];
	v39 =	vmul.f32 v32, v31;
	v12 =	vadd.f32 v36, v12  }
0x1ef: {  	v41 =	vld [tilespmem:s28+$0x20]  }
0x1f0: {  	v43 =	vld [tilespmem:s26+$0x30];
	v42 =	vmul.f32 v35, v34;
	v12 =	vadd.f32 v39, v12  }
0x1f1: {  	v44 =	vld [tilespmem:s28+$0x30]  }
0x1f2: {  	v46 =	vld [tilespmem:s26+$0x40];
	v45 =	vmul.f32 v38, v37;
	v12 =	vadd.f32 v42, v12  }
0x1f3: {  	v47 =	vld [tilespmem:s28+$0x40]  }
0x1f4: {  	v49 =	vld [tilespmem:s26+$0x50];
	v48 =	vmul.f32 v41, v40;
	v12 =	vadd.f32 v45, v12  }
0x1f5: {  	v50 =	vld [tilespmem:s28+$0x50]  }
0x1f6: {  	v52 =	vld [tilespmem:s26+$0x60];
	v51 =	vmul.f32 v44, v43;
	v12 =	vadd.f32 v48, v12  }
0x1f7: {  	v53 =	vld [tilespmem:s28+$0x60]  }
0x1f8: {  	v55 =	vld [tilespmem:s26+$0x70];
	v54 =	vmul.f32 v47, v46;
	v12 =	vadd.f32 v51, v12  }
0x1f9: {  	v56 =	vld [tilespmem:s28+$0x70]  }
0x1fa: {  	v57 =	vmul.f32 v50, v49;
	v12 =	vadd.f32 v54, v12  }
0x1fb: {  	v10 =	vadd.f32 v11, v10;
	v6 =	vmul.f32 v8, v6  }
0x1fc: {  	v59 =	vmul.f32 v53, v52;
	v58 =	vadd.f32 v57, v12  }
0x1fd: {  	v6 =	vadd.f32 v6, v10;
	v7 =	vmul.f32 v9, v7  }
0x1fe: {  	v60 =	vmul.f32 v56, v55;
	v8 =	vadd.f32 v59, v58  }
0x1ff: {  	v6 =	vadd.f32 v7, v6  }
0x200: {  	v7 =	vadd.f32 v60, v8  }
0x201: {  	v61 =	vperm.xlane v6, v0  }
0x202: {  	v9 =	vperm.xlane v7, v0  }
0x203: {  	v6 =	vadd.f32 v6, v61  }
0x204: {  	v7 =	vadd.f32 v7, v9  }
0x205: {  	v8 =	vperm.xlane v6, v1  }
0x206: {  	v9 =	vperm.xlane v7, v1  }
0x207: {  	v6 =	vadd.f32 v6, v8  }
0x208: {  	v7 =	vadd.f32 v7, v9  }
0x209: {  	v8 =	vperm.xlane v6, v2  }
0x20a: {  	v9 =	vperm.xlane v7, v2  }
0x20b: {  	v6 =	vadd.f32 v6, v8  }
0x20c: {  	v7 =	vadd.f32 v7, v9  }
0x20d: {  	v8 =	vperm.xlane v6, v3  }
0x20e: {  	p0 =	seq.s32 s22, $0x3F;
	v9 =	vperm.xlane v7, v3  }
.Ltmp7:
0x20f: {  	v62 =	vmov s25;
	v6 =	vadd.f32 v6, v8;
	(pc) =	sbr.rel @p0 .LBB2_18-.Ltmp7, $4  }
0x210: {  	v63 =	vmov s24;
	vm0 =	veq.s32 v62, v4;
	v7 =	vadd.f32 v7, v9  }
0x211: {  	s31 =	sshll.u32 s22, $0x5;
	vm15 =	veq.s32 v63, v4;
	v5 =	vsel vm0, v6, v5  }
0x212: {  	s24 =	sand.u32 $0x3FFFFFE0, s31;
	v5 =	vsel vm15, v7, v5  }
0x213: {  	[tilespmem:s24+$0x6000] =	vst v5  }
.Ltmp8:
0x214: {  	s23 =	sadd.s32 s23, s9;
	(pc) =	sbr.rel .LBB2_2-.Ltmp8, $4  }
0x215: {  	s24 =	sadd.s32 s4, s23  }
0x216: {  	[tilespmem:s1], [sflag:$0x1] =	stream.linear.gather [hbm4b:s24+s1], $0x1000, $0x38;
	[tilespmem:$0x6800] =	vst v63  }
0x217: {  	s22 =	sadd.s32 $0x1, s22;
	s23 =	sadd.s32 s5, s23  }
0x218: {  	[tilespmem:s12], [sflag:$0x1] =	stream.linear.gather [hbm4b:s23+s1], $0x1000, $0x38;
	[tilespmem:$0x6800] =	vst v63  }
.LBB2_18:
0x219: {  	_ =	swait.ge [sflag:s18], $0x80  }
0x21a: {  	[sflag:s18] =	ssyncset.done $0x0  }
0x21b: {  	[sflag:s18] =	ssyncadd.s32 $0xFFFFFF80  }
0x21c: {  	_ =	swait.ge [sflag:s18], $0x80  }
0x21d: {  	[sflag:s18] =	ssyncset.done $0x0  }
0x21e: {  	[sflag:s18] =	ssyncadd.s32 $0xFFFFFF80  }
0x21f: {  	_ =	swait.ge [sflag:s18], $0x80  }
0x220: {  	[sflag:s18] =	ssyncset.done $0x0  }
0x221: {  	[sflag:s18] =	ssyncadd.s32 $0xFFFFFF80  }
0x222: {  	_ =	swait.ge [sflag:s18], $0x80  }
0x223: {  	[sflag:s18] =	ssyncset.done $0x0  }
0x224: {  	[sflag:s18] =	ssyncadd.s32 $0xFFFFFF80  }
0x225: {  	_ =	swait.ge [sflag:s18], $0x80  }
0x226: {  	[sflag:s18] =	ssyncset.done $0x0  }
0x227: {  	[sflag:s18] =	ssyncadd.s32 $0xFFFFFF80  }
0x228: {  	_ =	swait.ge [sflag:s18], $0x80  }
0x229: {  	[sflag:s18] =	ssyncset.done $0x0  }
0x22a: {  	[sflag:s18] =	ssyncadd.s32 $0xFFFFFF80  }
0x22b: {  	_ =	swait.ge [sflag:s18], $0x80  }
0x22c: {  	[sflag:s18] =	ssyncset.done $0x0  }
0x22d: {  	[sflag:s18] =	ssyncadd.s32 $0xFFFFFF80  }
0x22e: {  	_ =	swait.ge [sflag:s18], $0x80  }
0x22f: {  	[sflag:s18] =	ssyncset.done $0x0  }
0x230: {  	[sflag:s18] =	ssyncadd.s32 $0xFFFFFF80  }
0x231: {  	_ =	swait.ge [sflag:s18], $0x80  }
0x232: {  	[sflag:s18] =	ssyncset.done $0x0  }
0x233: {  	[sflag:s18] =	ssyncadd.s32 $0xFFFFFF80  }
0x234: {  	_ =	swait.ge [sflag:s18], $0x80  }
0x235: {  	[sflag:s18] =	ssyncset.done $0x0  }
0x236: {  	[sflag:s18] =	ssyncadd.s32 $0xFFFFFF80  }
0x237: {  	_ =	swait.ge [sflag:s18], $0x80  }
0x238: {  	[sflag:s18] =	ssyncset.done $0x0  }
0x239: {  	[sflag:s18] =	ssyncadd.s32 $0xFFFFFF80  }
0x23a: {  	_ =	swait.ge [sflag:s18], $0x80  }
0x23b: {  	[sflag:s18] =	ssyncset.done $0x0  }
0x23c: {  	[sflag:s18] =	ssyncadd.s32 $0xFFFFFF80  }
0x23d: {  	_ =	swait.ge [sflag:s18], $0x80  }
0x23e: {  	[sflag:s18] =	ssyncset.done $0x0  }
0x23f: {  	[sflag:s18] =	ssyncadd.s32 $0xFFFFFF80  }
0x240: {  	_ =	swait.ge [sflag:s18], $0x80  }
0x241: {  	[sflag:s18] =	ssyncset.done $0x0  }
0x242: {  	[sflag:s18] =	ssyncadd.s32 $0xFFFFFF80  }
0x243: {  	_ =	swait.ge [sflag:s18], $0x80  }
0x244: {  	[sflag:s18] =	ssyncset.done $0x0  }
0x245: {  	[sflag:s18] =	ssyncadd.s32 $0xFFFFFF80  }
0x246: {  	_ =	swait.ge [sflag:s18], $0x80  }
0x247: {  	[sflag:s18] =	ssyncset.done $0x0  }
0x248: {  	[sflag:s18] =	ssyncadd.s32 $0xFFFFFF80  }
0x249: {  	_ =	swait.ge [sflag:s18], $0x80  }
0x24a: {  	[sflag:s18] =	ssyncset.done $0x0  }
0x24b: {  	[sflag:s18] =	ssyncadd.s32 $0xFFFFFF80  }
0x24c: {  	_ =	swait.ge [sflag:s18], $0x80  }
0x24d: {  	[sflag:s18] =	ssyncset.done $0x0  }
0x24e: {  	[sflag:s18] =	ssyncadd.s32 $0xFFFFFF80  }
0x24f: {  	_ =	swait.ge [sflag:s18], $0x80  }
0x250: {  	[sflag:s18] =	ssyncset.done $0x0  }
0x251: {  	[sflag:s18] =	ssyncadd.s32 $0xFFFFFF80  }
0x252: {  	_ =	swait.ge [sflag:s18], $0x80  }
0x253: {  	[sflag:s18] =	ssyncset.done $0x0  }
0x254: {  	[sflag:s18] =	ssyncadd.s32 $0xFFFFFF80  }
0x255: {  	_ =	swait.ge [sflag:s18], $0x80  }
0x256: {  	[sflag:s18] =	ssyncset.done $0x0  }
0x257: {  	[sflag:s18] =	ssyncadd.s32 $0xFFFFFF80  }
0x258: {  	_ =	swait.ge [sflag:s18], $0x80  }
0x259: {  	[sflag:s18] =	ssyncset.done $0x0  }
0x25a: {  	[sflag:s18] =	ssyncadd.s32 $0xFFFFFF80  }
0x25b: {  	_ =	swait.ge [sflag:s18], $0x80  }
0x25c: {  	[sflag:s18] =	ssyncset.done $0x0  }
0x25d: {  	[sflag:s18] =	ssyncadd.s32 $0xFFFFFF80  }
0x25e: {  	_ =	swait.ge [sflag:s18], $0x80  }
0x25f: {  	[sflag:s18] =	ssyncset.done $0x0  }
0x260: {  	[sflag:s18] =	ssyncadd.s32 $0xFFFFFF80  }
0x261: {  	_ =	swait.ge [sflag:s18], $0x80  }
0x262: {  	[sflag:s18] =	ssyncset.done $0x0  }
0x263: {  	[sflag:s18] =	ssyncadd.s32 $0xFFFFFF80  }
0x264: {  	_ =	swait.ge [sflag:s18], $0x80  }
0x265: {  	[sflag:s18] =	ssyncset.done $0x0  }
0x266: {  	[sflag:s18] =	ssyncadd.s32 $0xFFFFFF80  }
0x267: {  	_ =	swait.ge [sflag:s18], $0x80  }
0x268: {  	[sflag:s18] =	ssyncset.done $0x0  }
0x269: {  	[sflag:s18] =	ssyncadd.s32 $0xFFFFFF80  }
0x26a: {  	_ =	swait.ge [sflag:s18], $0x80  }
0x26b: {  	[sflag:s18] =	ssyncset.done $0x0  }
0x26c: {  	[sflag:s18] =	ssyncadd.s32 $0xFFFFFF80  }
0x26d: {  	_ =	swait.ge [sflag:s18], $0x80  }
0x26e: {  	[sflag:s18] =	ssyncset.done $0x0  }
0x26f: {  	[sflag:s18] =	ssyncadd.s32 $0xFFFFFF80  }
0x270: {  	_ =	swait.ge [sflag:s18], $0x80  }
0x271: {  	[sflag:s18] =	ssyncset.done $0x0  }
0x272: {  	[sflag:s18] =	ssyncadd.s32 $0xFFFFFF80  }
0x273: {  	_ =	swait.ge [sflag:s18], $0x80  }
0x274: {  	[sflag:s18] =	ssyncset.done $0x0  }
0x275: {  	[sflag:s18] =	ssyncadd.s32 $0xFFFFFF80  }
0x276: {  	_ =	swait.ge [sflag:s18], $0x80  }
0x277: {  	[sflag:s18] =	ssyncset.done $0x0  }
0x278: {  	s22 =	simm.s32 $0x3080;
	[sflag:s18] =	ssyncadd.s32 $0xFFFFFF80  }
0x279: {  	s23 =	simm.s32 $0x5080;
	v5 =	vld [tilespmem:s22+$0xFFFFFF80]  }
0x27a: {  	v6 =	vld [tilespmem:s23+$0xFFFFFF80]  }
0x27b: {  	v7 =	vld [tilespmem:s22+$0xFFFFFF90]  }
0x27c: {  	v8 =	vld [tilespmem:s23+$0xFFFFFF90]  }
0x27d: {  	v9 =	vld [tilespmem:s22+$0xFFFFFFA0]  }
0x27e: {  	v10 =	vld [tilespmem:s23+$0xFFFFFFA0]  }
0x27f: {  	v11 =	vld [tilespmem:s22+$0xFFFFFFB0];
	v5 =	vmul.f32 v6, v5  }
0x280: {  	v6 =	vld [tilespmem:s23+$0xFFFFFFB0]  }
0x281: {  	v12 =	vld [tilespmem:s22+$0xFFFFFFC0];
	v7 =	vmul.f32 v8, v7;
	v5 =	vadd.f32 $0.0e+00, v5  }
0x282: {  	v8 =	vld [tilespmem:s23+$0xFFFFFFC0]  }
0x283: {  	v13 =	vld [tilespmem:s22+$0xFFFFFFD0];
	v5 =	vadd.f32 v7, v5;
	v7 =	vmul.f32 v10, v9  }
0x284: {  	v9 =	vld [tilespmem:s23+$0xFFFFFFD0]  }
0x285: {  	v10 =	vld [tilespmem:s22+$0xFFFFFFE0];
	v6 =	vmul.f32 v6, v11;
	v5 =	vadd.f32 v7, v5  }
0x286: {  	v7 =	vld [tilespmem:s23+$0xFFFFFFE0]  }
0x287: {  	v11 =	vld [tilespmem:s22+$0xFFFFFFF0];
	v5 =	vadd.f32 v6, v5;
	v6 =	vmul.f32 v8, v12  }
0x288: {  	v8 =	vld [tilespmem:s23+$0xFFFFFFF0]  }
0x289: {  	v12 =	vld [tilespmem:s22+$0x0];
	v5 =	vadd.f32 v6, v5;
	v6 =	vmul.f32 v9, v13  }
0x28a: {  	v9 =	vld [tilespmem:s23+$0x0]  }
0x28b: {  	v13 =	vld [tilespmem:s22+$0x10];
	v5 =	vadd.f32 v6, v5;
	v6 =	vmul.f32 v7, v10  }
0x28c: {  	v7 =	vld [tilespmem:s23+$0x10]  }
0x28d: {  	v10 =	vld [tilespmem:s22+$0x20];
	v5 =	vadd.f32 v6, v5;
	v6 =	vmul.f32 v8, v11  }
0x28e: {  	v8 =	vld [tilespmem:s23+$0x20]  }
0x28f: {  	v11 =	vld [tilespmem:s22+$0x30];
	v5 =	vadd.f32 v6, v5;
	v6 =	vmul.f32 v9, v12  }
0x290: {  	v9 =	vld [tilespmem:s23+$0x30]  }
0x291: {  	v12 =	vld [tilespmem:s22+$0x40];
	v5 =	vadd.f32 v6, v5;
	v6 =	vmul.f32 v7, v13  }
0x292: {  	v13 =	vld [tilespmem:s23+$0x40]  }
0x293: {  	v14 =	vld [tilespmem:s22+$0x50];
	v7 =	vmul.f32 v8, v10;
	v5 =	vadd.f32 v6, v5  }
0x294: {  	v15 =	vld [tilespmem:s23+$0x50]  }
0x295: {  	v8 =	vld [tilespmem:s23+$0x60];
	v9 =	vmul.f32 v9, v11;
	v5 =	vadd.f32 v7, v5  }
0x296: {  	v6 =	vld [tilespmem:s22+$0x60]  }
0x297: {  	v7 =	vld [tilespmem:s22+$0x70];
	v11 =	vmul.f32 v13, v12;
	v10 =	vadd.f32 v9, v5  }
0x298: {  	s24 =	simm.s32 $0x3180;
	v9 =	vld [tilespmem:s23+$0x70]  }
0x299: {  	s25 =	simm.s32 $0x5180;
	v12 =	vld [tilespmem:s24+$0xFFFFFF80];
	v10 =	vadd.f32 v11, v10;
	v11 =	vmul.f32 v15, v14  }
0x29a: {  	s26 =	simm.s32 $0x2;
	s22 =	simm.s32 $0x1;
	v13 =	vld [tilespmem:s25+$0xFFFFFF80];
	s23 =	simm.s32 $0x0;
	v5 =	vimm.f32 $0.0e+00  }
.LBB2_19:
0x29b: {  	p0 =	sne.s32 s26, $0xF;
	v14 =	vld [tilespmem:s24+$0xFFFFFF90];
	v10 =	vadd.f32 v11, v10;
	v6 =	vmul.f32 v8, v6  }
0x29c: {  	v8 =	vld [tilespmem:s25+$0xFFFFFF90]  }
0x29d: {  	v11 =	vld [tilespmem:s24+$0xFFFFFFA0];
	v6 =	vadd.f32 v6, v10;
	v7 =	vmul.f32 v9, v7  }
0x29e: {  	v9 =	vld [tilespmem:s25+$0xFFFFFFA0]  }
0x29f: {  	v10 =	vmul.f32 v13, v12;
	v12 =	vld [tilespmem:s24+$0xFFFFFFB0];
	v6 =	vadd.f32 v7, v6  }
0x2a0: {  	v7 =	vld [tilespmem:s25+$0xFFFFFFB0]  }
0x2a1: {  	v10 =	vadd.f32 $0.0e+00, v10;
	v8 =	vmul.f32 v8, v14;
	v13 =	vld [tilespmem:s24+$0xFFFFFFC0];
	v14 =	vperm.xlane v6, v0  }
0x2a2: {  	v15 =	vld [tilespmem:s25+$0xFFFFFFC0]  }
0x2a3: {  	v8 =	vadd.f32 v8, v10;
	v9 =	vmul.f32 v9, v11;
	v10 =	vld [tilespmem:s24+$0xFFFFFFD0];
	v6 =	vadd.f32 v6, v14  }
0x2a4: {  	v11 =	vld [tilespmem:s25+$0xFFFFFFD0]  }
0x2a5: {  	v8 =	vadd.f32 v9, v8;
	v7 =	vmul.f32 v7, v12;
	v9 =	vld [tilespmem:s24+$0xFFFFFFE0];
	v12 =	vperm.xlane v6, v1  }
0x2a6: {  	v14 =	vld [tilespmem:s25+$0xFFFFFFE0]  }
0x2a7: {  	v7 =	vadd.f32 v7, v8;
	v8 =	vmul.f32 v15, v13;
	v13 =	vld [tilespmem:s24+$0xFFFFFFF0];
	v6 =	vadd.f32 v6, v12  }
0x2a8: {  	v12 =	vld [tilespmem:s25+$0xFFFFFFF0]  }
0x2a9: {  	v7 =	vadd.f32 v8, v7;
	v8 =	vmul.f32 v11, v10;
	v10 =	vld [tilespmem:s24+$0x0];
	v11 =	vperm.xlane v6, v2  }
0x2aa: {  	v15 =	vld [tilespmem:s25+$0x0]  }
0x2ab: {  	v7 =	vadd.f32 v8, v7;
	v8 =	vmul.f32 v14, v9;
	v9 =	vld [tilespmem:s24+$0x10];
	v6 =	vadd.f32 v6, v11  }
0x2ac: {  	v11 =	vld [tilespmem:s25+$0x10]  }
0x2ad: {  	v7 =	vadd.f32 v8, v7;
	v8 =	vmul.f32 v12, v13;
	v12 =	vld [tilespmem:s24+$0x20];
	v13 =	vperm.xlane v6, v3  }
0x2ae: {  	v16 =	vmov s23;
	s23 =	smov.u32 s22;
	s22 =	smov.u32 s26;
	v14 =	vld [tilespmem:s25+$0x20]  }
0x2af: {  	v7 =	vadd.f32 v8, v7;
	v8 =	vmul.f32 v15, v10;
	v10 =	vld [tilespmem:s24+$0x30];
	v6 =	vadd.f32 v6, v13  }
0x2b0: {  	vm0 =	veq.s32 v16, v4;
	v13 =	vld [tilespmem:s25+$0x30]  }
0x2b1: {  	v7 =	vadd.f32 v8, v7;
	v8 =	vmul.f32 v11, v9;
	v9 =	vld [tilespmem:s24+$0x40];
	v5 =	vsel vm0, v6, v5  }
0x2b2: {  	v11 =	vld [tilespmem:s25+$0x40]  }
0x2b3: {  	v6 =	vadd.f32 v8, v7;
	v7 =	vmul.f32 v14, v12;
	v14 =	vld [tilespmem:s24+$0x50]  }
0x2b4: {  	v15 =	vld [tilespmem:s25+$0x50]  }
0x2b5: {  	v7 =	vadd.f32 v7, v6;
	v10 =	vmul.f32 v13, v10;
	v6 =	vld [tilespmem:s24+$0x60]  }
.Ltmp9:
0x2b6: {  	v8 =	vld [tilespmem:s25+$0x60];
	(pc) =	sbr.rel @p0 .LBB2_19-.Ltmp9, $4  }
0x2b7: {  	v10 =	vadd.f32 v10, v7;
	v11 =	vmul.f32 v11, v9;
	v7 =	vld [tilespmem:s24+$0x70]  }
0x2b8: {  	s24 =	sadd.s32 $0x100, s24;
	v9 =	vld [tilespmem:s25+$0x70]  }
0x2b9: {  	s25 =	sadd.s32 $0x100, s25;
	v12 =	vld [tilespmem:s24+$0xFFFFFF80];
	v10 =	vadd.f32 v11, v10;
	v11 =	vmul.f32 v15, v14  }
0x2ba: {  	s26 =	sadd.s32 $0x1, s26;
	v13 =	vld [tilespmem:s25+$0xFFFFFF80]  }
0x2bb: {  	v14 =	vld [tilespmem:s24+$0xFFFFFF90]  }
0x2bc: {  	v15 =	vld [tilespmem:s25+$0xFFFFFF90]  }
0x2bd: {  	v16 =	vld [tilespmem:s24+$0xFFFFFFA0]  }
0x2be: {  	v17 =	vld [tilespmem:s25+$0xFFFFFFA0]  }
0x2bf: {  	v23 =	vld [tilespmem:s24+$0xFFFFFFB0];
	v12 =	vmul.f32 v13, v12  }
0x2c0: {  	v18 =	vld [tilespmem:s25+$0xFFFFFFB0]  }
0x2c1: {  	v24 =	vld [tilespmem:s24+$0xFFFFFFC0];
	v14 =	vmul.f32 v15, v14;
	v12 =	vadd.f32 $0.0e+00, v12  }
0x2c2: {  	v19 =	vld [tilespmem:s25+$0xFFFFFFC0]  }
0x2c3: {  	v26 =	vld [tilespmem:s24+$0xFFFFFFD0];
	v25 =	vmul.f32 v17, v16;
	v12 =	vadd.f32 v14, v12  }
0x2c4: {  	v27 =	vld [tilespmem:s25+$0xFFFFFFD0]  }
0x2c5: {  	v28 =	vld [tilespmem:s24+$0xFFFFFFE0];
	v13 =	vmul.f32 v18, v23;
	v12 =	vadd.f32 v25, v12  }
0x2c6: {  	v29 =	vld [tilespmem:s25+$0xFFFFFFE0]  }
0x2c7: {  	v31 =	vld [tilespmem:s24+$0xFFFFFFF0];
	v30 =	vmul.f32 v19, v24;
	v12 =	vadd.f32 v13, v12  }
0x2c8: {  	v32 =	vld [tilespmem:s25+$0xFFFFFFF0]  }
0x2c9: {  	v34 =	vld [tilespmem:s24+$0x0];
	v33 =	vmul.f32 v27, v26;
	v12 =	vadd.f32 v30, v12  }
0x2ca: {  	v35 =	vld [tilespmem:s25+$0x0]  }
0x2cb: {  	v37 =	vld [tilespmem:s24+$0x10];
	v36 =	vmul.f32 v29, v28;
	v12 =	vadd.f32 v33, v12  }
0x2cc: {  	v38 =	vld [tilespmem:s25+$0x10]  }
0x2cd: {  	v40 =	vld [tilespmem:s24+$0x20];
	v39 =	vmul.f32 v32, v31;
	v12 =	vadd.f32 v36, v12  }
0x2ce: {  	v41 =	vld [tilespmem:s25+$0x20]  }
0x2cf: {  	v43 =	vld [tilespmem:s24+$0x30];
	v42 =	vmul.f32 v35, v34;
	v12 =	vadd.f32 v39, v12  }
0x2d0: {  	v44 =	vld [tilespmem:s25+$0x30]  }
0x2d1: {  	v46 =	vld [tilespmem:s24+$0x40];
	v45 =	vmul.f32 v38, v37;
	v12 =	vadd.f32 v42, v12  }
0x2d2: {  	v47 =	vld [tilespmem:s25+$0x40]  }
0x2d3: {  	v49 =	vld [tilespmem:s24+$0x50];
	v48 =	vmul.f32 v41, v40;
	v12 =	vadd.f32 v45, v12  }
0x2d4: {  	v50 =	vld [tilespmem:s25+$0x50]  }
0x2d5: {  	v52 =	vld [tilespmem:s24+$0x60];
	v51 =	vmul.f32 v44, v43;
	v12 =	vadd.f32 v48, v12  }
0x2d6: {  	v53 =	vld [tilespmem:s25+$0x60]  }
0x2d7: {  	v55 =	vld [tilespmem:s24+$0x70];
	v54 =	vmul.f32 v47, v46;
	v12 =	vadd.f32 v51, v12  }
0x2d8: {  	v56 =	vld [tilespmem:s25+$0x70]  }
0x2d9: {  	v57 =	vmul.f32 v50, v49;
	v12 =	vadd.f32 v54, v12  }
0x2da: {  	v10 =	vadd.f32 v11, v10;
	v6 =	vmul.f32 v8, v6  }
0x2db: {  	v59 =	vmul.f32 v53, v52;
	v58 =	vadd.f32 v57, v12  }
0x2dc: {  	v6 =	vadd.f32 v6, v10;
	v7 =	vmul.f32 v9, v7  }
0x2dd: {  	v60 =	vmul.f32 v56, v55;
	v8 =	vadd.f32 v59, v58  }
0x2de: {  	v6 =	vadd.f32 v7, v6  }
0x2df: {  	v7 =	vadd.f32 v60, v8  }
0x2e0: {  	v61 =	vperm.xlane v6, v0  }
0x2e1: {  	v9 =	vperm.xlane v7, v0  }
0x2e2: {  	v6 =	vadd.f32 v6, v61  }
0x2e3: {  	v7 =	vadd.f32 v7, v9  }
0x2e4: {  	v8 =	vperm.xlane v6, v1  }
0x2e5: {  	v9 =	vperm.xlane v7, v1  }
0x2e6: {  	v6 =	vadd.f32 v6, v8  }
0x2e7: {  	v7 =	vadd.f32 v7, v9  }
0x2e8: {  	v8 =	vperm.xlane v6, v2  }
0x2e9: {  	v9 =	vperm.xlane v7, v2  }
0x2ea: {  	v6 =	vadd.f32 v6, v8  }
0x2eb: {  	v7 =	vadd.f32 v7, v9  }
0x2ec: {  	v8 =	vperm.xlane v6, v3  }
0x2ed: {  	v9 =	vperm.xlane v7, v3  }
0x2ee: {  	v62 =	vmov s23;
	v6 =	vadd.f32 v6, v8  }
0x2ef: {  	v63 =	vmov s22;
	vm0 =	veq.s32 v62, v4;
	v7 =	vadd.f32 v7, v9  }
0x2f0: {  	s21 =	sadd.s32 $0x1, s21;
	vm15 =	veq.s32 v63, v4;
	v5 =	vsel vm0, v6, v5  }
0x2f1: {  	p0 =	sne.s32 s21, s11;
	v5 =	vsel vm15, v7, v5  }
.Ltmp10:
0x2f2: {  	[tilespmem:$0x67F0] =	vst v5;
	(pc) =	sbr.rel @p0 .LBB2_1-.Ltmp10, $4  }
0x2f3: {  	[hbm4b:s10+s1] =	stream.linear.scatter [tilespmem:s19], [sflag:$0x4], $0x800, $0x38;
	[tilespmem:$0x6800] =	vst v63  }
0x2f4: {  	_ =	swait.ge [sflag:s20], $0x800  }
0x2f5: {  	[sflag:s20] =	ssyncset.done $0x0  }
0x2f6: {  	[sflag:s20] =	ssyncadd.s32 $0xFFFFF800  }
0x2f7: {  	_ =	sfence.sel $0x180000  }
0x2f8: {  	[bflag:$0x0] =	sbarrier.arrive $0xFFFF  }
0x2f9: {  	p0 =	sne.s32 s2, $0x0;
	_ =	strace $0x9000004D  }
0x2fa: {  	s0 =	sadd.s32 @!p0 $0x100000, s0;
	[bflag:$0x2] =	sbarrier.arrive $0xFFFF  }
0x2fb: {  	[sflag:s0] =	ssyncadd.tile.s32 @!p0 $0x1;
	_ =	shalt  }
.Lfunc_end2:
_tile_overlayer_lowered:
.L_overlay_start_2:
0x2fc: {  	(tag) =	ssettag $0x2  }
0x2fd: {  	s0 =	rddreg [dreg:$0x0];
	s2 =	stileid.u32  }
0x2fe: {  	s1 =	rddreg [dreg:$0x1];
	p0 =	sne.s32 s2, $0x0  }
0x2ff: {  	s3 =	rddreg [dreg:$0x2];
	[bflag:$0x3] =	sbarrier.arrive $0xFFFF;
	s2 =	simm.s32 @!p0 $0x1C04  }
0x300: {  	[timem:s3], [sflag:s2] =	dma.local @!p0 [hbm:s0], s1  }
0x301: {  	s0 =	simm.s32 @!p0 $0x4  }
0x302: {  	_ =	swait.ge @!p0 [sflag:s0], s1  }
0x303: {  	s1 =	ssub.s32 @!p0 $0x0, s1;
	[sflag:s0] =	ssyncset.done @!p0 $0x0  }
0x304: {  	[sflag:s0] =	ssyncadd.s32 @!p0 s1  }
0x305: {  	[bflag:$0x3] =	sbarrier.arrive $0xFFFF  }
0x306: {  	_ =	shalt  }

// kernel: sparse-core-data-format-call.1.cloned.1.call-start
scs
called_computation.1_lowered:
.L_overlay_start_0:
0x0: {  	s2 =	sld [smem:$0x3FD9]  }
0x1: {  	s3 =	sld [smem:$0x3FFE];
	_ =	sdelay $0x1  }
0x2: {  	s1 =	srdreg.scid  }
0x3: {  	s0 =	sand.u32 $0x1, s1  }
0x4: {  	s18 =	sshll.u32 s0, $0xA;
	s2 =	sadd.s32 s3, s2  }
0x5: {  	s2 =	sadd.s32 s2, s18  }
0x6: {  	[smem:$0x3FC3] =	sst s2  }
0x7: {  	_ = 	snop  }
0x8: {  	s2 =	sld [smem:$0x3FC9];
	(tm) =	ssettm $0x1  }
0x9: {  	s19 =	sld [smem:$0x3FFB];
	_ =	sdelay $0x3  }
0xa: {  	_ =	strace s19  }
0xb: {  	s3 =	sld [smem:$0x3FFC];
	_ =	sdelay $0x3  }
0xc: {  	_ =	strace s3  }
0xd: {  	s3 =	sld [smem:$0x3FFD];
	_ =	sdelay $0x3  }
0xe: {  	_ =	strace s3  }
0xf: {  	_ =	strace $0x8FFFFFFF  }
0x10: {  	s20 =	sld [smem:$0x3FDB];
	_ =	sdelay $0x1  }
0x11: {  	s4 =	simm.s32 $_scs_section_size  }
0x12: {  	s5 =	simm.s32 $_size__tile_overlayer_lowered;
	s6 =	simm.s32 $_tile_overlayer_lowered  }
0x13: {  	s23 =	simm.s32 $0x1BFF;
	s22 =	sshll.u32 s6, $0x1;
	s3 =	sadd.s32 s4, s20  }
0x14: {  	s7 =	simm.s32 $0x0;
	s21 =	sshll.u32 s5, $0x1;
	s5 =	sadd.s32 s22, s3  }
0x15: {  	[timem:s7], [sflag:s23] =	dma.local [hbm:s5], s21  }
0x16: {  	_ =	swait.ge [sflag:s23], s21  }
0x17: {  	s4 =	ssub.s32 $0x0, s21;
	[sflag:s23] =	ssyncset.done $0x0  }
0x18: {  	[sflag:s23] =	ssyncadd.s32 s4;
	_ =	sdelay $0x1  }
0x19: {  	s24 =	simm.s32 $0x1B8B  }
0x1a: {  	_ =	swait.ge [sflag:s24], $0x1  }
0x1b: {  	[sflag:s24] =	ssyncset.done $0x0  }
0x1c: {  	s26 =	simm.s32 $0x1B8E;
	s25 =	sld [smem:$0x3FFE];
	[sflag:s24] =	ssyncadd.s32 $0xFFFFFFFF  }
0x1d: {  	s27 =	simm.s32 $execute0_lowered;
	[smem:$0x3FD2] =	sst s26  }
0x1e: {  	s5 =	sshll.u32 s27, $0x1;
	_ =	strace $0x80000046;
	[dreg:$0x1] =	wrdreg $0xFFFFFFFF  }
0x1f: {  	s28 =	simm.s32 $_size_execute0_lowered;
	s3 =	sadd.s32 s3, s5;
	[dreg:$0x0] =	wrdreg $0x0  }
0x20: {  	s5 =	sshll.u32 s28, $0x1;
	[dreg:$0x2] =	wrdreg s3  }
0x21: {  	[dreg:$0x3] =	wrdreg s5  }
0x22: {  	[dreg:$0x4] =	wrdreg $0xC0  }
0x23: {  	_ =	task [dreg:s7], $0x5FFFF  }
0x24: {  	[dreg:$0x1] =	wrdreg $0xFFFFFFFF  }
0x25: {  	[dreg:$0x0] =	wrdreg $0x60  }
0x26: {  	[dreg:$0x2] =	wrdreg s2  }
0x27: {  	[dreg:$0x3] =	wrdreg s25  }
0x28: {  	[dreg:$0x4] =	wrdreg $0xA  }
0x29: {  	_ =	task.clear_ibuf [dreg:s7], $0x5FFFF;
	_ =	strace $0x90000046  }
0x2a: {  	s29 =	simm.s32 $0xA;
	_ =	strace $0x80000048  }
0x2b: {  	_ =	swait.ge [sflag:s29], $0x1  }
0x2c: {  	[sflag:s29] =	ssyncadd.s32 $0xFFFFFFFF  }
0x2d: {  	_ =	strace $0x90000048  }
0x2e: {  	_ =	sfence  }
0x2f: {  	s30 =	sld [smem:$0x0];
	_ =	sdelay $0x2  }
0x30: {  	s31 =	sshll.u32 s1, $0xD;
	s1 =	sshrl.u32 s1, $0x2  }
0x31: {  	s3 =	sand.u32 $0x4000, s31;
	s1 =	sadd.s32 s1, s30  }
0x32: {  	s0 =	sor.u32 s3, s0;
	s1 =	sshll.u32 s1, $0x11  }
0x33: {  	s0 =	sor.u32 s1, s0  }
0x34: {  	s0 =	sadd.s32 $0x8F2B, s0  }
0x35: {  	[sflag:s0] =	ssyncadd.remote.s32 $0x1  }
0x36: {  	_ =	sfence.sel $0xFFFF  }
0x37: {  	[dreg:$0x0] =	wrdreg $0xFFFFFFFF;
	(pc) =	sbr.abs _section_cstart, $3  }
0x38: {  	[dreg:$0x1] =	wrdreg $0xFFFFFFFF  }
0x39: {  	_ =	task.clear_ibuf [dreg:s7], $0x2FFFF;
	_ =	strace $0x9FFFFFFF  }
0x3a: {  	(tm) =	ssettm $0x7FFFFFFF  }
0x3b: {  	_ =	shalt  }
tec
execute0_lowered:
.L_overlay_start_1:
0x0: {  	(tag) =	ssettag $0x1  }
0x1: {  	s0 =	srdreg.scid  }
0x2: {  	s1 =	sshll.u32 s0, $0x4  }
0x3: {  	s2 =	rddreg [dreg:$0x0];
	s0 =	stileid.u32;
	s1 =	sand.u32 $0x10, s1  }
0x4: {  	s4 =	rddreg [dreg:$0x1];
	s7 =	simm.s32 $0x1;
	s1 =	sor.u32 s0, s1  }
0x5: {  	s8 =	simm.s32 $0x2;
	s9 =	simm.s32 $0x0;
	s3 =	sshll.u32 s1, $0x3  }
0x6: {  	s12 =	simm.s32 $0x0;
	s11 =	simm.s32 $0x0;
	s6 =	ssub.s32 $0x2000, s3  }
.Ltmp0:
0x7: {  	s4 =	sadd.s32 $0x1200, s4;
	s5 =	sand.u32 $0xF8, s6;
	(pc) =	sbr.rel .LBB1_1-.Ltmp0, $4  }
0x8: {  	s1 =	rddreg [dreg:$0x2];
	_ =	strace $0x80000047;
	p0 =	sne.s32 s5, $0x0  }
0x9: {  	s6 =	sshrl.u32 s6, $0x8;
	s5 =	simm.s32 $0x1;
	s7 =	simm.s32 @!p0 $0x0  }
0xa: {  	s10 =	smov.u32 s3;
	[sflag:s5] =	ssyncpa.u1 $0x0;
	s6 =	sadd.s32 s7, s6  }
0xb: {  	[sflag:s8] =	ssyncpa.u1 $0x0;
	s8 =	simm.s32 $0x0;
	s7 =	sadd.s32 $0x1, s6  }
.LBB1_9:
0xc: {  	s14 =	sadd.s32 $0x100, s10  }
0xd: {  	p1 =	sgt.s32 s14, $0x1FFF  }
0xe: {  	s14 =	smov.u32 @p1 s3;
	p1 =	sne.s32 s11, s7  }
.Ltmp1:
0xf: {  	p0 =	slt.u32 s11, $0x2;
	(pc) =	sbr.rel @!p1 .LBB1_10-.Ltmp1, $4  }
0x10: {  	s13 =	simm.s32 @!p0 $0x2  }
0x11: {  	s15 =	sadd.s32 $0x1, s11;
	_ =	swait.ge @!p0 [sflag:s13], $0x4000  }
0x12: {  	s12 =	smov.u32 s10;
	s9 =	sadd.s32 $0x4000, s9;
	[sflag:s13] =	ssyncset.done @!p0 $0x0  }
0x13: {  	s11 =	smov.u32 s15;
	s10 =	smov.u32 s14;
	[sflag:s13] =	ssyncadd.s32 @!p0 $0xFFFFC000  }
.LBB1_1:
0x14: {  	p0 =	sge.u32 s11, s6  }
0x15: {  	s13 =	sxor.u32 @!p0 $0xFFFFFFFF, s11  }
0x16: {  	s31 =	sadd.s32 $0xFFFFFFFF, s11;
	s14 =	sshll.u32 @!p0 s10, $0x8;
	s13 =	sshll.u32 @!p0 s13, $0xE  }
0x17: {  	s15 =	simm.s32 @!p0 $0x0;
	s14 =	sadd.s32 @!p0 s2, s14;
	s13 =	sand.u32 @!p0 $0x4000, s13  }
0x18: {  	[tilespmem:s13], [sflag:$0x1] =	stream.linear.gather @!p0 [hbm4b:s14+s15], $0x4000, $0x38;
	[tilespmem:$0x10000] =	vst v63  }
0x19: {  	p0 =	sge.u32 s31, s6  }
.Ltmp2:
0x1a: {  	_ = 	snop;
	(pc) =	sbr.rel @p0 .LBB1_9-.Ltmp2, $1  }
0x1b: {  	_ =	sdelay $0x3  }
0x1c: {  	s13 =	sshll.u32 s9, $0x2;
	_ =	swait.ge [sflag:s5], $0x4000;
	s14 =	sshll.u32 s11, $0xE  }
0x1d: {  	s16 =	simm.s32 $0x0;
	s17 =	simm.s32 $0x0;
	s15 =	sand.u32 $0x10000, s13  }
0x1e: {  	[sflag:s5] =	ssyncset.done $0x0;
	s31 =	sand.u32 $0x4000, s14;
	s14 =	sshrl.u32 s15, $0x2  }
0x1f: {  	[sflag:s5] =	ssyncadd.s32 $0xFFFFC000;
	s13 =	sor.u32 $0x8000, s31;
	s15 =	sor.u32 $0x8000, s14  }
.LBB1_3:
0x20: {  	s18 =	sshra.s32 s16, $0x2  }
0x21: {  	v0 =	vmov s18;
	_ =	sdelay $0x3  }
0x22: {  	p1 =	por $0x1, $0x1;
	s18 =	simm.s32 $0x0  }
.LBB1_4:
0x23: {  	_ = 	snop  }
0x24: {  	s19 =	sshll.u32 s18, $0xA  }
0x25: {  	s19 =	sand.u32 $0x3FFFFC00, s19  }
0x26: {  	s19 =	sadd.s32 s19, s14  }
0x27: {  	v5 =	vld.idx.msk [tilespmem:v0+s19+$0x70 ss:$0x1], $0xffff  }
0x28: {  	v6 =	vld.idx.msk [tilespmem:v0+s19+$0x10 ss:$0x1], $0xffff  }
0x29: {  	v7 =	vld.idx.msk [tilespmem:v0+s19+$0x20 ss:$0x1], $0xffff  }
0x2a: {  	s31 =	sshll.u32 s18, $0x7;
	v1 =	vld.idx.msk [tilespmem:v0+s19+$0x30 ss:$0x1], $0xffff  }
0x2b: {  	s18 =	sand.u32 $0x3FFFFF80, s31;
	v2 =	vld.idx.msk [tilespmem:v0+s19+$0x40 ss:$0x1], $0xffff  }
0x2c: {  	s18 =	sadd.s32 s18, s15;
	v3 =	vld.idx.msk [tilespmem:v0+s19+$0x50 ss:$0x1], $0xffff  }
0x2d: {  	v4 =	vld.idx.msk [tilespmem:v0+s19+$0x60 ss:$0x1], $0xffff;
	[tilespmem:v0+s18+$0x70 ss:$0x1] =	vst.idx.msk $0xffff, v5  }
0x2e: {  	v5 =	vld.idx.msk [tilespmem:v0+s19+$0x0 ss:$0x1], $0xffff;
	[tilespmem:v0+s18+$0x10 ss:$0x1] =	vst.idx.msk $0xffff, v6;
	s19 =	sadd.s32 $0x80, s19  }
0x2f: {  	p0 =	por p1, p1;
	s20 =	simm.s32 $0x6;
	[tilespmem:v0+s18+$0x20 ss:$0x1] =	vst.idx.msk $0xffff, v7;
	v6 =	vld.idx.msk [tilespmem:v0+s19+$0x70 ss:$0x1], $0xffff  }
.LBB1_5:
0x30: {  	p1 =	sne.s32 s20, $0x1;
	v7 =	vld.idx.msk [tilespmem:v0+s19+$0x10 ss:$0x1], $0xffff;
	[tilespmem:v0+s18+$0x30 ss:$0x1] =	vst.idx.msk $0xffff, v1  }
0x31: {  	v8 =	vld.idx.msk [tilespmem:v0+s19+$0x20 ss:$0x1], $0xffff;
	[tilespmem:v0+s18+$0x40 ss:$0x1] =	vst.idx.msk $0xffff, v2  }
0x32: {  	v1 =	vld.idx.msk [tilespmem:v0+s19+$0x30 ss:$0x1], $0xffff;
	[tilespmem:v0+s18+$0x50 ss:$0x1] =	vst.idx.msk $0xffff, v3  }
.Ltmp3:
0x33: {  	v2 =	vld.idx.msk [tilespmem:v0+s19+$0x40 ss:$0x1], $0xffff;
	[tilespmem:v0+s18+$0x60 ss:$0x1] =	vst.idx.msk $0xffff, v4;
	(pc) =	sbr.rel @p1 .LBB1_5-.Ltmp3, $4  }
0x34: {  	v3 =	vld.idx.msk [tilespmem:v0+s19+$0x50 ss:$0x1], $0xffff;
	[tilespmem:v0+s18+$0x0 ss:$0x1] =	vst.idx.msk $0xffff, v5;
	s18 =	sadd.s32 $0x100, s18  }
0x35: {  	v4 =	vld.idx.msk [tilespmem:v0+s19+$0x60 ss:$0x1], $0xffff;
	[tilespmem:v0+s18+$0x70 ss:$0x1] =	vst.idx.msk $0xffff, v6  }
0x36: {  	v5 =	vld.idx.msk [tilespmem:v0+s19+$0x0 ss:$0x1], $0xffff;
	[tilespmem:v0+s18+$0x10 ss:$0x1] =	vst.idx.msk $0xffff, v7;
	s19 =	sadd.s32 $0x80, s19  }
0x37: {  	s20 =	sadd.s32 $0xFFFFFFFF, s20;
	v6 =	vld.idx.msk [tilespmem:v0+s19+$0x70 ss:$0x1], $0xffff;
	[tilespmem:v0+s18+$0x20 ss:$0x1] =	vst.idx.msk $0xffff, v8  }
0x38: {  	_ =	sdelay $0x3  }
0x39: {  	[tilespmem:v0+s18+$0x30 ss:$0x1] =	vst.idx.msk $0xffff, v1  }
0x3a: {  	v1 =	vld.idx.msk [tilespmem:v0+s19+$0x10 ss:$0x1], $0xffff;
	[tilespmem:v0+s18+$0x40 ss:$0x1] =	vst.idx.msk $0xffff, v2  }
0x3b: {  	v2 =	vld.idx.msk [tilespmem:v0+s19+$0x20 ss:$0x1], $0xffff;
	[tilespmem:v0+s18+$0x50 ss:$0x1] =	vst.idx.msk $0xffff, v3  }
0x3c: {  	v61 =	vld.idx.msk [tilespmem:v0+s19+$0x40 ss:$0x1], $0xffff;
	[tilespmem:v0+s18+$0x60 ss:$0x1] =	vst.idx.msk $0xffff, v4  }
0x3d: {  	s31 =	sadd.s32 $0x100, s18;
	v62 =	vld.idx.msk [tilespmem:v0+s19+$0x50 ss:$0x1], $0xffff;
	[tilespmem:v0+s18+$0x0 ss:$0x1] =	vst.idx.msk $0xffff, v5  }
0x3e: {  	v63 =	vld.idx.msk [tilespmem:v0+s19+$0x60 ss:$0x1], $0xffff;
	[tilespmem:v0+s31+$0x70 ss:$0x1] =	vst.idx.msk $0xffff, v6  }
0x3f: {  	v3 =	vld.idx.msk [tilespmem:v0+s19+$0x30 ss:$0x1], $0xffff;
	[tilespmem:v0+s31+$0x10 ss:$0x1] =	vst.idx.msk $0xffff, v1  }
0x40: {  	v1 =	vld.idx.msk [tilespmem:v0+s19+$0x0 ss:$0x1], $0xffff;
	[tilespmem:v0+s31+$0x20 ss:$0x1] =	vst.idx.msk $0xffff, v2  }
.Ltmp4:
0x41: {  	[tilespmem:v0+s31+$0x40 ss:$0x1] =	vst.idx.msk $0xffff, v61;
	(pc) =	sbr.rel @p0 .LBB1_4-.Ltmp4, $4  }
0x42: {  	[tilespmem:v0+s31+$0x50 ss:$0x1] =	vst.idx.msk $0xffff, v62  }
0x43: {  	[tilespmem:v0+s31+$0x60 ss:$0x1] =	vst.idx.msk $0xffff, v63  }
0x44: {  	[tilespmem:v0+s31+$0x30 ss:$0x1] =	vst.idx.msk $0xffff, v3  }
0x45: {  	p1 =	por $0x0, $0x0;
	s18 =	simm.s32 $0x1;
	[tilespmem:v0+s31+$0x0 ss:$0x1] =	vst.idx.msk $0xffff, v1  }
0x46: {  	s17 =	sadd.s32 $0x1, s17  }
0x47: {  	p0 =	sne.s32 s17, $0x8  }
.Ltmp5:
0x48: {  	_ = 	snop;
	(pc) =	sbr.rel @p0 .LBB1_3-.Ltmp5, $2  }
0x49: {  	_ =	sdelay $0x2  }
0x4a: {  	s16 =	sadd.s32 $0x2000, s16  }
.Ltmp6:
0x4b: {  	(pc) =	sbr.rel .LBB1_9-.Ltmp6, $4  }
0x4c: {  	_ = 	snop  }
0x4d: {  	s12 =	sshll.u32 s12, $0x8  }
0x4e: {  	s12 =	sadd.s32 s4, s12  }
0x4f: {  	[hbm4b:s12+s8] =	stream.linear.scatter [tilespmem:s13], [sflag:$0x2], $0x4000, $0x38;
	[tilespmem:$0x10000] =	vst v63  }
.LBB1_10:
0x50: {  	_ =	sfence.sel $0x180000  }
0x51: {  	s2 =	simm.s32 $0x1;
	[bflag:$0x0] =	sbarrier.arrive $0xFFFF  }
0x52: {  	s31 =	simm.s32 $0x2;
	[sflag:s2] =	ssyncpa.u1 $0x1  }
0x53: {  	[sflag:s31] =	ssyncpa.u1 $0x1  }
0x54: {  	p0 =	sne.s32 s0, $0x0;
	_ =	strace $0x90000047  }
0x55: {  	s0 =	sadd.s32 @!p0 $0x100000, s1;
	[bflag:$0x2] =	sbarrier.arrive $0xFFFF  }
0x56: {  	[sflag:s0] =	ssyncadd.tile.s32 @!p0 $0x1;
	_ =	shalt  }
.Lfunc_end1:
_tile_overlayer_lowered:
.L_overlay_start_2:
0x57: {  	(tag) =	ssettag $0x2  }
0x58: {  	s0 =	rddreg [dreg:$0x0];
	s2 =	stileid.u32  }
0x59: {  	s1 =	rddreg [dreg:$0x1];
	p0 =	sne.s32 s2, $0x0  }
0x5a: {  	s3 =	rddreg [dreg:$0x2];
	[bflag:$0x3] =	sbarrier.arrive $0xFFFF;
	s2 =	simm.s32 @!p0 $0x1C01  }
0x5b: {  	[timem:s3], [sflag:s2] =	dma.local @!p0 [hbm:s0], s1  }
0x5c: {  	s0 =	simm.s32 @!p0 $0x1  }
0x5d: {  	_ =	swait.ge @!p0 [sflag:s0], s1  }
0x5e: {  	s1 =	ssub.s32 @!p0 $0x0, s1;
	[sflag:s0] =	ssyncset.done @!p0 $0x0  }
0x5f: {  	[sflag:s0] =	ssyncadd.s32 @!p0 s1  }
0x60: {  	[bflag:$0x3] =	sbarrier.arrive $0xFFFF  }
0x61: {  	_ =	shalt  }

// kernel: sparse-core-data-format-call.cloned.1.call-start
scs
called_computation_lowered:
.L_overlay_start_0:
0x0: {  	s2 =	sld [smem:$0x3FD9]  }
0x1: {  	s3 =	sld [smem:$0x3FFE];
	_ =	sdelay $0x1  }
0x2: {  	s1 =	srdreg.scid  }
0x3: {  	s0 =	sand.u32 $0x1, s1  }
0x4: {  	s18 =	sshll.u32 s0, $0xA;
	s2 =	sadd.s32 s3, s2  }
0x5: {  	s2 =	sadd.s32 s2, s18  }
0x6: {  	[smem:$0x3FC3] =	sst s2  }
0x7: {  	_ = 	snop  }
0x8: {  	s19 =	sld [smem:$0x3FC8];
	(tm) =	ssettm $0x1  }
0x9: {  	s20 =	sld [smem:$0x3FFB];
	_ =	sdelay $0x3  }
0xa: {  	_ =	strace s20  }
0xb: {  	s2 =	sld [smem:$0x3FFC];
	_ =	sdelay $0x3  }
0xc: {  	_ =	strace s2  }
0xd: {  	s2 =	sld [smem:$0x3FFD];
	_ =	sdelay $0x3  }
0xe: {  	_ =	strace s2  }
0xf: {  	_ =	strace $0x8FFFFFFF  }
0x10: {  	s21 =	sld [smem:$0x3FDB];
	_ =	sdelay $0x1  }
0x11: {  	s4 =	simm.s32 $_scs_section_size  }
0x12: {  	s5 =	simm.s32 $_size__tile_overlayer_lowered;
	s6 =	simm.s32 $_tile_overlayer_lowered  }
0x13: {  	s7 =	simm.s32 $0x1BFF;
	s22 =	sshll.u32 s6, $0x1;
	s4 =	sadd.s32 s4, s21  }
0x14: {  	s23 =	simm.s32 $0x0;
	s5 =	sshll.u32 s5, $0x1;
	s6 =	sadd.s32 s22, s4  }
0x15: {  	[timem:s23], [sflag:s7] =	dma.local [hbm:s6], s5  }
0x16: {  	_ =	swait.ge [sflag:s7], s5  }
0x17: {  	s5 =	ssub.s32 $0x0, s5;
	[sflag:s7] =	ssyncset.done $0x0  }
0x18: {  	[sflag:s7] =	ssyncadd.s32 s5;
	_ =	sdelay $0x1  }
0x19: {  	s24 =	simm.s32 $0x1B8B  }
0x1a: {  	_ =	swait.ge [sflag:s24], $0x1  }
0x1b: {  	[sflag:s24] =	ssyncset.done $0x0  }
0x1c: {  	[sflag:s24] =	ssyncadd.s32 $0xFFFFFFFF  }
0x1d: {  	s5 =	sld [smem:$0x0]  }
0x1e: {  	s6 =	sand.u32 $0xFFFFFFFE, s1  }
0x1f: {  	p0 =	sne.s32 s1, s6  }
0x20: {  	s6 =	sshll.u32 @p0 s6, $0xE  }
0x21: {  	s6 =	sadd.s32 @p0 $0x11B8D, s6;
	s7 =	sshll.u32 @p0 s5, $0x11  }
0x22: {  	s6 =	sor.u32 @p0 s7, s6  }
0x23: {  	[sflag:s6] =	ssyncadd.remote.s32 @p0 $0x1;
	_ =	sdelay $0x1  }
0x24: {  	s6 =	simm.s32 @p0 $0x1B8D  }
0x25: {  	_ =	swait.eq @p0 [sflag:s6], $0x1  }
0x26: {  	[sflag:s6] =	ssyncadd.s32 @p0 $0xFFFFFFFF  }
0x27: {  	s7 =	sshll.u32 @!p0 s1, $0xE  }
0x28: {  	s7 =	sor.u32 @!p0 $0x4000, s7;
	s6 =	simm.s32 @!p0 $0x1B8D  }
0x29: {  	s5 =	sshll.u32 @!p0 s5, $0x11;
	s7 =	sadd.s32 @!p0 $0x11B8D, s7;
	_ =	swait.eq @!p0 [sflag:s6], $0x1  }
0x2a: {  	s5 =	sor.u32 @!p0 s5, s7;
	[sflag:s6] =	ssyncadd.s32 @!p0 $0xFFFFFFFF  }
0x2b: {  	s26 =	simm.s32 $0x1B8E;
	s25 =	sld [smem:$0x3FFE];
	[sflag:s5] =	ssyncadd.remote.s32 @!p0 $0x1  }
0x2c: {  	s27 =	simm.s32 $execute0_lowered;
	[smem:$0x3FD2] =	sst s26  }
0x2d: {  	s6 =	sshll.u32 s27, $0x1;
	_ =	strace $0x80000049;
	[dreg:$0x1] =	wrdreg $0xFFFFFFFF  }
0x2e: {  	s28 =	simm.s32 $_size_execute0_lowered;
	s4 =	sadd.s32 s4, s6;
	[dreg:$0x0] =	wrdreg $0x0  }
0x2f: {  	s6 =	sshll.u32 s28, $0x1;
	[dreg:$0x2] =	wrdreg s4  }
0x30: {  	[dreg:$0x3] =	wrdreg s6  }
0x31: {  	[dreg:$0x4] =	wrdreg $0xC0  }
0x32: {  	_ =	task [dreg:s23], $0x5FFFF  }
0x33: {  	[dreg:$0x1] =	wrdreg $0xFFFFFFFF  }
0x34: {  	[dreg:$0x0] =	wrdreg $0x60  }
0x35: {  	[dreg:$0x2] =	wrdreg s19  }
0x36: {  	[dreg:$0x3] =	wrdreg s25  }
0x37: {  	[dreg:$0x4] =	wrdreg $0x9  }
0x38: {  	_ =	task.clear_ibuf [dreg:s23], $0x5FFFF;
	_ =	strace $0x90000049  }
0x39: {  	s29 =	simm.s32 $0x9;
	_ =	strace $0x8000004B  }
0x3a: {  	_ =	swait.ge [sflag:s29], $0x1  }
0x3b: {  	[sflag:s29] =	ssyncadd.s32 $0xFFFFFFFF  }
0x3c: {  	_ =	strace $0x9000004B  }
0x3d: {  	_ =	sfence  }
0x3e: {  	s30 =	sld [smem:$0x0];
	_ =	sdelay $0x2  }
0x3f: {  	s31 =	sshll.u32 s1, $0xD;
	s1 =	sshrl.u32 s1, $0x2  }
0x40: {  	s4 =	sand.u32 $0x4000, s31;
	s1 =	sadd.s32 s1, s30  }
0x41: {  	s0 =	sor.u32 s4, s0;
	s1 =	sshll.u32 s1, $0x11  }
0x42: {  	s0 =	sor.u32 s1, s0  }
0x43: {  	s0 =	sadd.s32 $0x8F2B, s0  }
0x44: {  	[sflag:s0] =	ssyncadd.remote.s32 $0x1  }
0x45: {  	_ =	sfence.sel $0xFFFF  }
0x46: {  	[dreg:$0x0] =	wrdreg $0xFFFFFFFF;
	(pc) =	sbr.abs _section_cstart, $3  }
0x47: {  	[dreg:$0x1] =	wrdreg $0xFFFFFFFF  }
0x48: {  	_ =	task.clear_ibuf [dreg:s23], $0x2FFFF;
	_ =	strace $0x9FFFFFFF  }
0x49: {  	(tm) =	ssettm $0x7FFFFFFF  }
tec
execute0_lowered:
.L_overlay_start_1:
0x0: {  	(tag) =	ssettag $0x1  }
0x1: {  	s0 =	srdreg.scid  }
0x2: {  	s1 =	sshll.u32 s0, $0x4  }
0x3: {  	s2 =	rddreg [dreg:$0x0];
	s0 =	stileid.u32;
	s1 =	sand.u32 $0x10, s1  }
0x4: {  	s4 =	rddreg [dreg:$0x1];
	s7 =	simm.s32 $0x1;
	s1 =	sor.u32 s0, s1  }
0x5: {  	s8 =	simm.s32 $0x2;
	s9 =	simm.s32 $0x0;
	s3 =	sshll.u32 s1, $0x3  }
0x6: {  	s12 =	simm.s32 $0x0;
	s11 =	simm.s32 $0x0;
	s6 =	ssub.s32 $0x2000, s3  }
.Ltmp0:
0x7: {  	s4 =	sadd.s32 $0x201200, s4;
	s5 =	sand.u32 $0xF8, s6;
	(pc) =	sbr.rel .LBB1_1-.Ltmp0, $4  }
0x8: {  	s1 =	rddreg [dreg:$0x2];
	_ =	strace $0x8000004A;
	p0 =	sne.s32 s5, $0x0  }
0x9: {  	s6 =	sshrl.u32 s6, $0x8;
	s5 =	simm.s32 $0x1;
	s7 =	simm.s32 @!p0 $0x0  }
0xa: {  	s10 =	smov.u32 s3;
	[sflag:s5] =	ssyncpa.u1 $0x0;
	s6 =	sadd.s32 s7, s6  }
0xb: {  	[sflag:s8] =	ssyncpa.u1 $0x0;
	s8 =	simm.s32 $0x0;
	s7 =	sadd.s32 $0x1, s6  }
.LBB1_9:
0xc: {  	s14 =	sadd.s32 $0x100, s10  }
0xd: {  	p1 =	sgt.s32 s14, $0x1FFF  }
0xe: {  	s14 =	smov.u32 @p1 s3;
	p1 =	sne.s32 s11, s7  }
.Ltmp1:
0xf: {  	p0 =	slt.u32 s11, $0x2;
	(pc) =	sbr.rel @!p1 .LBB1_10-.Ltmp1, $4  }
0x10: {  	s13 =	simm.s32 @!p0 $0x2  }
0x11: {  	s15 =	sadd.s32 $0x1, s11;
	_ =	swait.ge @!p0 [sflag:s13], $0x4000  }
0x12: {  	s12 =	smov.u32 s10;
	s9 =	sadd.s32 $0x4000, s9;
	[sflag:s13] =	ssyncset.done @!p0 $0x0  }
0x13: {  	s11 =	smov.u32 s15;
	s10 =	smov.u32 s14;
	[sflag:s13] =	ssyncadd.s32 @!p0 $0xFFFFC000  }
.LBB1_1:
0x14: {  	p0 =	sge.u32 s11, s6  }
0x15: {  	s13 =	sxor.u32 @!p0 $0xFFFFFFFF, s11  }
0x16: {  	s31 =	sadd.s32 $0xFFFFFFFF, s11;
	s14 =	sshll.u32 @!p0 s10, $0x8;
	s13 =	sshll.u32 @!p0 s13, $0xE  }
0x17: {  	s15 =	simm.s32 @!p0 $0x0;
	s14 =	sadd.s32 @!p0 s2, s14;
	s13 =	sand.u32 @!p0 $0x4000, s13  }
0x18: {  	[tilespmem:s13], [sflag:$0x1] =	stream.linear.gather @!p0 [hbm4b:s14+s15], $0x4000, $0x38;
	[tilespmem:$0x10000] =	vst v63  }
0x19: {  	p0 =	sge.u32 s31, s6  }
.Ltmp2:
0x1a: {  	_ = 	snop;
	(pc) =	sbr.rel @p0 .LBB1_9-.Ltmp2, $1  }
0x1b: {  	_ =	sdelay $0x3  }
0x1c: {  	s13 =	sshll.u32 s9, $0x2;
	_ =	swait.ge [sflag:s5], $0x4000;
	s14 =	sshll.u32 s11, $0xE  }
0x1d: {  	s16 =	simm.s32 $0x0;
	s17 =	simm.s32 $0x0;
	s15 =	sand.u32 $0x10000, s13  }
0x1e: {  	[sflag:s5] =	ssyncset.done $0x0;
	s31 =	sand.u32 $0x4000, s14;
	s14 =	sshrl.u32 s15, $0x2  }
0x1f: {  	[sflag:s5] =	ssyncadd.s32 $0xFFFFC000;
	s13 =	sor.u32 $0x8000, s31;
	s15 =	sor.u32 $0x8000, s14  }
.LBB1_3:
0x20: {  	s18 =	sshra.s32 s16, $0x2  }
0x21: {  	v0 =	vmov s18;
	_ =	sdelay $0x3  }
0x22: {  	p1 =	por $0x1, $0x1;
	s18 =	simm.s32 $0x0  }
.LBB1_4:
0x23: {  	_ = 	snop  }
0x24: {  	s19 =	sshll.u32 s18, $0xA  }
0x25: {  	s19 =	sand.u32 $0x3FFFFC00, s19  }
0x26: {  	s19 =	sadd.s32 s19, s14  }
0x27: {  	v5 =	vld.idx.msk [tilespmem:v0+s19+$0x70 ss:$0x1], $0xffff  }
0x28: {  	v6 =	vld.idx.msk [tilespmem:v0+s19+$0x10 ss:$0x1], $0xffff  }
0x29: {  	v7 =	vld.idx.msk [tilespmem:v0+s19+$0x20 ss:$0x1], $0xffff  }
0x2a: {  	s31 =	sshll.u32 s18, $0x7;
	v1 =	vld.idx.msk [tilespmem:v0+s19+$0x30 ss:$0x1], $0xffff  }
0x2b: {  	s18 =	sand.u32 $0x3FFFFF80, s31;
	v2 =	vld.idx.msk [tilespmem:v0+s19+$0x40 ss:$0x1], $0xffff  }
0x2c: {  	s18 =	sadd.s32 s18, s15;
	v3 =	vld.idx.msk [tilespmem:v0+s19+$0x50 ss:$0x1], $0xffff  }
0x2d: {  	v4 =	vld.idx.msk [tilespmem:v0+s19+$0x60 ss:$0x1], $0xffff;
	[tilespmem:v0+s18+$0x70 ss:$0x1] =	vst.idx.msk $0xffff, v5  }
0x2e: {  	v5 =	vld.idx.msk [tilespmem:v0+s19+$0x0 ss:$0x1], $0xffff;
	[tilespmem:v0+s18+$0x10 ss:$0x1] =	vst.idx.msk $0xffff, v6;
	s19 =	sadd.s32 $0x80, s19  }
0x2f: {  	p0 =	por p1, p1;
	s20 =	simm.s32 $0x6;
	[tilespmem:v0+s18+$0x20 ss:$0x1] =	vst.idx.msk $0xffff, v7;
	v6 =	vld.idx.msk [tilespmem:v0+s19+$0x70 ss:$0x1], $0xffff  }
.LBB1_5:
0x30: {  	p1 =	sne.s32 s20, $0x1;
	v7 =	vld.idx.msk [tilespmem:v0+s19+$0x10 ss:$0x1], $0xffff;
	[tilespmem:v0+s18+$0x30 ss:$0x1] =	vst.idx.msk $0xffff, v1  }
0x31: {  	v8 =	vld.idx.msk [tilespmem:v0+s19+$0x20 ss:$0x1], $0xffff;
	[tilespmem:v0+s18+$0x40 ss:$0x1] =	vst.idx.msk $0xffff, v2  }
0x32: {  	v1 =	vld.idx.msk [tilespmem:v0+s19+$0x30 ss:$0x1], $0xffff;
	[tilespmem:v0+s18+$0x50 ss:$0x1] =	vst.idx.msk $0xffff, v3  }
.Ltmp3:
0x33: {  	v2 =	vld.idx.msk [tilespmem:v0+s19+$0x40 ss:$0x1], $0xffff;
	[tilespmem:v0+s18+$0x60 ss:$0x1] =	vst.idx.msk $0xffff, v4;
	(pc) =	sbr.rel @p1 .LBB1_5-.Ltmp3, $4  }
0x34: {  	v3 =	vld.idx.msk [tilespmem:v0+s19+$0x50 ss:$0x1], $0xffff;
	[tilespmem:v0+s18+$0x0 ss:$0x1] =	vst.idx.msk $0xffff, v5;
	s18 =	sadd.s32 $0x100, s18  }
0x35: {  	v4 =	vld.idx.msk [tilespmem:v0+s19+$0x60 ss:$0x1], $0xffff;
	[tilespmem:v0+s18+$0x70 ss:$0x1] =	vst.idx.msk $0xffff, v6  }
0x36: {  	v5 =	vld.idx.msk [tilespmem:v0+s19+$0x0 ss:$0x1], $0xffff;
	[tilespmem:v0+s18+$0x10 ss:$0x1] =	vst.idx.msk $0xffff, v7;
	s19 =	sadd.s32 $0x80, s19  }
0x37: {  	s20 =	sadd.s32 $0xFFFFFFFF, s20;
	v6 =	vld.idx.msk [tilespmem:v0+s19+$0x70 ss:$0x1], $0xffff;
	[tilespmem:v0+s18+$0x20 ss:$0x1] =	vst.idx.msk $0xffff, v8  }
0x38: {  	_ =	sdelay $0x3  }
0x39: {  	[tilespmem:v0+s18+$0x30 ss:$0x1] =	vst.idx.msk $0xffff, v1  }
0x3a: {  	v1 =	vld.idx.msk [tilespmem:v0+s19+$0x10 ss:$0x1], $0xffff;
	[tilespmem:v0+s18+$0x40 ss:$0x1] =	vst.idx.msk $0xffff, v2  }
0x3b: {  	v2 =	vld.idx.msk [tilespmem:v0+s19+$0x20 ss:$0x1], $0xffff;
	[tilespmem:v0+s18+$0x50 ss:$0x1] =	vst.idx.msk $0xffff, v3  }
0x3c: {  	v61 =	vld.idx.msk [tilespmem:v0+s19+$0x40 ss:$0x1], $0xffff;
	[tilespmem:v0+s18+$0x60 ss:$0x1] =	vst.idx.msk $0xffff, v4  }
0x3d: {  	s31 =	sadd.s32 $0x100, s18;
	v62 =	vld.idx.msk [tilespmem:v0+s19+$0x50 ss:$0x1], $0xffff;
	[tilespmem:v0+s18+$0x0 ss:$0x1] =	vst.idx.msk $0xffff, v5  }
0x3e: {  	v63 =	vld.idx.msk [tilespmem:v0+s19+$0x60 ss:$0x1], $0xffff;
	[tilespmem:v0+s31+$0x70 ss:$0x1] =	vst.idx.msk $0xffff, v6  }
0x3f: {  	v3 =	vld.idx.msk [tilespmem:v0+s19+$0x30 ss:$0x1], $0xffff;
	[tilespmem:v0+s31+$0x10 ss:$0x1] =	vst.idx.msk $0xffff, v1  }
0x40: {  	v1 =	vld.idx.msk [tilespmem:v0+s19+$0x0 ss:$0x1], $0xffff;
	[tilespmem:v0+s31+$0x20 ss:$0x1] =	vst.idx.msk $0xffff, v2  }
.Ltmp4:
0x41: {  	[tilespmem:v0+s31+$0x40 ss:$0x1] =	vst.idx.msk $0xffff, v61;
	(pc) =	sbr.rel @p0 .LBB1_4-.Ltmp4, $4  }
0x42: {  	[tilespmem:v0+s31+$0x50 ss:$0x1] =	vst.idx.msk $0xffff, v62  }
0x43: {  	[tilespmem:v0+s31+$0x60 ss:$0x1] =	vst.idx.msk $0xffff, v63  }
0x44: {  	[tilespmem:v0+s31+$0x30 ss:$0x1] =	vst.idx.msk $0xffff, v3  }
0x45: {  	p1 =	por $0x0, $0x0;
	s18 =	simm.s32 $0x1;
	[tilespmem:v0+s31+$0x0 ss:$0x1] =	vst.idx.msk $0xffff, v1  }
0x46: {  	s17 =	sadd.s32 $0x1, s17  }
0x47: {  	p0 =	sne.s32 s17, $0x8  }
.Ltmp5:
0x48: {  	_ = 	snop;
	(pc) =	sbr.rel @p0 .LBB1_3-.Ltmp5, $2  }
0x49: {  	_ =	sdelay $0x2  }
0x4a: {  	s16 =	sadd.s32 $0x2000, s16  }
.Ltmp6:
0x4b: {  	(pc) =	sbr.rel .LBB1_9-.Ltmp6, $4  }
0x4c: {  	_ = 	snop  }
0x4d: {  	s12 =	sshll.u32 s12, $0x8  }
0x4e: {  	s12 =	sadd.s32 s4, s12  }
0x4f: {  	[hbm4b:s12+s8] =	stream.linear.scatter [tilespmem:s13], [sflag:$0x2], $0x4000, $0x38;
	[tilespmem:$0x10000] =	vst v63  }
.LBB1_10:
0x50: {  	_ =	sfence.sel $0x180000  }
0x51: {  	s2 =	simm.s32 $0x1;
	[bflag:$0x0] =	sbarrier.arrive $0xFFFF  }
0x52: {  	s31 =	simm.s32 $0x2;
	[sflag:s2] =	ssyncpa.u1 $0x1  }
0x53: {  	[sflag:s31] =	ssyncpa.u1 $0x1  }
0x54: {  	p0 =	sne.s32 s0, $0x0;
	_ =	strace $0x9000004A  }
0x55: {  	s0 =	sadd.s32 @!p0 $0x100000, s1;
	[bflag:$0x2] =	sbarrier.arrive $0xFFFF  }
0x56: {  	[sflag:s0] =	ssyncadd.tile.s32 @!p0 $0x1;
	_ =	shalt  }
.Lfunc_end1:
_tile_overlayer_lowered:
.L_overlay_start_2:
0x57: {  	(tag) =	ssettag $0x2  }
0x58: {  	s0 =	rddreg [dreg:$0x0];
	s2 =	stileid.u32  }
0x59: {  	s1 =	rddreg [dreg:$0x1];
	p0 =	sne.s32 s2, $0x0  }
0x5a: {  	s3 =	rddreg [dreg:$0x2];
	[bflag:$0x3] =	sbarrier.arrive $0xFFFF;
	s2 =	simm.s32 @!p0 $0x1C01  }
0x5b: {  	[timem:s3], [sflag:s2] =	dma.local @!p0 [hbm:s0], s1  }
0x5c: {  	s0 =	simm.s32 @!p0 $0x1  }
0x5d: {  	_ =	swait.ge @!p0 [sflag:s0], s1  }
0x5e: {  	s1 =	ssub.s32 @!p0 $0x0, s1;
	[sflag:s0] =	ssyncset.done @!p0 $0x0  }
0x5f: {  	[sflag:s0] =	ssyncadd.s32 @!p0 s1  }
0x60: {  	[bflag:$0x3] =	sbarrier.arrive $0xFFFF  }
0x61: {  	_ =	shalt  }

</sc_bundles>
